<compile_context>
chip_gen: v7x
topology: tpu7x:2x2x1
jax: 0.10.2.dev20260603
libtpu: 0.0.44.dev20260713+nightly
codegen_flags: <defaults>
</compile_context>

<pallas_src>
import functools

import jax
import jax.numpy as jnp
from jax import lax
from jax.experimental import pallas as pl
from jax.experimental.pallas import tpu as pltpu
from jax.experimental.pallas import tpu_sc as plsc

NC = 2
NS = 16
NW = NC * NS
CHUNK = 128
H = 3


def _tc_hlin(x, w, b, n_acc):
    n = x.shape[0]

    def body(x_ref, w_ref, b_ref, o_ref):
        res = lax.dot_general(w_ref[...], x_ref[...],
                              (((0,), (1,)), ((), ())),
                              preferred_element_type=jnp.float32) + b_ref[...]
        o_ref[...] = jnp.pad(res, ((0, 0), (0, n_acc - n)))

    return pl.pallas_call(
        body,
        out_shape=jax.ShapeDtypeStruct((H, n_acc), jnp.float32),
    )(x, w, b)


def _tc_scale(cnt, hlin_t):
    n_acc = hlin_t.shape[1]

    def body(c_ref, hl_ref, s_ref, dinv_ref):
        deg = c_ref[0, :] + c_ref[1, :] + 1.0
        dinv = lax.rsqrt(deg)
        dinv_ref[0, :] = dinv
        s_ref[...] = dinv[None, :] * hl_ref[...]

    return pl.pallas_call(
        body,
        out_shape=[
            jax.ShapeDtypeStruct((H, n_acc), jnp.float32),
            jax.ShapeDtypeStruct((1, n_acc), jnp.float32),
        ],
    )(cnt, hlin_t)


def _tc_out(ma0, ma1, ma2, dinv, hlin_t, w_out, b_out):
    n_acc = hlin_t.shape[1]
    c = w_out.shape[1]

    def body(ma0_ref, ma1_ref, ma2_ref, dv_ref, hl_ref, w_ref, b_ref,
             h_ref, z_ref):
        dinv = dv_ref[0, :]
        for l, ma in enumerate((ma0_ref, ma1_ref, ma2_ref)):
            m_l = ma[0, :] + ma[1, :]
            h_ref[l, :] = jnp.maximum(
                dinv * m_l + dinv * dinv * hl_ref[l, :], 0.0)
        z_ref[...] = (
            lax.dot_general(w_ref[...], h_ref[...],
                            (((0,), (0,)), ((), ())),
                            preferred_element_type=jnp.float32)
            + b_ref[...]
        )

    return pl.pallas_call(
        body,
        out_shape=[
            jax.ShapeDtypeStruct((H, n_acc), jnp.float32),
            jax.ShapeDtypeStruct((c, n_acc), jnp.float32),
        ],
    )(ma0, ma1, ma2, dinv, hlin_t, w_out, b_out)


def _worker_span(nchunks, r8):
    cid = lax.axis_index("c")
    sid = lax.axis_index("s")
    wid = cid * NS + sid
    start = wid * r8
    count = jnp.clip(nchunks - start, 0, r8)
    load_start = jnp.maximum(0, jnp.minimum(start, nchunks - r8))
    joff = start - load_start
    return cid, sid, count, load_start, joff


def _load_idx_rows(ei_hbm, dst2d, base, r8, sem):
    @pl.loop(0, r8, step=8)
    def _(k):
        for b in range(8):
            pltpu.async_copy(
                ei_hbm.at[pl.ds(base + (k + b) * CHUNK, CHUNK)],
                dst2d.at[k + b], sem)
        for b in range(8):
            pltpu.make_async_copy(
                ei_hbm.at[pl.ds(base + (k + b) * CHUNK, CHUNK)],
                dst2d.at[k + b], sem).wait()


def _sc_histogram(ei_flat, zeros_rows, ones_blk, n_acc, nchunks, r8, half):
    rows_per_sub = n_acc // NS
    mesh = plsc.VectorSubcoreMesh(core_axis_name="c", subcore_axis_name="s")

    @functools.partial(
        pl.kernel,
        out_type=[
            jax.ShapeDtypeStruct((NC, n_acc), jnp.float32),
            jax.ShapeDtypeStruct((NW * r8, CHUNK), jnp.int32),
        ],
        mesh=mesh,
        scratch_types=[
            pltpu.VMEM((r8, CHUNK), jnp.int32),
            pltpu.VMEM((CHUNK,), jnp.float32),
            pltpu.VMEM((rows_per_sub,), jnp.float32),
            pltpu.VMEM_SHARED((n_acc,), jnp.float32),
            pltpu.SemaphoreType.DMA,
        ],
    )
    def k(ei_hbm, zeros_hbm, ones_hbm, out_hbm, outc_hbm, cols_v, ones_v, zv,
          acc_sh, hsem):
        cid, sid, count, load_start, joff = _worker_span(nchunks, r8)
        wid = cid * NS + sid
        sl = pl.ds(sid * rows_per_sub, rows_per_sub)
        pltpu.sync_copy(zeros_hbm, zv)
        pltpu.sync_copy(zv, acc_sh.at[sl])
        pltpu.sync_copy(ones_hbm, ones_v)
        _load_idx_rows(ei_hbm, cols_v, half + load_start * CHUNK, r8, hsem)
        pltpu.sync_copy(cols_v, outc_hbm.at[pl.ds(wid * r8, r8)])
        plsc.subcore_barrier()

        @pl.loop(0, r8, step=8)
        def _(j):
            for b in range(8):
                @pl.when(j + b < count)
                def _():
                    pltpu.async_copy(ones_v, acc_sh.at[cols_v.at[j + b + joff]],
                                     hsem, add=True)
            for b in range(8):
                @pl.when(j + b < count)
                def _():
                    pltpu.make_async_copy(
                        ones_v, acc_sh.at[cols_v.at[j + b + joff]], hsem).wait()

        plsc.subcore_barrier()
        pltpu.sync_copy(acc_sh.at[sl], zv)
        pltpu.sync_copy(zv, out_hbm.at[cid].at[sl])

    return k(ei_flat, zeros_rows, ones_blk)


def _sc_messages(s0, s1, s2, ei_flat, cols2d, zeros_rows, n_acc, nchunks, r8):
    rows_per_sub = n_acc // NS
    mesh = plsc.VectorSubcoreMesh(core_axis_name="c", subcore_axis_name="s")

    @functools.partial(
        pl.kernel,
        out_type=[jax.ShapeDtypeStruct((NC, n_acc), jnp.float32)] * H,
        mesh=mesh,
        scratch_types=(
            [pltpu.VMEM((r8 * CHUNK,), jnp.int32),
             pltpu.VMEM((r8, CHUNK), jnp.int32)]
            + [pltpu.VMEM((CHUNK,), jnp.float32)] * 6
            + [pltpu.VMEM((rows_per_sub,), jnp.float32)]
            + [pltpu.VMEM_SHARED((n_acc,), jnp.float32)] * 3
            + [pltpu.VMEM_SHARED((n_acc,), jnp.float32)] * 3
            + [pltpu.SemaphoreType.DMA] * 4
        ),
    )
    def k(s0_hbm, s1_hbm, s2_hbm, ei_hbm, cols2d_hbm, zeros_hbm,
          out0_hbm, out1_hbm, out2_hbm,
          rows_v, cols_v, g00, g01, g02, g10, g11, g12, zv,
          tab0, tab1, tab2, acc0, acc1, acc2, gsem0, gsem1, ssem0, ssem1):
        outs = (out0_hbm, out1_hbm, out2_hbm)
        cid, sid, count, load_start, joff = _worker_span(nchunks, r8)
        wid = cid * NS + sid
        sl = pl.ds(sid * rows_per_sub, rows_per_sub)
        s_hbm = (s0_hbm, s1_hbm, s2_hbm)
        tabs = (tab0, tab1, tab2)
        accs = (acc0, acc1, acc2)
        bufs = ((g00, g01, g02), (g10, g11, g12))
        gsems = (gsem0, gsem1)
        ssems = (ssem0, ssem1)

        for l in range(H):
            pltpu.sync_copy(s_hbm[l].at[sl], zv)
            pltpu.sync_copy(zv, tabs[l].at[sl])
        pltpu.sync_copy(zeros_hbm, zv)
        for a in accs:
            pltpu.sync_copy(zv, a.at[sl])
        pltpu.sync_copy(ei_hbm.at[pl.ds(load_start * CHUNK, r8 * CHUNK)],
                        rows_v)
        pltpu.sync_copy(cols2d_hbm.at[pl.ds(wid * r8, r8)], cols_v)
        plsc.subcore_barrier()

        def ridx(j):
            return rows_v.at[pl.ds((j + joff) * CHUNK, CHUNK)]

        def start_g(j, b):
            for l in range(H):
                pltpu.async_copy(tabs[l].at[ridx(j)], bufs[b][l], gsems[b])

        def wait_g(j, b):
            for l in range(H):
                pltpu.make_async_copy(
                    tabs[l].at[ridx(j)], bufs[b][l], gsems[b]).wait()

        def start_s(j, b):
            for l in range(H):
                pltpu.async_copy(bufs[b][l], accs[l].at[cols_v.at[j + joff]],
                                 ssems[b], add=True)

        def wait_s(j, b):
            for l in range(H):
                pltpu.make_async_copy(
                    bufs[b][l], accs[l].at[cols_v.at[j + joff]],
                    ssems[b]).wait()

        @pl.when(0 < count)
        def _():
            start_g(0, 0)

        @pl.when(1 < count)
        def _():
            start_g(1, 1)

        @pl.loop(0, r8, step=2)
        def _(j):
            @pl.when(j < count)
            def _():
                wait_g(j, 0)
                start_s(j, 0)

            @pl.when(j + 1 < count)
            def _():
                wait_g(j + 1, 1)
                start_s(j + 1, 1)

            @pl.when(j + 2 < count)
            def _():
                wait_s(j, 0)
                start_g(j + 2, 0)

            @pl.when(j + 3 < count)
            def _():
                wait_s(j + 1, 1)
                start_g(j + 3, 1)

        for d in (2, 1):
            jt = count - d
            for b in range(2):
                @pl.when(jnp.logical_and(jt >= 0, jt % 2 == b))
                def _(jt=jt, b=b):
                    wait_s(jt, b)

        plsc.subcore_barrier()
        for l in range(H):
            pltpu.sync_copy(accs[l].at[sl], zv)
            pltpu.sync_copy(zv, outs[l].at[cid].at[sl])

    return k(s0, s1, s2, ei_flat, cols2d, zeros_rows)


def kernel(x, edge_index, W_gcn, b_gcn, W_out, b_out):
    n, d = x.shape
    e = edge_index.shape[1]

    n_acc = (n // (NS * 128) + 1) * (NS * 128)

    if e % CHUNK:
        pad = CHUNK - e % CHUNK
        row = jnp.concatenate([edge_index[0], jnp.zeros((pad,), jnp.int32)])
        col = jnp.concatenate([edge_index[1], jnp.full((pad,), n, jnp.int32)])
        ei_flat = jnp.concatenate([row, col])
    else:
        ei_flat = edge_index.reshape(-1)
    half = ei_flat.shape[0] // 2
    nchunks = half // CHUNK
    chunks_per_w = -(-nchunks // NW)
    r8 = -(-chunks_per_w // 8) * 8

    zeros_rows = jnp.zeros((n_acc // NS,), jnp.float32)
    ones_blk = jnp.ones((CHUNK,), jnp.float32)

    hlin_t = _tc_hlin(x, W_gcn, b_gcn.reshape(H, 1), n_acc)
    cnt, cols2d = _sc_histogram(ei_flat, zeros_rows, ones_blk, n_acc,
                                nchunks, r8, half)
    s_t, dinv = _tc_scale(cnt, hlin_t)
    ma0, ma1, ma2 = _sc_messages(s_t[0], s_t[1], s_t[2], ei_flat, cols2d,
                                 zeros_rows, n_acc, nchunks, r8)
    h_t, z_t = _tc_out(ma0, ma1, ma2, dinv, hlin_t,
                       W_out, b_out.reshape(-1, 1))
    return (h_t[:, :n].T, z_t[:, :n].T)

# --- scband reference (transcript-rebuilt; emitter-appended) ---
"""Pipeline reference for scband-gcn-38362647888479 (READ-ONLY COPY).

The authoritative reference and input builder live on the scoring server;
editing this copy changes nothing except your own understanding.
"""

import jax, jax.numpy as jnp
import numpy as np

N = 10000
E = 320000
D = 128
H = 3
C = 16

def setup_inputs(seed: int = 0) -> dict:
    key = jax.random.key(seed)
    k1, k2, k3, k4, k5, k6 = jax.random.split(key, 6)
    x = jax.random.normal(k1, (N, D), dtype=jnp.float32)
    edge_index = jax.random.randint(k2, (2, E), 0, N, dtype=jnp.int32)
    W_gcn = jax.random.normal(k3, (D, H), dtype=jnp.float32) * (1.0 / np.sqrt(D))
    b_gcn = jnp.zeros((H,), dtype=jnp.float32)
    W_out = jax.random.normal(k4, (H, C), dtype=jnp.float32) * (1.0 / np.sqrt(H))
    b_out = jnp.zeros((C,), dtype=jnp.float32)
    return {"x": x, "edge_index": edge_index, "W_gcn": W_gcn, "b_gcn": b_gcn, "W_out": W_out, "b_out": b_out}

def reference(x, edge_index, W_gcn, b_gcn, W_out, b_out):
    # GCNConv (PyG semantics): add self-loops, symmetric normalization D^-1/2 A D^-1/2
    row, col = edge_index[0], edge_index[1]
    loop = jnp.arange(N, dtype=edge_index.dtype)
    row = jnp.concatenate([row, loop])
    col = jnp.concatenate([col, loop])
    ones = jnp.ones(row.shape[0], dtype=jnp.float32)
    deg = jax.ops.segment_sum(ones, col, num_segments=N)
    deg_inv_sqrt = jnp.where(deg > 0, deg ** -0.5, 0.0)
    norm = deg_inv_sqrt[row] * deg_inv_sqrt[col]
    # linear transform first (GCNConv applies weight before propagation)
    h_lin = x @ W_gcn + b_gcn
    # gather messages from source nodes, scale, scatter-add into destination nodes
    msgs = h_lin[row] * norm[:, None]
    h = jax.ops.segment_sum(msgs, col, num_segments=N)
    h = jax.nn.relu(h)
    z = h @ W_out + b_out
    return (h, z)

if __name__ == "__main__":
    import jax
    _d = setup_inputs()
    print(jax.jit(kernel)(*tuple(_d.values())))

</pallas_src>

<mosaic_0001>
#map = affine_map<(d0, d1) -> (0)>
#map1 = affine_map<(d0, d1) -> (0, 0)>
module attributes {stable_mosaic.version = 14 : i64} {
  func.func @k(%arg0: i32, %arg1: i32, %arg2: memref<640000xi32, #tpu.memory_space<hbm>>, %arg3: memref<640xf32, #tpu.memory_space<hbm>>, %arg4: memref<128xf32, #tpu.memory_space<hbm>>, %arg5: memref<2x10240xf32, #tpu.memory_space<hbm>>, %arg6: memref<2560x128xi32, #tpu.memory_space<hbm>>, %arg7: memref<80x128xi32, #tpu.memory_space<vmem>>, %arg8: memref<128xf32, #tpu.memory_space<vmem>>, %arg9: memref<640xf32, #tpu.memory_space<vmem>>, %arg10: memref<10240xf32, #tpu.memory_space<vmem_shared>>, %arg11: memref<!tpu.dma_semaphore, #tpu.memory_space<semaphore_mem>>) attributes {dimension_semantics = [#tpu.dimension_semantics<core_parallel>, #tpu.dimension_semantics<subcore_parallel>], iteration_bounds = array<i64: 2, 16>, scalar_prefetch = 0 : i64, scratch_operands = 5 : i64, tpu.core_type = #tpu.core_type<sc_vector_subcore>, window_params = [{transform_indices = #map}, {transform_indices = #map}, {transform_indices = #map}, {transform_indices = #map1}, {transform_indices = #map1}]} {
    %mul3A = arith.constant 16 : i32
    %mul3A_0 = arith.muli %arg0, %mul3A : i32
    %add3A = arith.addi %mul3A_0, %arg1 : i32
    %mul3A_1 = arith.constant 80 : i32
    %mul3A_2 = arith.muli %add3A, %mul3A_1 : i32
    %sub3A = arith.constant 2500 : i32
    %sub3A_3 = arith.subi %sub3A, %mul3A_2 : i32
    %jit3A = arith.constant 0 : i32
    %jit3A_4 = arith.constant 80 : i32
    %max3A = arith.maxsi %jit3A, %sub3A_3 : i32
    %min3A = arith.minsi %jit3A_4, %max3A : i32
    %min3A_5 = arith.constant 2420 : i32
    %min3A_6 = arith.minsi %mul3A_2, %min3A_5 : i32
    %max3A_7 = arith.constant 0 : i32
    %max3A_8 = arith.maxsi %max3A_7, %min3A_6 : i32
    %sub3A_9 = arith.subi %mul3A_2, %max3A_8 : i32
    %mul3A_10 = arith.constant 16 : i32
    %mul3A_11 = arith.muli %arg0, %mul3A_10 : i32
    %add3A_12 = arith.addi %mul3A_11, %arg1 : i32
    %mul3A_13 = arith.constant 640 : i32
    %mul3A_14 = arith.muli %arg1, %mul3A_13 : i32
    "tpu.region"() ({
      %run_scoped3A = tpu.sem_alloc : memref<!tpu.dma_semaphore, #tpu.memory_space<semaphore_mem>>
      tpu.enqueue_dma source(%arg3 : memref<640xf32, #tpu.memory_space<hbm>>) target(%arg9 : memref<640xf32, #tpu.memory_space<vmem>>) target_semaphore(%run_scoped3A : memref<!tpu.dma_semaphore, #tpu.memory_space<semaphore_mem>>)
      tpu.wait_dma2 semaphore(%run_scoped3A : memref<!tpu.dma_semaphore, #tpu.memory_space<semaphore_mem>>) src(%arg3 : memref<640xf32, #tpu.memory_space<hbm>>) dst(%arg9 : memref<640xf32, #tpu.memory_space<vmem>>)
      tpu.yield
    }) : () -> ()
    "tpu.region"() ({
      %run_scoped3A = tpu.sem_alloc : memref<!tpu.dma_semaphore, #tpu.memory_space<semaphore_mem>>
      %dma_start3A = tpu.memref_slice %arg10[%mul3A_14] : memref<10240xf32, #tpu.memory_space<vmem_shared>> -> memref<640xf32, #tpu.memory_space<vmem_shared>>
      %dma_start3A_31 = tpu.memref_slice %arg10[%mul3A_14] : memref<10240xf32, #tpu.memory_space<vmem_shared>> -> memref<640xf32, #tpu.memory_space<vmem_shared>>
      tpu.enqueue_dma source(%arg9 : memref<640xf32, #tpu.memory_space<vmem>>) target(%dma_start3A_31 : memref<640xf32, #tpu.memory_space<vmem_shared>>) target_semaphore(%run_scoped3A : memref<!tpu.dma_semaphore, #tpu.memory_space<semaphore_mem>>)
      %dma_wait3A = tpu.memref_slice %arg10[%mul3A_14] : memref<10240xf32, #tpu.memory_space<vmem_shared>> -> memref<640xf32, #tpu.memory_space<vmem_shared>>
      %dma_wait3A_32 = tpu.memref_slice %arg10[%mul3A_14] : memref<10240xf32, #tpu.memory_space<vmem_shared>> -> memref<640xf32, #tpu.memory_space<vmem_shared>>
      tpu.wait_dma2 semaphore(%run_scoped3A : memref<!tpu.dma_semaphore, #tpu.memory_space<semaphore_mem>>) src(%arg9 : memref<640xf32, #tpu.memory_space<vmem>>) dst(%dma_wait3A_32 : memref<640xf32, #tpu.memory_space<vmem_shared>>)
      tpu.yield
    }) : () -> ()
    "tpu.region"() ({
      %run_scoped3A = tpu.sem_alloc : memref<!tpu.dma_semaphore, #tpu.memory_space<semaphore_mem>>
      tpu.enqueue_dma source(%arg4 : memref<128xf32, #tpu.memory_space<hbm>>) target(%arg8 : memref<128xf32, #tpu.memory_space<vmem>>) target_semaphore(%run_scoped3A : memref<!tpu.dma_semaphore, #tpu.memory_space<semaphore_mem>>)
      tpu.wait_dma2 semaphore(%run_scoped3A : memref<!tpu.dma_semaphore, #tpu.memory_space<semaphore_mem>>) src(%arg4 : memref<128xf32, #tpu.memory_space<hbm>>) dst(%arg8 : memref<128xf32, #tpu.memory_space<vmem>>)
      tpu.yield
    }) : () -> ()
    %mul3A_15 = arith.constant 128 : i32
    %mul3A_16 = arith.muli %max3A_8, %mul3A_15 : i32
    %add3A_17 = arith.constant 320000 : i32
    %add3A_18 = arith.addi %add3A_17, %mul3A_16 : i32
    %scan3A = arith.constant 0 : i32
    %scan3A_19 = arith.constant 10 : i32
    %scan3A_20 = arith.addi %scan3A, %scan3A_19 : i32
    %scan3A_21 = arith.constant 1 : i32
    scf.for %scan3A_31 = %scan3A to %scan3A_20 step %scan3A_21  : i32 {
      %mul3A_32 = arith.constant 8 : i32
      %mul3A_33 = arith.muli %scan3A_31, %mul3A_32 : i32
      %add3A_34 = arith.constant 0 : i32
      %add3A_35 = arith.addi %add3A_34, %mul3A_33 : i32
      %add3A_36 = arith.constant 0 : i32
      %add3A_37 = arith.addi %add3A_35, %add3A_36 : i32
      %mul3A_38 = arith.constant 128 : i32
      %mul3A_39 = arith.muli %add3A_37, %mul3A_38 : i32
      %add3A_40 = arith.addi %add3A_18, %mul3A_39 : i32
      %add3A_41 = arith.constant 0 : i32
      %add3A_42 = arith.addi %add3A_35, %add3A_41 : i32
      %dma_start3A = arith.constant 0 : i32
      %dma_start3A_43 = tpu.memref_slice %arg7[%add3A_42, %dma_start3A] : memref<80x128xi32, #tpu.memory_space<vmem>> -> memref<1x128xi32, #tpu.memory_space<vmem>>
      %dma_start3A_44 = tpu.memref_squeeze %dma_start3A_43 : memref<1x128xi32, #tpu.memory_space<vmem>> -> memref<128xi32, #tpu.memory_space<vmem>>
      %dma_start3A_45 = tpu.memref_slice %arg2[%add3A_40] : memref<640000xi32, #tpu.memory_space<hbm>> -> memref<128xi32, #tpu.memory_space<hbm>>
      %dma_start3A_46 = arith.constant 0 : i32
      %dma_start3A_47 = tpu.memref_slice %arg7[%add3A_42, %dma_start3A_46] : memref<80x128xi32, #tpu.memory_space<vmem>> -> memref<1x128xi32, #tpu.memory_space<vmem>>
      %dma_start3A_48 = tpu.memref_squeeze %dma_start3A_47 : memref<1x128xi32, #tpu.memory_space<vmem>> -> memref<128xi32, #tpu.memory_space<vmem>>
      %dma_start3A_49 = tpu.memref_slice %arg2[%add3A_40] : memref<640000xi32, #tpu.memory_space<hbm>> -> memref<128xi32, #tpu.memory_space<hbm>>
      tpu.enqueue_dma source(%dma_start3A_49 : memref<128xi32, #tpu.memory_space<hbm>>) target(%dma_start3A_48 : memref<128xi32, #tpu.memory_space<vmem>>) target_semaphore(%arg11 : memref<!tpu.dma_semaphore, #tpu.memory_space<semaphore_mem>>)
      %add3A_50 = arith.constant 1 : i32
      %add3A_51 = arith.addi %add3A_35, %add3A_50 : i32
      %mul3A_52 = arith.constant 128 : i32
      %mul3A_53 = arith.muli %add3A_51, %mul3A_52 : i32
      %add3A_54 = arith.addi %add3A_18, %mul3A_53 : i32
      %add3A_55 = arith.constant 1 : i32
      %add3A_56 = arith.addi %add3A_35, %add3A_55 : i32
      %dma_start3A_57 = arith.constant 0 : i32
      %dma_start3A_58 = tpu.memref_slice %arg7[%add3A_56, %dma_start3A_57] : memref<80x128xi32, #tpu.memory_space<vmem>> -> memref<1x128xi32, #tpu.memory_space<vmem>>
      %dma_start3A_59 = tpu.memref_squeeze %dma_start3A_58 : memref<1x128xi32, #tpu.memory_space<vmem>> -> memref<128xi32, #tpu.memory_space<vmem>>
      %dma_start3A_60 = tpu.memref_slice %arg2[%add3A_54] : memref<640000xi32, #tpu.memory_space<hbm>> -> memref<128xi32, #tpu.memory_space<hbm>>
      %dma_start3A_61 = arith.constant 0 : i32
      %dma_start3A_62 = tpu.memref_slice %arg7[%add3A_56, %dma_start3A_61] : memref<80x128xi32, #tpu.memory_space<vmem>> -> memref<1x128xi32, #tpu.memory_space<vmem>>
      %dma_start3A_63 = tpu.memref_squeeze %dma_start3A_62 : memref<1x128xi32, #tpu.memory_space<vmem>> -> memref<128xi32, #tpu.memory_space<vmem>>
      %dma_start3A_64 = tpu.memref_slice %arg2[%add3A_54] : memref<640000xi32, #tpu.memory_space<hbm>> -> memref<128xi32, #tpu.memory_space<hbm>>
      tpu.enqueue_dma source(%dma_start3A_64 : memref<128xi32, #tpu.memory_space<hbm>>) target(%dma_start3A_63 : memref<128xi32, #tpu.memory_space<vmem>>) target_semaphore(%arg11 : memref<!tpu.dma_semaphore, #tpu.memory_space<semaphore_mem>>)
      %add3A_65 = arith.constant 2 : i32
      %add3A_66 = arith.addi %add3A_35, %add3A_65 : i32
      %mul3A_67 = arith.constant 128 : i32
      %mul3A_68 = arith.muli %add3A_66, %mul3A_67 : i32
      %add3A_69 = arith.addi %add3A_18, %mul3A_68 : i32
      %add3A_70 = arith.constant 2 : i32
      %add3A_71 = arith.addi %add3A_35, %add3A_70 : i32
      %dma_start3A_72 = arith.constant 0 : i32
      %dma_start3A_73 = tpu.memref_slice %arg7[%add3A_71, %dma_start3A_72] : memref<80x128xi32, #tpu.memory_space<vmem>> -> memref<1x128xi32, #tpu.memory_space<vmem>>
      %dma_start3A_74 = tpu.memref_squeeze %dma_start3A_73 : memref<1x128xi32, #tpu.memory_space<vmem>> -> memref<128xi32, #tpu.memory_space<vmem>>
      %dma_start3A_75 = tpu.memref_slice %arg2[%add3A_69] : memref<640000xi32, #tpu.memory_space<hbm>> -> memref<128xi32, #tpu.memory_space<hbm>>
      %dma_start3A_76 = arith.constant 0 : i32
      %dma_start3A_77 = tpu.memref_slice %arg7[%add3A_71, %dma_start3A_76] : memref<80x128xi32, #tpu.memory_space<vmem>> -> memref<1x128xi32, #tpu.memory_space<vmem>>
      %dma_start3A_78 = tpu.memref_squeeze %dma_start3A_77 : memref<1x128xi32, #tpu.memory_space<vmem>> -> memref<128xi32, #tpu.memory_space<vmem>>
      %dma_start3A_79 = tpu.memref_slice %arg2[%add3A_69] : memref<640000xi32, #tpu.memory_space<hbm>> -> memref<128xi32, #tpu.memory_space<hbm>>
      tpu.enqueue_dma source(%dma_start3A_79 : memref<128xi32, #tpu.memory_space<hbm>>) target(%dma_start3A_78 : memref<128xi32, #tpu.memory_space<vmem>>) target_semaphore(%arg11 : memref<!tpu.dma_semaphore, #tpu.memory_space<semaphore_mem>>)
      %add3A_80 = arith.constant 3 : i32
      %add3A_81 = arith.addi %add3A_35, %add3A_80 : i32
      %mul3A_82 = arith.constant 128 : i32
      %mul3A_83 = arith.muli %add3A_81, %mul3A_82 : i32
      %add3A_84 = arith.addi %add3A_18, %mul3A_83 : i32
      %add3A_85 = arith.constant 3 : i32
      %add3A_86 = arith.addi %add3A_35, %add3A_85 : i32
      %dma_start3A_87 = arith.constant 0 : i32
      %dma_start3A_88 = tpu.memref_slice %arg7[%add3A_86, %dma_start3A_87] : memref<80x128xi32, #tpu.memory_space<vmem>> -> memref<1x128xi32, #tpu.memory_space<vmem>>
      %dma_start3A_89 = tpu.memref_squeeze %dma_start3A_88 : memref<1x128xi32, #tpu.memory_space<vmem>> -> memref<128xi32, #tpu.memory_space<vmem>>
      %dma_start3A_90 = tpu.memref_slice %arg2[%add3A_84] : memref<640000xi32, #tpu.memory_space<hbm>> -> memref<128xi32, #tpu.memory_space<hbm>>
      %dma_start3A_91 = arith.constant 0 : i32
      %dma_start3A_92 = tpu.memref_slice %arg7[%add3A_86, %dma_start3A_91] : memref<80x128xi32, #tpu.memory_space<vmem>> -> memref<1x128xi32, #tpu.memory_space<vmem>>
      %dma_start3A_93 = tpu.memref_squeeze %dma_start3A_92 : memref<1x128xi32, #tpu.memory_space<vmem>> -> memref<128xi32, #tpu.memory_space<vmem>>
      %dma_start3A_94 = tpu.memref_slice %arg2[%add3A_84] : memref<640000xi32, #tpu.memory_space<hbm>> -> memref<128xi32, #tpu.memory_space<hbm>>
      tpu.enqueue_dma source(%dma_start3A_94 : memref<128xi32, #tpu.memory_space<hbm>>) target(%dma_start3A_93 : memref<128xi32, #tpu.memory_space<vmem>>) target_semaphore(%arg11 : memref<!tpu.dma_semaphore, #tpu.memory_space<semaphore_mem>>)
      %add3A_95 = arith.constant 4 : i32
      %add3A_96 = arith.addi %add3A_35, %add3A_95 : i32
      %mul3A_97 = arith.constant 128 : i32
      %mul3A_98 = arith.muli %add3A_96, %mul3A_97 : i32
      %add3A_99 = arith.addi %add3A_18, %mul3A_98 : i32
      %add3A_100 = arith.constant 4 : i32
      %add3A_101 = arith.addi %add3A_35, %add3A_100 : i32
      %dma_start3A_102 = arith.constant 0 : i32
      %dma_start3A_103 = tpu.memref_slice %arg7[%add3A_101, %dma_start3A_102] : memref<80x128xi32, #tpu.memory_space<vmem>> -> memref<1x128xi32, #tpu.memory_space<vmem>>
      %dma_start3A_104 = tpu.memref_squeeze %dma_start3A_103 : memref<1x128xi32, #tpu.memory_space<vmem>> -> memref<128xi32, #tpu.memory_space<vmem>>
      %dma_start3A_105 = tpu.memref_slice %arg2[%add3A_99] : memref<640000xi32, #tpu.memory_space<hbm>> -> memref<128xi32, #tpu.memory_space<hbm>>
      %dma_start3A_106 = arith.constant 0 : i32
      %dma_start3A_107 = tpu.memref_slice %arg7[%add3A_101, %dma_start3A_106] : memref<80x128xi32, #tpu.memory_space<vmem>> -> memref<1x128xi32, #tpu.memory_space<vmem>>
      %dma_start3A_108 = tpu.memref_squeeze %dma_start3A_107 : memref<1x128xi32, #tpu.memory_space<vmem>> -> memref<128xi32, #tpu.memory_space<vmem>>
      %dma_start3A_109 = tpu.memref_slice %arg2[%add3A_99] : memref<640000xi32, #tpu.memory_space<hbm>> -> memref<128xi32, #tpu.memory_space<hbm>>
      tpu.enqueue_dma source(%dma_start3A_109 : memref<128xi32, #tpu.memory_space<hbm>>) target(%dma_start3A_108 : memref<128xi32, #tpu.memory_space<vmem>>) target_semaphore(%arg11 : memref<!tpu.dma_semaphore, #tpu.memory_space<semaphore_mem>>)
      %add3A_110 = arith.constant 5 : i32
      %add3A_111 = arith.addi %add3A_35, %add3A_110 : i32
      %mul3A_112 = arith.constant 128 : i32
      %mul3A_113 = arith.muli %add3A_111, %mul3A_112 : i32
      %add3A_114 = arith.addi %add3A_18, %mul3A_113 : i32
      %add3A_115 = arith.constant 5 : i32
      %add3A_116 = arith.addi %add3A_35, %add3A_115 : i32
      %dma_start3A_117 = arith.constant 0 : i32
      %dma_start3A_118 = tpu.memref_slice %arg7[%add3A_116, %dma_start3A_117] : memref<80x128xi32, #tpu.memory_space<vmem>> -> memref<1x128xi32, #tpu.memory_space<vmem>>
      %dma_start3A_119 = tpu.memref_squeeze %dma_start3A_118 : memref<1x128xi32, #tpu.memory_space<vmem>> -> memref<128xi32, #tpu.memory_space<vmem>>
      %dma_start3A_120 = tpu.memref_slice %arg2[%add3A_114] : memref<640000xi32, #tpu.memory_space<hbm>> -> memref<128xi32, #tpu.memory_space<hbm>>
      %dma_start3A_121 = arith.constant 0 : i32
      %dma_start3A_122 = tpu.memref_slice %arg7[%add3A_116, %dma_start3A_121] : memref<80x128xi32, #tpu.memory_space<vmem>> -> memref<1x128xi32, #tpu.memory_space<vmem>>
      %dma_start3A_123 = tpu.memref_squeeze %dma_start3A_122 : memref<1x128xi32, #tpu.memory_space<vmem>> -> memref<128xi32, #tpu.memory_space<vmem>>
      %dma_start3A_124 = tpu.memref_slice %arg2[%add3A_114] : memref<640000xi32, #tpu.memory_space<hbm>> -> memref<128xi32, #tpu.memory_space<hbm>>
      tpu.enqueue_dma source(%dma_start3A_124 : memref<128xi32, #tpu.memory_space<hbm>>) target(%dma_start3A_123 : memref<128xi32, #tpu.memory_space<vmem>>) target_semaphore(%arg11 : memref<!tpu.dma_semaphore, #tpu.memory_space<semaphore_mem>>)
      %add3A_125 = arith.constant 6 : i32
      %add3A_126 = arith.addi %add3A_35, %add3A_125 : i32
      %mul3A_127 = arith.constant 128 : i32
      %mul3A_128 = arith.muli %add3A_126, %mul3A_127 : i32
      %add3A_129 = arith.addi %add3A_18, %mul3A_128 : i32
      %add3A_130 = arith.constant 6 : i32
      %add3A_131 = arith.addi %add3A_35, %add3A_130 : i32
      %dma_start3A_132 = arith.constant 0 : i32
      %dma_start3A_133 = tpu.memref_slice %arg7[%add3A_131, %dma_start3A_132] : memref<80x128xi32, #tpu.memory_space<vmem>> -> memref<1x128xi32, #tpu.memory_space<vmem>>
      %dma_start3A_134 = tpu.memref_squeeze %dma_start3A_133 : memref<1x128xi32, #tpu.memory_space<vmem>> -> memref<128xi32, #tpu.memory_space<vmem>>
      %dma_start3A_135 = tpu.memref_slice %arg2[%add3A_129] : memref<640000xi32, #tpu.memory_space<hbm>> -> memref<128xi32, #tpu.memory_space<hbm>>
      %dma_start3A_136 = arith.constant 0 : i32
      %dma_start3A_137 = tpu.memref_slice %arg7[%add3A_131, %dma_start3A_136] : memref<80x128xi32, #tpu.memory_space<vmem>> -> memref<1x128xi32, #tpu.memory_space<vmem>>
      %dma_start3A_138 = tpu.memref_squeeze %dma_start3A_137 : memref<1x128xi32, #tpu.memory_space<vmem>> -> memref<128xi32, #tpu.memory_space<vmem>>
      %dma_start3A_139 = tpu.memref_slice %arg2[%add3A_129] : memref<640000xi32, #tpu.memory_space<hbm>> -> memref<128xi32, #tpu.memory_space<hbm>>
      tpu.enqueue_dma source(%dma_start3A_139 : memref<128xi32, #tpu.memory_space<hbm>>) target(%dma_start3A_138 : memref<128xi32, #tpu.memory_space<vmem>>) target_semaphore(%arg11 : memref<!tpu.dma_semaphore, #tpu.memory_space<semaphore_mem>>)
      %add3A_140 = arith.constant 7 : i32
      %add3A_141 = arith.addi %add3A_35, %add3A_140 : i32
      %mul3A_142 = arith.constant 128 : i32
      %mul3A_143 = arith.muli %add3A_141, %mul3A_142 : i32
      %add3A_144 = arith.addi %add3A_18, %mul3A_143 : i32
      %add3A_145 = arith.constant 7 : i32
      %add3A_146 = arith.addi %add3A_35, %add3A_145 : i32
      %dma_start3A_147 = arith.constant 0 : i32
      %dma_start3A_148 = tpu.memref_slice %arg7[%add3A_146, %dma_start3A_147] : memref<80x128xi32, #tpu.memory_space<vmem>> -> memref<1x128xi32, #tpu.memory_space<vmem>>
      %dma_start3A_149 = tpu.memref_squeeze %dma_start3A_148 : memref<1x128xi32, #tpu.memory_space<vmem>> -> memref<128xi32, #tpu.memory_space<vmem>>
      %dma_start3A_150 = tpu.memref_slice %arg2[%add3A_144] : memref<640000xi32, #tpu.memory_space<hbm>> -> memref<128xi32, #tpu.memory_space<hbm>>
      %dma_start3A_151 = arith.constant 0 : i32
      %dma_start3A_152 = tpu.memref_slice %arg7[%add3A_146, %dma_start3A_151] : memref<80x128xi32, #tpu.memory_space<vmem>> -> memref<1x128xi32, #tpu.memory_space<vmem>>
      %dma_start3A_153 = tpu.memref_squeeze %dma_start3A_152 : memref<1x128xi32, #tpu.memory_space<vmem>> -> memref<128xi32, #tpu.memory_space<vmem>>
      %dma_start3A_154 = tpu.memref_slice %arg2[%add3A_144] : memref<640000xi32, #tpu.memory_space<hbm>> -> memref<128xi32, #tpu.memory_space<hbm>>
      tpu.enqueue_dma source(%dma_start3A_154 : memref<128xi32, #tpu.memory_space<hbm>>) target(%dma_start3A_153 : memref<128xi32, #tpu.memory_space<vmem>>) target_semaphore(%arg11 : memref<!tpu.dma_semaphore, #tpu.memory_space<semaphore_mem>>)
      %add3A_155 = arith.constant 0 : i32
      %add3A_156 = arith.addi %add3A_35, %add3A_155 : i32
      %mul3A_157 = arith.constant 128 : i32
      %mul3A_158 = arith.muli %add3A_156, %mul3A_157 : i32
      %add3A_159 = arith.addi %add3A_18, %mul3A_158 : i32
      %add3A_160 = arith.constant 0 : i32
      %add3A_161 = arith.addi %add3A_35, %add3A_160 : i32
      %dma_wait3A = arith.constant 0 : i32
      %dma_wait3A_162 = tpu.memref_slice %arg7[%add3A_161, %dma_wait3A] : memref<80x128xi32, #tpu.memory_space<vmem>> -> memref<1x128xi32, #tpu.memory_space<vmem>>
      %dma_wait3A_163 = tpu.memref_squeeze %dma_wait3A_162 : memref<1x128xi32, #tpu.memory_space<vmem>> -> memref<128xi32, #tpu.memory_space<vmem>>
      %dma_wait3A_164 = tpu.memref_slice %arg2[%add3A_159] : memref<640000xi32, #tpu.memory_space<hbm>> -> memref<128xi32, #tpu.memory_space<hbm>>
      %dma_wait3A_165 = arith.constant 0 : i32
      %dma_wait3A_166 = tpu.memref_slice %arg7[%add3A_161, %dma_wait3A_165] : memref<80x128xi32, #tpu.memory_space<vmem>> -> memref<1x128xi32, #tpu.memory_space<vmem>>
      %dma_wait3A_167 = tpu.memref_squeeze %dma_wait3A_166 : memref<1x128xi32, #tpu.memory_space<vmem>> -> memref<128xi32, #tpu.memory_space<vmem>>
      %dma_wait3A_168 = tpu.memref_slice %arg2[%add3A_159] : memref<640000xi32, #tpu.memory_space<hbm>> -> memref<128xi32, #tpu.memory_space<hbm>>
      tpu.wait_dma2 semaphore(%arg11 : memref<!tpu.dma_semaphore, #tpu.memory_space<semaphore_mem>>) src(%dma_wait3A_168 : memref<128xi32, #tpu.memory_space<hbm>>) dst(%dma_wait3A_167 : memref<128xi32, #tpu.memory_space<vmem>>)
      %add3A_169 = arith.constant 1 : i32
      %add3A_170 = arith.addi %add3A_35, %add3A_169 : i32
      %mul3A_171 = arith.constant 128 : i32
      %mul3A_172 = arith.muli %add3A_170, %mul3A_171 : i32
      %add3A_173 = arith.addi %add3A_18, %mul3A_172 : i32
      %add3A_174 = arith.constant 1 : i32
      %add3A_175 = arith.addi %add3A_35, %add3A_174 : i32
      %dma_wait3A_176 = arith.constant 0 : i32
      %dma_wait3A_177 = tpu.memref_slice %arg7[%add3A_175, %dma_wait3A_176] : memref<80x128xi32, #tpu.memory_space<vmem>> -> memref<1x128xi32, #tpu.memory_space<vmem>>
      %dma_wait3A_178 = tpu.memref_squeeze %dma_wait3A_177 : memref<1x128xi32, #tpu.memory_space<vmem>> -> memref<128xi32, #tpu.memory_space<vmem>>
      %dma_wait3A_179 = tpu.memref_slice %arg2[%add3A_173] : memref<640000xi32, #tpu.memory_space<hbm>> -> memref<128xi32, #tpu.memory_space<hbm>>
      %dma_wait3A_180 = arith.constant 0 : i32
      %dma_wait3A_181 = tpu.memref_slice %arg7[%add3A_175, %dma_wait3A_180] : memref<80x128xi32, #tpu.memory_space<vmem>> -> memref<1x128xi32, #tpu.memory_space<vmem>>
      %dma_wait3A_182 = tpu.memref_squeeze %dma_wait3A_181 : memref<1x128xi32, #tpu.memory_space<vmem>> -> memref<128xi32, #tpu.memory_space<vmem>>
      %dma_wait3A_183 = tpu.memref_slice %arg2[%add3A_173] : memref<640000xi32, #tpu.memory_space<hbm>> -> memref<128xi32, #tpu.memory_space<hbm>>
      tpu.wait_dma2 semaphore(%arg11 : memref<!tpu.dma_semaphore, #tpu.memory_space<semaphore_mem>>) src(%dma_wait3A_183 : memref<128xi32, #tpu.memory_space<hbm>>) dst(%dma_wait3A_182 : memref<128xi32, #tpu.memory_space<vmem>>)
      %add3A_184 = arith.constant 2 : i32
      %add3A_185 = arith.addi %add3A_35, %add3A_184 : i32
      %mul3A_186 = arith.constant 128 : i32
      %mul3A_187 = arith.muli %add3A_185, %mul3A_186 : i32
      %add3A_188 = arith.addi %add3A_18, %mul3A_187 : i32
      %add3A_189 = arith.constant 2 : i32
      %add3A_190 = arith.addi %add3A_35, %add3A_189 : i32
      %dma_wait3A_191 = arith.constant 0 : i32
      %dma_wait3A_192 = tpu.memref_slice %arg7[%add3A_190, %dma_wait3A_191] : memref<80x128xi32, #tpu.memory_space<vmem>> -> memref<1x128xi32, #tpu.memory_space<vmem>>
      %dma_wait3A_193 = tpu.memref_squeeze %dma_wait3A_192 : memref<1x128xi32, #tpu.memory_space<vmem>> -> memref<128xi32, #tpu.memory_space<vmem>>
      %dma_wait3A_194 = tpu.memref_slice %arg2[%add3A_188] : memref<640000xi32, #tpu.memory_space<hbm>> -> memref<128xi32, #tpu.memory_space<hbm>>
      %dma_wait3A_195 = arith.constant 0 : i32
      %dma_wait3A_196 = tpu.memref_slice %arg7[%add3A_190, %dma_wait3A_195] : memref<80x128xi32, #tpu.memory_space<vmem>> -> memref<1x128xi32, #tpu.memory_space<vmem>>
      %dma_wait3A_197 = tpu.memref_squeeze %dma_wait3A_196 : memref<1x128xi32, #tpu.memory_space<vmem>> -> memref<128xi32, #tpu.memory_space<vmem>>
      %dma_wait3A_198 = tpu.memref_slice %arg2[%add3A_188] : memref<640000xi32, #tpu.memory_space<hbm>> -> memref<128xi32, #tpu.memory_space<hbm>>
      tpu.wait_dma2 semaphore(%arg11 : memref<!tpu.dma_semaphore, #tpu.memory_space<semaphore_mem>>) src(%dma_wait3A_198 : memref<128xi32, #tpu.memory_space<hbm>>) dst(%dma_wait3A_197 : memref<128xi32, #tpu.memory_space<vmem>>)
      %add3A_199 = arith.constant 3 : i32
      %add3A_200 = arith.addi %add3A_35, %add3A_199 : i32
      %mul3A_201 = arith.constant 128 : i32
      %mul3A_202 = arith.muli %add3A_200, %mul3A_201 : i32
      %add3A_203 = arith.addi %add3A_18, %mul3A_202 : i32
      %add3A_204 = arith.constant 3 : i32
      %add3A_205 = arith.addi %add3A_35, %add3A_204 : i32
      %dma_wait3A_206 = arith.constant 0 : i32
      %dma_wait3A_207 = tpu.memref_slice %arg7[%add3A_205, %dma_wait3A_206] : memref<80x128xi32, #tpu.memory_space<vmem>> -> memref<1x128xi32, #tpu.memory_space<vmem>>
      %dma_wait3A_208 = tpu.memref_squeeze %dma_wait3A_207 : memref<1x128xi32, #tpu.memory_space<vmem>> -> memref<128xi32, #tpu.memory_space<vmem>>
      %dma_wait3A_209 = tpu.memref_slice %arg2[%add3A_203] : memref<640000xi32, #tpu.memory_space<hbm>> -> memref<128xi32, #tpu.memory_space<hbm>>
      %dma_wait3A_210 = arith.constant 0 : i32
      %dma_wait3A_211 = tpu.memref_slice %arg7[%add3A_205, %dma_wait3A_210] : memref<80x128xi32, #tpu.memory_space<vmem>> -> memref<1x128xi32, #tpu.memory_space<vmem>>
      %dma_wait3A_212 = tpu.memref_squeeze %dma_wait3A_211 : memref<1x128xi32, #tpu.memory_space<vmem>> -> memref<128xi32, #tpu.memory_space<vmem>>
      %dma_wait3A_213 = tpu.memref_slice %arg2[%add3A_203] : memref<640000xi32, #tpu.memory_space<hbm>> -> memref<128xi32, #tpu.memory_space<hbm>>
      tpu.wait_dma2 semaphore(%arg11 : memref<!tpu.dma_semaphore, #tpu.memory_space<semaphore_mem>>) src(%dma_wait3A_213 : memref<128xi32, #tpu.memory_space<hbm>>) dst(%dma_wait3A_212 : memref<128xi32, #tpu.memory_space<vmem>>)
      %add3A_214 = arith.constant 4 : i32
      %add3A_215 = arith.addi %add3A_35, %add3A_214 : i32
      %mul3A_216 = arith.constant 128 : i32
      %mul3A_217 = arith.muli %add3A_215, %mul3A_216 : i32
      %add3A_218 = arith.addi %add3A_18, %mul3A_217 : i32
      %add3A_219 = arith.constant 4 : i32
      %add3A_220 = arith.addi %add3A_35, %add3A_219 : i32
      %dma_wait3A_221 = arith.constant 0 : i32
      %dma_wait3A_222 = tpu.memref_slice %arg7[%add3A_220, %dma_wait3A_221] : memref<80x128xi32, #tpu.memory_space<vmem>> -> memref<1x128xi32, #tpu.memory_space<vmem>>
      %dma_wait3A_223 = tpu.memref_squeeze %dma_wait3A_222 : memref<1x128xi32, #tpu.memory_space<vmem>> -> memref<128xi32, #tpu.memory_space<vmem>>
      %dma_wait3A_224 = tpu.memref_slice %arg2[%add3A_218] : memref<640000xi32, #tpu.memory_space<hbm>> -> memref<128xi32, #tpu.memory_space<hbm>>
      %dma_wait3A_225 = arith.constant 0 : i32
      %dma_wait3A_226 = tpu.memref_slice %arg7[%add3A_220, %dma_wait3A_225] : memref<80x128xi32, #tpu.memory_space<vmem>> -> memref<1x128xi32, #tpu.memory_space<vmem>>
      %dma_wait3A_227 = tpu.memref_squeeze %dma_wait3A_226 : memref<1x128xi32, #tpu.memory_space<vmem>> -> memref<128xi32, #tpu.memory_space<vmem>>
      %dma_wait3A_228 = tpu.memref_slice %arg2[%add3A_218] : memref<640000xi32, #tpu.memory_space<hbm>> -> memref<128xi32, #tpu.memory_space<hbm>>
      tpu.wait_dma2 semaphore(%arg11 : memref<!tpu.dma_semaphore, #tpu.memory_space<semaphore_mem>>) src(%dma_wait3A_228 : memref<128xi32, #tpu.memory_space<hbm>>) dst(%dma_wait3A_227 : memref<128xi32, #tpu.memory_space<vmem>>)
      %add3A_229 = arith.constant 5 : i32
      %add3A_230 = arith.addi %add3A_35, %add3A_229 : i32
      %mul3A_231 = arith.constant 128 : i32
      %mul3A_232 = arith.muli %add3A_230, %mul3A_231 : i32
      %add3A_233 = arith.addi %add3A_18, %mul3A_232 : i32
      %add3A_234 = arith.constant 5 : i32
      %add3A_235 = arith.addi %add3A_35, %add3A_234 : i32
      %dma_wait3A_236 = arith.constant 0 : i32
      %dma_wait3A_237 = tpu.memref_slice %arg7[%add3A_235, %dma_wait3A_236] : memref<80x128xi32, #tpu.memory_space<vmem>> -> memref<1x128xi32, #tpu.memory_space<vmem>>
      %dma_wait3A_238 = tpu.memref_squeeze %dma_wait3A_237 : memref<1x128xi32, #tpu.memory_space<vmem>> -> memref<128xi32, #tpu.memory_space<vmem>>
      %dma_wait3A_239 = tpu.memref_slice %arg2[%add3A_233] : memref<640000xi32, #tpu.memory_space<hbm>> -> memref<128xi32, #tpu.memory_space<hbm>>
      %dma_wait3A_240 = arith.constant 0 : i32
      %dma_wait3A_241 = tpu.memref_slice %arg7[%add3A_235, %dma_wait3A_240] : memref<80x128xi32, #tpu.memory_space<vmem>> -> memref<1x128xi32, #tpu.memory_space<vmem>>
      %dma_wait3A_242 = tpu.memref_squeeze %dma_wait3A_241 : memref<1x128xi32, #tpu.memory_space<vmem>> -> memref<128xi32, #tpu.memory_space<vmem>>
      %dma_wait3A_243 = tpu.memref_slice %arg2[%add3A_233] : memref<640000xi32, #tpu.memory_space<hbm>> -> memref<128xi32, #tpu.memory_space<hbm>>
      tpu.wait_dma2 semaphore(%arg11 : memref<!tpu.dma_semaphore, #tpu.memory_space<semaphore_mem>>) src(%dma_wait3A_243 : memref<128xi32, #tpu.memory_space<hbm>>) dst(%dma_wait3A_242 : memref<128xi32, #tpu.memory_space<vmem>>)
      %add3A_244 = arith.constant 6 : i32
      %add3A_245 = arith.addi %add3A_35, %add3A_244 : i32
      %mul3A_246 = arith.constant 128 : i32
      %mul3A_247 = arith.muli %add3A_245, %mul3A_246 : i32
      %add3A_248 = arith.addi %add3A_18, %mul3A_247 : i32
      %add3A_249 = arith.constant 6 : i32
      %add3A_250 = arith.addi %add3A_35, %add3A_249 : i32
      %dma_wait3A_251 = arith.constant 0 : i32
      %dma_wait3A_252 = tpu.memref_slice %arg7[%add3A_250, %dma_wait3A_251] : memref<80x128xi32, #tpu.memory_space<vmem>> -> memref<1x128xi32, #tpu.memory_space<vmem>>
      %dma_wait3A_253 = tpu.memref_squeeze %dma_wait3A_252 : memref<1x128xi32, #tpu.memory_space<vmem>> -> memref<128xi32, #tpu.memory_space<vmem>>
      %dma_wait3A_254 = tpu.memref_slice %arg2[%add3A_248] : memref<640000xi32, #tpu.memory_space<hbm>> -> memref<128xi32, #tpu.memory_space<hbm>>
      %dma_wait3A_255 = arith.constant 0 : i32
      %dma_wait3A_256 = tpu.memref_slice %arg7[%add3A_250, %dma_wait3A_255] : memref<80x128xi32, #tpu.memory_space<vmem>> -> memref<1x128xi32, #tpu.memory_space<vmem>>
      %dma_wait3A_257 = tpu.memref_squeeze %dma_wait3A_256 : memref<1x128xi32, #tpu.memory_space<vmem>> -> memref<128xi32, #tpu.memory_space<vmem>>
      %dma_wait3A_258 = tpu.memref_slice %arg2[%add3A_248] : memref<640000xi32, #tpu.memory_space<hbm>> -> memref<128xi32, #tpu.memory_space<hbm>>
      tpu.wait_dma2 semaphore(%arg11 : memref<!tpu.dma_semaphore, #tpu.memory_space<semaphore_mem>>) src(%dma_wait3A_258 : memref<128xi32, #tpu.memory_space<hbm>>) dst(%dma_wait3A_257 : memref<128xi32, #tpu.memory_space<vmem>>)
      %add3A_259 = arith.constant 7 : i32
      %add3A_260 = arith.addi %add3A_35, %add3A_259 : i32
      %mul3A_261 = arith.constant 128 : i32
      %mul3A_262 = arith.muli %add3A_260, %mul3A_261 : i32
      %add3A_263 = arith.addi %add3A_18, %mul3A_262 : i32
      %add3A_264 = arith.constant 7 : i32
      %add3A_265 = arith.addi %add3A_35, %add3A_264 : i32
      %dma_wait3A_266 = arith.constant 0 : i32
      %dma_wait3A_267 = tpu.memref_slice %arg7[%add3A_265, %dma_wait3A_266] : memref<80x128xi32, #tpu.memory_space<vmem>> -> memref<1x128xi32, #tpu.memory_space<vmem>>
      %dma_wait3A_268 = tpu.memref_squeeze %dma_wait3A_267 : memref<1x128xi32, #tpu.memory_space<vmem>> -> memref<128xi32, #tpu.memory_space<vmem>>
      %dma_wait3A_269 = tpu.memref_slice %arg2[%add3A_263] : memref<640000xi32, #tpu.memory_space<hbm>> -> memref<128xi32, #tpu.memory_space<hbm>>
      %dma_wait3A_270 = arith.constant 0 : i32
      %dma_wait3A_271 = tpu.memref_slice %arg7[%add3A_265, %dma_wait3A_270] : memref<80x128xi32, #tpu.memory_space<vmem>> -> memref<1x128xi32, #tpu.memory_space<vmem>>
      %dma_wait3A_272 = tpu.memref_squeeze %dma_wait3A_271 : memref<1x128xi32, #tpu.memory_space<vmem>> -> memref<128xi32, #tpu.memory_space<vmem>>
      %dma_wait3A_273 = tpu.memref_slice %arg2[%add3A_263] : memref<640000xi32, #tpu.memory_space<hbm>> -> memref<128xi32, #tpu.memory_space<hbm>>
      tpu.wait_dma2 semaphore(%arg11 : memref<!tpu.dma_semaphore, #tpu.memory_space<semaphore_mem>>) src(%dma_wait3A_273 : memref<128xi32, #tpu.memory_space<hbm>>) dst(%dma_wait3A_272 : memref<128xi32, #tpu.memory_space<vmem>>)
    }
    %scan3A_22 = arith.constant 10 : i32
    %mul3A_23 = arith.constant 80 : i32
    %mul3A_24 = arith.muli %add3A_12, %mul3A_23 : i32
    "tpu.region"() ({
      %run_scoped3A = tpu.sem_alloc : memref<!tpu.dma_semaphore, #tpu.memory_space<semaphore_mem>>
      %dma_start3A = arith.constant 0 : i32
      %dma_start3A_31 = tpu.memref_slice %arg6[%mul3A_24, %dma_start3A] : memref<2560x128xi32, #tpu.memory_space<hbm>> -> memref<80x128xi32, #tpu.memory_space<hbm>>
      %dma_start3A_32 = arith.constant 0 : i32
      %dma_start3A_33 = tpu.memref_slice %arg6[%mul3A_24, %dma_start3A_32] : memref<2560x128xi32, #tpu.memory_space<hbm>> -> memref<80x128xi32, #tpu.memory_space<hbm>>
      tpu.enqueue_dma source(%arg7 : memref<80x128xi32, #tpu.memory_space<vmem>>) target(%dma_start3A_33 : memref<80x128xi32, #tpu.memory_space<hbm>>) target_semaphore(%run_scoped3A : memref<!tpu.dma_semaphore, #tpu.memory_space<semaphore_mem>>)
      %dma_wait3A = arith.constant 0 : i32
      %dma_wait3A_34 = tpu.memref_slice %arg6[%mul3A_24, %dma_wait3A] : memref<2560x128xi32, #tpu.memory_space<hbm>> -> memref<80x128xi32, #tpu.memory_space<hbm>>
      %dma_wait3A_35 = arith.constant 0 : i32
      %dma_wait3A_36 = tpu.memref_slice %arg6[%mul3A_24, %dma_wait3A_35] : memref<2560x128xi32, #tpu.memory_space<hbm>> -> memref<80x128xi32, #tpu.memory_space<hbm>>
      tpu.wait_dma2 semaphore(%run_scoped3A : memref<!tpu.dma_semaphore, #tpu.memory_space<semaphore_mem>>) src(%arg7 : memref<80x128xi32, #tpu.memory_space<vmem>>) dst(%dma_wait3A_36 : memref<80x128xi32, #tpu.memory_space<hbm>>)
      tpu.yield
    }) : () -> ()
    %barrier3A = arith.constant 0 : index
    tpu.barrier barrier_id(%barrier3A)
    %scan3A_25 = arith.constant 0 : i32
    %scan3A_26 = arith.constant 10 : i32
    %scan3A_27 = arith.addi %scan3A_25, %scan3A_26 : i32
    %scan3A_28 = arith.constant 1 : i32
    scf.for %scan3A_31 = %scan3A_25 to %scan3A_27 step %scan3A_28  : i32 {
      %mul3A_32 = arith.constant 8 : i32
      %mul3A_33 = arith.muli %scan3A_31, %mul3A_32 : i32
      %add3A_34 = arith.constant 0 : i32
      %add3A_35 = arith.addi %add3A_34, %mul3A_33 : i32
      %add3A_36 = arith.constant 0 : i32
      %add3A_37 = arith.addi %add3A_35, %add3A_36 : i32
      %lt3A = arith.cmpi slt, %add3A_37, %min3A : i32
      %convert_element_type3A = arith.extui %lt3A : i1 to i32
      %cond3A = arith.constant 0 : i32
      %cond3A_38 = arith.cmpi ne, %convert_element_type3A, %cond3A : i32
      scf.if %cond3A_38 {
        %add3A_129 = arith.constant 0 : i32
        %add3A_130 = arith.addi %add3A_35, %add3A_129 : i32
        %add3A_131 = arith.addi %add3A_130, %sub3A_9 : i32
        %dma_start3A = arith.constant 0 : i32
        %dma_start3A_132 = tpu.memref_slice %arg7[%add3A_131, %dma_start3A] : memref<80x128xi32, #tpu.memory_space<vmem>> -> memref<1x128xi32, #tpu.memory_space<vmem>>
        %dma_start3A_133 = tpu.memref_squeeze %dma_start3A_132 : memref<1x128xi32, #tpu.memory_space<vmem>> -> memref<128xi32, #tpu.memory_space<vmem>>
        %dma_start3A_134 = arith.constant 0 : i32
        %dma_start3A_135 = tpu.memref_slice %arg10[%dma_start3A_134] : memref<10240xf32, #tpu.memory_space<vmem_shared>> -> memref<10240xf32, #tpu.memory_space<vmem_shared>>
        tpu.enqueue_indirect_dma source(%arg8 : memref<128xf32, #tpu.memory_space<vmem>>) target(%dma_start3A_135 : memref<10240xf32, #tpu.memory_space<vmem_shared>>) offsets(%dma_start3A_133 : memref<128xi32, #tpu.memory_space<vmem>>) semaphore(%arg11 : memref<!tpu.dma_semaphore, #tpu.memory_space<semaphore_mem>>) {add = true}
      } else {
      }
      %add3A_39 = arith.constant 1 : i32
      %add3A_40 = arith.addi %add3A_35, %add3A_39 : i32
      %lt3A_41 = arith.cmpi slt, %add3A_40, %min3A : i32
      %convert_element_type3A_42 = arith.extui %lt3A_41 : i1 to i32
      %cond3A_43 = arith.constant 0 : i32
      %cond3A_44 = arith.cmpi ne, %convert_element_type3A_42, %cond3A_43 : i32
      scf.if %cond3A_44 {
        %add3A_129 = arith.constant 1 : i32
        %add3A_130 = arith.addi %add3A_35, %add3A_129 : i32
        %add3A_131 = arith.addi %add3A_130, %sub3A_9 : i32
        %dma_start3A = arith.constant 0 : i32
        %dma_start3A_132 = tpu.memref_slice %arg7[%add3A_131, %dma_start3A] : memref<80x128xi32, #tpu.memory_space<vmem>> -> memref<1x128xi32, #tpu.memory_space<vmem>>
        %dma_start3A_133 = tpu.memref_squeeze %dma_start3A_132 : memref<1x128xi32, #tpu.memory_space<vmem>> -> memref<128xi32, #tpu.memory_space<vmem>>
        %dma_start3A_134 = arith.constant 0 : i32
        %dma_start3A_135 = tpu.memref_slice %arg10[%dma_start3A_134] : memref<10240xf32, #tpu.memory_space<vmem_shared>> -> memref<10240xf32, #tpu.memory_space<vmem_shared>>
        tpu.enqueue_indirect_dma source(%arg8 : memref<128xf32, #tpu.memory_space<vmem>>) target(%dma_start3A_135 : memref<10240xf32, #tpu.memory_space<vmem_shared>>) offsets(%dma_start3A_133 : memref<128xi32, #tpu.memory_space<vmem>>) semaphore(%arg11 : memref<!tpu.dma_semaphore, #tpu.memory_space<semaphore_mem>>) {add = true}
      } else {
      }
      %add3A_45 = arith.constant 2 : i32
      %add3A_46 = arith.addi %add3A_35, %add3A_45 : i32
      %lt3A_47 = arith.cmpi slt, %add3A_46, %min3A : i32
      %convert_element_type3A_48 = arith.extui %lt3A_47 : i1 to i32
      %cond3A_49 = arith.constant 0 : i32
      %cond3A_50 = arith.cmpi ne, %convert_element_type3A_48, %cond3A_49 : i32
      scf.if %cond3A_50 {
        %add3A_129 = arith.constant 2 : i32
        %add3A_130 = arith.addi %add3A_35, %add3A_129 : i32
        %add3A_131 = arith.addi %add3A_130, %sub3A_9 : i32
        %dma_start3A = arith.constant 0 : i32
        %dma_start3A_132 = tpu.memref_slice %arg7[%add3A_131, %dma_start3A] : memref<80x128xi32, #tpu.memory_space<vmem>> -> memref<1x128xi32, #tpu.memory_space<vmem>>
        %dma_start3A_133 = tpu.memref_squeeze %dma_start3A_132 : memref<1x128xi32, #tpu.memory_space<vmem>> -> memref<128xi32, #tpu.memory_space<vmem>>
        %dma_start3A_134 = arith.constant 0 : i32
        %dma_start3A_135 = tpu.memref_slice %arg10[%dma_start3A_134] : memref<10240xf32, #tpu.memory_space<vmem_shared>> -> memref<10240xf32, #tpu.memory_space<vmem_shared>>
        tpu.enqueue_indirect_dma source(%arg8 : memref<128xf32, #tpu.memory_space<vmem>>) target(%dma_start3A_135 : memref<10240xf32, #tpu.memory_space<vmem_shared>>) offsets(%dma_start3A_133 : memref<128xi32, #tpu.memory_space<vmem>>) semaphore(%arg11 : memref<!tpu.dma_semaphore, #tpu.memory_space<semaphore_mem>>) {add = true}
      } else {
      }
      %add3A_51 = arith.constant 3 : i32
      %add3A_52 = arith.addi %add3A_35, %add3A_51 : i32
      %lt3A_53 = arith.cmpi slt, %add3A_52, %min3A : i32
      %convert_element_type3A_54 = arith.extui %lt3A_53 : i1 to i32
      %cond3A_55 = arith.constant 0 : i32
      %cond3A_56 = arith.cmpi ne, %convert_element_type3A_54, %cond3A_55 : i32
      scf.if %cond3A_56 {
        %add3A_129 = arith.constant 3 : i32
        %add3A_130 = arith.addi %add3A_35, %add3A_129 : i32
        %add3A_131 = arith.addi %add3A_130, %sub3A_9 : i32
        %dma_start3A = arith.constant 0 : i32
        %dma_start3A_132 = tpu.memref_slice %arg7[%add3A_131, %dma_start3A] : memref<80x128xi32, #tpu.memory_space<vmem>> -> memref<1x128xi32, #tpu.memory_space<vmem>>
        %dma_start3A_133 = tpu.memref_squeeze %dma_start3A_132 : memref<1x128xi32, #tpu.memory_space<vmem>> -> memref<128xi32, #tpu.memory_space<vmem>>
        %dma_start3A_134 = arith.constant 0 : i32
        %dma_start3A_135 = tpu.memref_slice %arg10[%dma_start3A_134] : memref<10240xf32, #tpu.memory_space<vmem_shared>> -> memref<10240xf32, #tpu.memory_space<vmem_shared>>
        tpu.enqueue_indirect_dma source(%arg8 : memref<128xf32, #tpu.memory_space<vmem>>) target(%dma_start3A_135 : memref<10240xf32, #tpu.memory_space<vmem_shared>>) offsets(%dma_start3A_133 : memref<128xi32, #tpu.memory_space<vmem>>) semaphore(%arg11 : memref<!tpu.dma_semaphore, #tpu.memory_space<semaphore_mem>>) {add = true}
      } else {
      }
      %add3A_57 = arith.constant 4 : i32
      %add3A_58 = arith.addi %add3A_35, %add3A_57 : i32
      %lt3A_59 = arith.cmpi slt, %add3A_58, %min3A : i32
      %convert_element_type3A_60 = arith.extui %lt3A_59 : i1 to i32
      %cond3A_61 = arith.constant 0 : i32
      %cond3A_62 = arith.cmpi ne, %convert_element_type3A_60, %cond3A_61 : i32
      scf.if %cond3A_62 {
        %add3A_129 = arith.constant 4 : i32
        %add3A_130 = arith.addi %add3A_35, %add3A_129 : i32
        %add3A_131 = arith.addi %add3A_130, %sub3A_9 : i32
        %dma_start3A = arith.constant 0 : i32
        %dma_start3A_132 = tpu.memref_slice %arg7[%add3A_131, %dma_start3A] : memref<80x128xi32, #tpu.memory_space<vmem>> -> memref<1x128xi32, #tpu.memory_space<vmem>>
        %dma_start3A_133 = tpu.memref_squeeze %dma_start3A_132 : memref<1x128xi32, #tpu.memory_space<vmem>> -> memref<128xi32, #tpu.memory_space<vmem>>
        %dma_start3A_134 = arith.constant 0 : i32
        %dma_start3A_135 = tpu.memref_slice %arg10[%dma_start3A_134] : memref<10240xf32, #tpu.memory_space<vmem_shared>> -> memref<10240xf32, #tpu.memory_space<vmem_shared>>
        tpu.enqueue_indirect_dma source(%arg8 : memref<128xf32, #tpu.memory_space<vmem>>) target(%dma_start3A_135 : memref<10240xf32, #tpu.memory_space<vmem_shared>>) offsets(%dma_start3A_133 : memref<128xi32, #tpu.memory_space<vmem>>) semaphore(%arg11 : memref<!tpu.dma_semaphore, #tpu.memory_space<semaphore_mem>>) {add = true}
      } else {
      }
      %add3A_63 = arith.constant 5 : i32
      %add3A_64 = arith.addi %add3A_35, %add3A_63 : i32
      %lt3A_65 = arith.cmpi slt, %add3A_64, %min3A : i32
      %convert_element_type3A_66 = arith.extui %lt3A_65 : i1 to i32
      %cond3A_67 = arith.constant 0 : i32
      %cond3A_68 = arith.cmpi ne, %convert_element_type3A_66, %cond3A_67 : i32
      scf.if %cond3A_68 {
        %add3A_129 = arith.constant 5 : i32
        %add3A_130 = arith.addi %add3A_35, %add3A_129 : i32
        %add3A_131 = arith.addi %add3A_130, %sub3A_9 : i32
        %dma_start3A = arith.constant 0 : i32
        %dma_start3A_132 = tpu.memref_slice %arg7[%add3A_131, %dma_start3A] : memref<80x128xi32, #tpu.memory_space<vmem>> -> memref<1x128xi32, #tpu.memory_space<vmem>>
        %dma_start3A_133 = tpu.memref_squeeze %dma_start3A_132 : memref<1x128xi32, #tpu.memory_space<vmem>> -> memref<128xi32, #tpu.memory_space<vmem>>
        %dma_start3A_134 = arith.constant 0 : i32
        %dma_start3A_135 = tpu.memref_slice %arg10[%dma_start3A_134] : memref<10240xf32, #tpu.memory_space<vmem_shared>> -> memref<10240xf32, #tpu.memory_space<vmem_shared>>
        tpu.enqueue_indirect_dma source(%arg8 : memref<128xf32, #tpu.memory_space<vmem>>) target(%dma_start3A_135 : memref<10240xf32, #tpu.memory_space<vmem_shared>>) offsets(%dma_start3A_133 : memref<128xi32, #tpu.memory_space<vmem>>) semaphore(%arg11 : memref<!tpu.dma_semaphore, #tpu.memory_space<semaphore_mem>>) {add = true}
      } else {
      }
      %add3A_69 = arith.constant 6 : i32
      %add3A_70 = arith.addi %add3A_35, %add3A_69 : i32
      %lt3A_71 = arith.cmpi slt, %add3A_70, %min3A : i32
      %convert_element_type3A_72 = arith.extui %lt3A_71 : i1 to i32
      %cond3A_73 = arith.constant 0 : i32
      %cond3A_74 = arith.cmpi ne, %convert_element_type3A_72, %cond3A_73 : i32
      scf.if %cond3A_74 {
        %add3A_129 = arith.constant 6 : i32
        %add3A_130 = arith.addi %add3A_35, %add3A_129 : i32
        %add3A_131 = arith.addi %add3A_130, %sub3A_9 : i32
        %dma_start3A = arith.constant 0 : i32
        %dma_start3A_132 = tpu.memref_slice %arg7[%add3A_131, %dma_start3A] : memref<80x128xi32, #tpu.memory_space<vmem>> -> memref<1x128xi32, #tpu.memory_space<vmem>>
        %dma_start3A_133 = tpu.memref_squeeze %dma_start3A_132 : memref<1x128xi32, #tpu.memory_space<vmem>> -> memref<128xi32, #tpu.memory_space<vmem>>
        %dma_start3A_134 = arith.constant 0 : i32
        %dma_start3A_135 = tpu.memref_slice %arg10[%dma_start3A_134] : memref<10240xf32, #tpu.memory_space<vmem_shared>> -> memref<10240xf32, #tpu.memory_space<vmem_shared>>
        tpu.enqueue_indirect_dma source(%arg8 : memref<128xf32, #tpu.memory_space<vmem>>) target(%dma_start3A_135 : memref<10240xf32, #tpu.memory_space<vmem_shared>>) offsets(%dma_start3A_133 : memref<128xi32, #tpu.memory_space<vmem>>) semaphore(%arg11 : memref<!tpu.dma_semaphore, #tpu.memory_space<semaphore_mem>>) {add = true}
      } else {
      }
      %add3A_75 = arith.constant 7 : i32
      %add3A_76 = arith.addi %add3A_35, %add3A_75 : i32
      %lt3A_77 = arith.cmpi slt, %add3A_76, %min3A : i32
      %convert_element_type3A_78 = arith.extui %lt3A_77 : i1 to i32
      %cond3A_79 = arith.constant 0 : i32
      %cond3A_80 = arith.cmpi ne, %convert_element_type3A_78, %cond3A_79 : i32
      scf.if %cond3A_80 {
        %add3A_129 = arith.constant 7 : i32
        %add3A_130 = arith.addi %add3A_35, %add3A_129 : i32
        %add3A_131 = arith.addi %add3A_130, %sub3A_9 : i32
        %dma_start3A = arith.constant 0 : i32
        %dma_start3A_132 = tpu.memref_slice %arg7[%add3A_131, %dma_start3A] : memref<80x128xi32, #tpu.memory_space<vmem>> -> memref<1x128xi32, #tpu.memory_space<vmem>>
        %dma_start3A_133 = tpu.memref_squeeze %dma_start3A_132 : memref<1x128xi32, #tpu.memory_space<vmem>> -> memref<128xi32, #tpu.memory_space<vmem>>
        %dma_start3A_134 = arith.constant 0 : i32
        %dma_start3A_135 = tpu.memref_slice %arg10[%dma_start3A_134] : memref<10240xf32, #tpu.memory_space<vmem_shared>> -> memref<10240xf32, #tpu.memory_space<vmem_shared>>
        tpu.enqueue_indirect_dma source(%arg8 : memref<128xf32, #tpu.memory_space<vmem>>) target(%dma_start3A_135 : memref<10240xf32, #tpu.memory_space<vmem_shared>>) offsets(%dma_start3A_133 : memref<128xi32, #tpu.memory_space<vmem>>) semaphore(%arg11 : memref<!tpu.dma_semaphore, #tpu.memory_space<semaphore_mem>>) {add = true}
      } else {
      }
      %add3A_81 = arith.constant 0 : i32
      %add3A_82 = arith.addi %add3A_35, %add3A_81 : i32
      %lt3A_83 = arith.cmpi slt, %add3A_82, %min3A : i32
      %convert_element_type3A_84 = arith.extui %lt3A_83 : i1 to i32
      %cond3A_85 = arith.constant 0 : i32
      %cond3A_86 = arith.cmpi ne, %convert_element_type3A_84, %cond3A_85 : i32
      scf.if %cond3A_86 {
        %add3A_129 = arith.constant 0 : i32
        %add3A_130 = arith.addi %add3A_35, %add3A_129 : i32
        %add3A_131 = arith.addi %add3A_130, %sub3A_9 : i32
        %dma_wait3A = arith.constant 0 : i32
        %dma_wait3A_132 = tpu.memref_slice %arg7[%add3A_131, %dma_wait3A] : memref<80x128xi32, #tpu.memory_space<vmem>> -> memref<1x128xi32, #tpu.memory_space<vmem>>
        %dma_wait3A_133 = tpu.memref_squeeze %dma_wait3A_132 : memref<1x128xi32, #tpu.memory_space<vmem>> -> memref<128xi32, #tpu.memory_space<vmem>>
        %dma_wait3A_134 = arith.constant 0 : i32
        %dma_wait3A_135 = tpu.memref_slice %arg10[%dma_wait3A_134] : memref<10240xf32, #tpu.memory_space<vmem_shared>> -> memref<10240xf32, #tpu.memory_space<vmem_shared>>
        tpu.wait_indirect_dma semaphore(%arg11 : memref<!tpu.dma_semaphore, #tpu.memory_space<semaphore_mem>>) src(%arg8 : memref<128xf32, #tpu.memory_space<vmem>>) dst(%dma_wait3A_135 : memref<10240xf32, #tpu.memory_space<vmem_shared>>)
      } else {
      }
      %add3A_87 = arith.constant 1 : i32
      %add3A_88 = arith.addi %add3A_35, %add3A_87 : i32
      %lt3A_89 = arith.cmpi slt, %add3A_88, %min3A : i32
      %convert_element_type3A_90 = arith.extui %lt3A_89 : i1 to i32
      %cond3A_91 = arith.constant 0 : i32
      %cond3A_92 = arith.cmpi ne, %convert_element_type3A_90, %cond3A_91 : i32
      scf.if %cond3A_92 {
        %add3A_129 = arith.constant 1 : i32
        %add3A_130 = arith.addi %add3A_35, %add3A_129 : i32
        %add3A_131 = arith.addi %add3A_130, %sub3A_9 : i32
        %dma_wait3A = arith.constant 0 : i32
        %dma_wait3A_132 = tpu.memref_slice %arg7[%add3A_131, %dma_wait3A] : memref<80x128xi32, #tpu.memory_space<vmem>> -> memref<1x128xi32, #tpu.memory_space<vmem>>
        %dma_wait3A_133 = tpu.memref_squeeze %dma_wait3A_132 : memref<1x128xi32, #tpu.memory_space<vmem>> -> memref<128xi32, #tpu.memory_space<vmem>>
        %dma_wait3A_134 = arith.constant 0 : i32
        %dma_wait3A_135 = tpu.memref_slice %arg10[%dma_wait3A_134] : memref<10240xf32, #tpu.memory_space<vmem_shared>> -> memref<10240xf32, #tpu.memory_space<vmem_shared>>
        tpu.wait_indirect_dma semaphore(%arg11 : memref<!tpu.dma_semaphore, #tpu.memory_space<semaphore_mem>>) src(%arg8 : memref<128xf32, #tpu.memory_space<vmem>>) dst(%dma_wait3A_135 : memref<10240xf32, #tpu.memory_space<vmem_shared>>)
      } else {
      }
      %add3A_93 = arith.constant 2 : i32
      %add3A_94 = arith.addi %add3A_35, %add3A_93 : i32
      %lt3A_95 = arith.cmpi slt, %add3A_94, %min3A : i32
      %convert_element_type3A_96 = arith.extui %lt3A_95 : i1 to i32
      %cond3A_97 = arith.constant 0 : i32
      %cond3A_98 = arith.cmpi ne, %convert_element_type3A_96, %cond3A_97 : i32
      scf.if %cond3A_98 {
        %add3A_129 = arith.constant 2 : i32
        %add3A_130 = arith.addi %add3A_35, %add3A_129 : i32
        %add3A_131 = arith.addi %add3A_130, %sub3A_9 : i32
        %dma_wait3A = arith.constant 0 : i32
        %dma_wait3A_132 = tpu.memref_slice %arg7[%add3A_131, %dma_wait3A] : memref<80x128xi32, #tpu.memory_space<vmem>> -> memref<1x128xi32, #tpu.memory_space<vmem>>
        %dma_wait3A_133 = tpu.memref_squeeze %dma_wait3A_132 : memref<1x128xi32, #tpu.memory_space<vmem>> -> memref<128xi32, #tpu.memory_space<vmem>>
        %dma_wait3A_134 = arith.constant 0 : i32
        %dma_wait3A_135 = tpu.memref_slice %arg10[%dma_wait3A_134] : memref<10240xf32, #tpu.memory_space<vmem_shared>> -> memref<10240xf32, #tpu.memory_space<vmem_shared>>
        tpu.wait_indirect_dma semaphore(%arg11 : memref<!tpu.dma_semaphore, #tpu.memory_space<semaphore_mem>>) src(%arg8 : memref<128xf32, #tpu.memory_space<vmem>>) dst(%dma_wait3A_135 : memref<10240xf32, #tpu.memory_space<vmem_shared>>)
      } else {
      }
      %add3A_99 = arith.constant 3 : i32
      %add3A_100 = arith.addi %add3A_35, %add3A_99 : i32
      %lt3A_101 = arith.cmpi slt, %add3A_100, %min3A : i32
      %convert_element_type3A_102 = arith.extui %lt3A_101 : i1 to i32
      %cond3A_103 = arith.constant 0 : i32
      %cond3A_104 = arith.cmpi ne, %convert_element_type3A_102, %cond3A_103 : i32
      scf.if %cond3A_104 {
        %add3A_129 = arith.constant 3 : i32
        %add3A_130 = arith.addi %add3A_35, %add3A_129 : i32
        %add3A_131 = arith.addi %add3A_130, %sub3A_9 : i32
        %dma_wait3A = arith.constant 0 : i32
        %dma_wait3A_132 = tpu.memref_slice %arg7[%add3A_131, %dma_wait3A] : memref<80x128xi32, #tpu.memory_space<vmem>> -> memref<1x128xi32, #tpu.memory_space<vmem>>
        %dma_wait3A_133 = tpu.memref_squeeze %dma_wait3A_132 : memref<1x128xi32, #tpu.memory_space<vmem>> -> memref<128xi32, #tpu.memory_space<vmem>>
        %dma_wait3A_134 = arith.constant 0 : i32
        %dma_wait3A_135 = tpu.memref_slice %arg10[%dma_wait3A_134] : memref<10240xf32, #tpu.memory_space<vmem_shared>> -> memref<10240xf32, #tpu.memory_space<vmem_shared>>
        tpu.wait_indirect_dma semaphore(%arg11 : memref<!tpu.dma_semaphore, #tpu.memory_space<semaphore_mem>>) src(%arg8 : memref<128xf32, #tpu.memory_space<vmem>>) dst(%dma_wait3A_135 : memref<10240xf32, #tpu.memory_space<vmem_shared>>)
      } else {
      }
      %add3A_105 = arith.constant 4 : i32
      %add3A_106 = arith.addi %add3A_35, %add3A_105 : i32
      %lt3A_107 = arith.cmpi slt, %add3A_106, %min3A : i32
      %convert_element_type3A_108 = arith.extui %lt3A_107 : i1 to i32
      %cond3A_109 = arith.constant 0 : i32
      %cond3A_110 = arith.cmpi ne, %convert_element_type3A_108, %cond3A_109 : i32
      scf.if %cond3A_110 {
        %add3A_129 = arith.constant 4 : i32
        %add3A_130 = arith.addi %add3A_35, %add3A_129 : i32
        %add3A_131 = arith.addi %add3A_130, %sub3A_9 : i32
        %dma_wait3A = arith.constant 0 : i32
        %dma_wait3A_132 = tpu.memref_slice %arg7[%add3A_131, %dma_wait3A] : memref<80x128xi32, #tpu.memory_space<vmem>> -> memref<1x128xi32, #tpu.memory_space<vmem>>
        %dma_wait3A_133 = tpu.memref_squeeze %dma_wait3A_132 : memref<1x128xi32, #tpu.memory_space<vmem>> -> memref<128xi32, #tpu.memory_space<vmem>>
        %dma_wait3A_134 = arith.constant 0 : i32
        %dma_wait3A_135 = tpu.memref_slice %arg10[%dma_wait3A_134] : memref<10240xf32, #tpu.memory_space<vmem_shared>> -> memref<10240xf32, #tpu.memory_space<vmem_shared>>
        tpu.wait_indirect_dma semaphore(%arg11 : memref<!tpu.dma_semaphore, #tpu.memory_space<semaphore_mem>>) src(%arg8 : memref<128xf32, #tpu.memory_space<vmem>>) dst(%dma_wait3A_135 : memref<10240xf32, #tpu.memory_space<vmem_shared>>)
      } else {
      }
      %add3A_111 = arith.constant 5 : i32
      %add3A_112 = arith.addi %add3A_35, %add3A_111 : i32
      %lt3A_113 = arith.cmpi slt, %add3A_112, %min3A : i32
      %convert_element_type3A_114 = arith.extui %lt3A_113 : i1 to i32
      %cond3A_115 = arith.constant 0 : i32
      %cond3A_116 = arith.cmpi ne, %convert_element_type3A_114, %cond3A_115 : i32
      scf.if %cond3A_116 {
        %add3A_129 = arith.constant 5 : i32
        %add3A_130 = arith.addi %add3A_35, %add3A_129 : i32
        %add3A_131 = arith.addi %add3A_130, %sub3A_9 : i32
        %dma_wait3A = arith.constant 0 : i32
        %dma_wait3A_132 = tpu.memref_slice %arg7[%add3A_131, %dma_wait3A] : memref<80x128xi32, #tpu.memory_space<vmem>> -> memref<1x128xi32, #tpu.memory_space<vmem>>
        %dma_wait3A_133 = tpu.memref_squeeze %dma_wait3A_132 : memref<1x128xi32, #tpu.memory_space<vmem>> -> memref<128xi32, #tpu.memory_space<vmem>>
        %dma_wait3A_134 = arith.constant 0 : i32
        %dma_wait3A_135 = tpu.memref_slice %arg10[%dma_wait3A_134] : memref<10240xf32, #tpu.memory_space<vmem_shared>> -> memref<10240xf32, #tpu.memory_space<vmem_shared>>
        tpu.wait_indirect_dma semaphore(%arg11 : memref<!tpu.dma_semaphore, #tpu.memory_space<semaphore_mem>>) src(%arg8 : memref<128xf32, #tpu.memory_space<vmem>>) dst(%dma_wait3A_135 : memref<10240xf32, #tpu.memory_space<vmem_shared>>)
      } else {
      }
      %add3A_117 = arith.constant 6 : i32
      %add3A_118 = arith.addi %add3A_35, %add3A_117 : i32
      %lt3A_119 = arith.cmpi slt, %add3A_118, %min3A : i32
      %convert_element_type3A_120 = arith.extui %lt3A_119 : i1 to i32
      %cond3A_121 = arith.constant 0 : i32
      %cond3A_122 = arith.cmpi ne, %convert_element_type3A_120, %cond3A_121 : i32
      scf.if %cond3A_122 {
        %add3A_129 = arith.constant 6 : i32
        %add3A_130 = arith.addi %add3A_35, %add3A_129 : i32
        %add3A_131 = arith.addi %add3A_130, %sub3A_9 : i32
        %dma_wait3A = arith.constant 0 : i32
        %dma_wait3A_132 = tpu.memref_slice %arg7[%add3A_131, %dma_wait3A] : memref<80x128xi32, #tpu.memory_space<vmem>> -> memref<1x128xi32, #tpu.memory_space<vmem>>
        %dma_wait3A_133 = tpu.memref_squeeze %dma_wait3A_132 : memref<1x128xi32, #tpu.memory_space<vmem>> -> memref<128xi32, #tpu.memory_space<vmem>>
        %dma_wait3A_134 = arith.constant 0 : i32
        %dma_wait3A_135 = tpu.memref_slice %arg10[%dma_wait3A_134] : memref<10240xf32, #tpu.memory_space<vmem_shared>> -> memref<10240xf32, #tpu.memory_space<vmem_shared>>
        tpu.wait_indirect_dma semaphore(%arg11 : memref<!tpu.dma_semaphore, #tpu.memory_space<semaphore_mem>>) src(%arg8 : memref<128xf32, #tpu.memory_space<vmem>>) dst(%dma_wait3A_135 : memref<10240xf32, #tpu.memory_space<vmem_shared>>)
      } else {
      }
      %add3A_123 = arith.constant 7 : i32
      %add3A_124 = arith.addi %add3A_35, %add3A_123 : i32
      %lt3A_125 = arith.cmpi slt, %add3A_124, %min3A : i32
      %convert_element_type3A_126 = arith.extui %lt3A_125 : i1 to i32
      %cond3A_127 = arith.constant 0 : i32
      %cond3A_128 = arith.cmpi ne, %convert_element_type3A_126, %cond3A_127 : i32
      scf.if %cond3A_128 {
        %add3A_129 = arith.constant 7 : i32
        %add3A_130 = arith.addi %add3A_35, %add3A_129 : i32
        %add3A_131 = arith.addi %add3A_130, %sub3A_9 : i32
        %dma_wait3A = arith.constant 0 : i32
        %dma_wait3A_132 = tpu.memref_slice %arg7[%add3A_131, %dma_wait3A] : memref<80x128xi32, #tpu.memory_space<vmem>> -> memref<1x128xi32, #tpu.memory_space<vmem>>
        %dma_wait3A_133 = tpu.memref_squeeze %dma_wait3A_132 : memref<1x128xi32, #tpu.memory_space<vmem>> -> memref<128xi32, #tpu.memory_space<vmem>>
        %dma_wait3A_134 = arith.constant 0 : i32
        %dma_wait3A_135 = tpu.memref_slice %arg10[%dma_wait3A_134] : memref<10240xf32, #tpu.memory_space<vmem_shared>> -> memref<10240xf32, #tpu.memory_space<vmem_shared>>
        tpu.wait_indirect_dma semaphore(%arg11 : memref<!tpu.dma_semaphore, #tpu.memory_space<semaphore_mem>>) src(%arg8 : memref<128xf32, #tpu.memory_space<vmem>>) dst(%dma_wait3A_135 : memref<10240xf32, #tpu.memory_space<vmem_shared>>)
      } else {
      }
    }
    %scan3A_29 = arith.constant 10 : i32
    %barrier3A_30 = arith.constant 0 : index
    tpu.barrier barrier_id(%barrier3A_30)
    "tpu.region"() ({
      %run_scoped3A = tpu.sem_alloc : memref<!tpu.dma_semaphore, #tpu.memory_space<semaphore_mem>>
      %dma_start3A = tpu.memref_slice %arg10[%mul3A_14] : memref<10240xf32, #tpu.memory_space<vmem_shared>> -> memref<640xf32, #tpu.memory_space<vmem_shared>>
      %dma_start3A_31 = tpu.memref_slice %arg10[%mul3A_14] : memref<10240xf32, #tpu.memory_space<vmem_shared>> -> memref<640xf32, #tpu.memory_space<vmem_shared>>
      tpu.enqueue_dma source(%dma_start3A_31 : memref<640xf32, #tpu.memory_space<vmem_shared>>) target(%arg9 : memref<640xf32, #tpu.memory_space<vmem>>) target_semaphore(%run_scoped3A : memref<!tpu.dma_semaphore, #tpu.memory_space<semaphore_mem>>)
      %dma_wait3A = tpu.memref_slice %arg10[%mul3A_14] : memref<10240xf32, #tpu.memory_space<vmem_shared>> -> memref<640xf32, #tpu.memory_space<vmem_shared>>
      %dma_wait3A_32 = tpu.memref_slice %arg10[%mul3A_14] : memref<10240xf32, #tpu.memory_space<vmem_shared>> -> memref<640xf32, #tpu.memory_space<vmem_shared>>
      tpu.wait_dma2 semaphore(%run_scoped3A : memref<!tpu.dma_semaphore, #tpu.memory_space<semaphore_mem>>) src(%dma_wait3A_32 : memref<640xf32, #tpu.memory_space<vmem_shared>>) dst(%arg9 : memref<640xf32, #tpu.memory_space<vmem>>)
      tpu.yield
    }) : () -> ()
    "tpu.region"() ({
      %run_scoped3A = tpu.sem_alloc : memref<!tpu.dma_semaphore, #tpu.memory_space<semaphore_mem>>
      %dma_start3A = arith.constant 0 : i32
      %dma_start3A_31 = tpu.memref_slice %arg5[%arg0, %dma_start3A] : memref<2x10240xf32, #tpu.memory_space<hbm>> -> memref<1x10240xf32, #tpu.memory_space<hbm>>
      %dma_start3A_32 = tpu.memref_squeeze %dma_start3A_31 : memref<1x10240xf32, #tpu.memory_space<hbm>> -> memref<10240xf32, #tpu.memory_space<hbm>>
      %dma_start3A_33 = tpu.memref_slice %dma_start3A_32[%mul3A_14] : memref<10240xf32, #tpu.memory_space<hbm>> -> memref<640xf32, #tpu.memory_space<hbm>>
      %dma_start3A_34 = arith.constant 0 : i32
      %dma_start3A_35 = tpu.memref_slice %arg5[%arg0, %dma_start3A_34] : memref<2x10240xf32, #tpu.memory_space<hbm>> -> memref<1x10240xf32, #tpu.memory_space<hbm>>
      %dma_start3A_36 = tpu.memref_squeeze %dma_start3A_35 : memref<1x10240xf32, #tpu.memory_space<hbm>> -> memref<10240xf32, #tpu.memory_space<hbm>>
      %dma_start3A_37 = tpu.memref_slice %dma_start3A_36[%mul3A_14] : memref<10240xf32, #tpu.memory_space<hbm>> -> memref<640xf32, #tpu.memory_space<hbm>>
      tpu.enqueue_dma source(%arg9 : memref<640xf32, #tpu.memory_space<vmem>>) target(%dma_start3A_37 : memref<640xf32, #tpu.memory_space<hbm>>) target_semaphore(%run_scoped3A : memref<!tpu.dma_semaphore, #tpu.memory_space<semaphore_mem>>)
      %dma_wait3A = arith.constant 0 : i32
      %dma_wait3A_38 = tpu.memref_slice %arg5[%arg0, %dma_wait3A] : memref<2x10240xf32, #tpu.memory_space<hbm>> -> memref<1x10240xf32, #tpu.memory_space<hbm>>
      %dma_wait3A_39 = tpu.memref_squeeze %dma_wait3A_38 : memref<1x10240xf32, #tpu.memory_space<hbm>> -> memref<10240xf32, #tpu.memory_space<hbm>>
      %dma_wait3A_40 = tpu.memref_slice %dma_wait3A_39[%mul3A_14] : memref<10240xf32, #tpu.memory_space<hbm>> -> memref<640xf32, #tpu.memory_space<hbm>>
      %dma_wait3A_41 = arith.constant 0 : i32
      %dma_wait3A_42 = tpu.memref_slice %arg5[%arg0, %dma_wait3A_41] : memref<2x10240xf32, #tpu.memory_space<hbm>> -> memref<1x10240xf32, #tpu.memory_space<hbm>>
      %dma_wait3A_43 = tpu.memref_squeeze %dma_wait3A_42 : memref<1x10240xf32, #tpu.memory_space<hbm>> -> memref<10240xf32, #tpu.memory_space<hbm>>
      %dma_wait3A_44 = tpu.memref_slice %dma_wait3A_43[%mul3A_14] : memref<10240xf32, #tpu.memory_space<hbm>> -> memref<640xf32, #tpu.memory_space<hbm>>
      tpu.wait_dma2 semaphore(%run_scoped3A : memref<!tpu.dma_semaphore, #tpu.memory_space<semaphore_mem>>) src(%arg9 : memref<640xf32, #tpu.memory_space<vmem>>) dst(%dma_wait3A_44 : memref<640xf32, #tpu.memory_space<hbm>>)
      tpu.yield
    }) : () -> ()
    return
  }
}

#map = affine_map<(d0, d1) -> (0)>
#map1 = affine_map<(d0, d1) -> (0, 0)>
module attributes {stable_mosaic.version = 14 : i64} {
  func.func @k(%arg0: i32, %arg1: i32, %arg2: memref<10240xf32, #tpu.memory_space<hbm>>, %arg3: memref<10240xf32, #tpu.memory_space<hbm>>, %arg4: memref<10240xf32, #tpu.memory_space<hbm>>, %arg5: memref<640000xi32, #tpu.memory_space<hbm>>, %arg6: memref<2560x128xi32, #tpu.memory_space<hbm>>, %arg7: memref<640xf32, #tpu.memory_space<hbm>>, %arg8: memref<2x10240xf32, #tpu.memory_space<hbm>>, %arg9: memref<2x10240xf32, #tpu.memory_space<hbm>>, %arg10: memref<2x10240xf32, #tpu.memory_space<hbm>>, %arg11: memref<10240xi32, #tpu.memory_space<vmem>>, %arg12: memref<80x128xi32, #tpu.memory_space<vmem>>, %arg13: memref<128xf32, #tpu.memory_space<vmem>>, %arg14: memref<128xf32, #tpu.memory_space<vmem>>, %arg15: memref<128xf32, #tpu.memory_space<vmem>>, %arg16: memref<128xf32, #tpu.memory_space<vmem>>, %arg17: memref<128xf32, #tpu.memory_space<vmem>>, %arg18: memref<128xf32, #tpu.memory_space<vmem>>, %arg19: memref<640xf32, #tpu.memory_space<vmem>>, %arg20: memref<10240xf32, #tpu.memory_space<vmem_shared>>, %arg21: memref<10240xf32, #tpu.memory_space<vmem_shared>>, %arg22: memref<10240xf32, #tpu.memory_space<vmem_shared>>, %arg23: memref<10240xf32, #tpu.memory_space<vmem_shared>>, %arg24: memref<10240xf32, #tpu.memory_space<vmem_shared>>, %arg25: memref<10240xf32, #tpu.memory_space<vmem_shared>>, %arg26: memref<!tpu.dma_semaphore, #tpu.memory_space<semaphore_mem>>, %arg27: memref<!tpu.dma_semaphore, #tpu.memory_space<semaphore_mem>>, %arg28: memref<!tpu.dma_semaphore, #tpu.memory_space<semaphore_mem>>, %arg29: memref<!tpu.dma_semaphore, #tpu.memory_space<semaphore_mem>>) attributes {dimension_semantics = [#tpu.dimension_semantics<core_parallel>, #tpu.dimension_semantics<subcore_parallel>], iteration_bounds = array<i64: 2, 16>, scalar_prefetch = 0 : i64, scratch_operands = 19 : i64, tpu.core_type = #tpu.core_type<sc_vector_subcore>, window_params = [{transform_indices = #map}, {transform_indices = #map}, {transform_indices = #map}, {transform_indices = #map}, {transform_indices = #map1}, {transform_indices = #map}, {transform_indices = #map1}, {transform_indices = #map1}, {transform_indices = #map1}]} {
    %mul3A = arith.constant 16 : i32
    %mul3A_0 = arith.muli %arg0, %mul3A : i32
    %add3A = arith.addi %mul3A_0, %arg1 : i32
    %mul3A_1 = arith.constant 80 : i32
    %mul3A_2 = arith.muli %add3A, %mul3A_1 : i32
    %sub3A = arith.constant 2500 : i32
    %sub3A_3 = arith.subi %sub3A, %mul3A_2 : i32
    %jit3A = arith.constant 0 : i32
    %jit3A_4 = arith.constant 80 : i32
    %max3A = arith.maxsi %jit3A, %sub3A_3 : i32
    %min3A = arith.minsi %jit3A_4, %max3A : i32
    %min3A_5 = arith.constant 2420 : i32
    %min3A_6 = arith.minsi %mul3A_2, %min3A_5 : i32
    %max3A_7 = arith.constant 0 : i32
    %max3A_8 = arith.maxsi %max3A_7, %min3A_6 : i32
    %sub3A_9 = arith.subi %mul3A_2, %max3A_8 : i32
    %mul3A_10 = arith.constant 16 : i32
    %mul3A_11 = arith.muli %arg0, %mul3A_10 : i32
    %add3A_12 = arith.addi %mul3A_11, %arg1 : i32
    %mul3A_13 = arith.constant 640 : i32
    %mul3A_14 = arith.muli %arg1, %mul3A_13 : i32
    "tpu.region"() ({
      %run_scoped3A = tpu.sem_alloc : memref<!tpu.dma_semaphore, #tpu.memory_space<semaphore_mem>>
      %dma_start3A = tpu.memref_slice %arg2[%mul3A_14] : memref<10240xf32, #tpu.memory_space<hbm>> -> memref<640xf32, #tpu.memory_space<hbm>>
      %dma_start3A_124 = tpu.memref_slice %arg2[%mul3A_14] : memref<10240xf32, #tpu.memory_space<hbm>> -> memref<640xf32, #tpu.memory_space<hbm>>
      tpu.enqueue_dma source(%dma_start3A_124 : memref<640xf32, #tpu.memory_space<hbm>>) target(%arg19 : memref<640xf32, #tpu.memory_space<vmem>>) target_semaphore(%run_scoped3A : memref<!tpu.dma_semaphore, #tpu.memory_space<semaphore_mem>>)
      %dma_wait3A = tpu.memref_slice %arg2[%mul3A_14] : memref<10240xf32, #tpu.memory_space<hbm>> -> memref<640xf32, #tpu.memory_space<hbm>>
      %dma_wait3A_125 = tpu.memref_slice %arg2[%mul3A_14] : memref<10240xf32, #tpu.memory_space<hbm>> -> memref<640xf32, #tpu.memory_space<hbm>>
      tpu.wait_dma2 semaphore(%run_scoped3A : memref<!tpu.dma_semaphore, #tpu.memory_space<semaphore_mem>>) src(%dma_wait3A_125 : memref<640xf32, #tpu.memory_space<hbm>>) dst(%arg19 : memref<640xf32, #tpu.memory_space<vmem>>)
      tpu.yield
    }) : () -> ()
    "tpu.region"() ({
      %run_scoped3A = tpu.sem_alloc : memref<!tpu.dma_semaphore, #tpu.memory_space<semaphore_mem>>
      %dma_start3A = tpu.memref_slice %arg20[%mul3A_14] : memref<10240xf32, #tpu.memory_space<vmem_shared>> -> memref<640xf32, #tpu.memory_space<vmem_shared>>
      %dma_start3A_124 = tpu.memref_slice %arg20[%mul3A_14] : memref<10240xf32, #tpu.memory_space<vmem_shared>> -> memref<640xf32, #tpu.memory_space<vmem_shared>>
      tpu.enqueue_dma source(%arg19 : memref<640xf32, #tpu.memory_space<vmem>>) target(%dma_start3A_124 : memref<640xf32, #tpu.memory_space<vmem_shared>>) target_semaphore(%run_scoped3A : memref<!tpu.dma_semaphore, #tpu.memory_space<semaphore_mem>>)
      %dma_wait3A = tpu.memref_slice %arg20[%mul3A_14] : memref<10240xf32, #tpu.memory_space<vmem_shared>> -> memref<640xf32, #tpu.memory_space<vmem_shared>>
      %dma_wait3A_125 = tpu.memref_slice %arg20[%mul3A_14] : memref<10240xf32, #tpu.memory_space<vmem_shared>> -> memref<640xf32, #tpu.memory_space<vmem_shared>>
      tpu.wait_dma2 semaphore(%run_scoped3A : memref<!tpu.dma_semaphore, #tpu.memory_space<semaphore_mem>>) src(%arg19 : memref<640xf32, #tpu.memory_space<vmem>>) dst(%dma_wait3A_125 : memref<640xf32, #tpu.memory_space<vmem_shared>>)
      tpu.yield
    }) : () -> ()
    "tpu.region"() ({
      %run_scoped3A = tpu.sem_alloc : memref<!tpu.dma_semaphore, #tpu.memory_space<semaphore_mem>>
      %dma_start3A = tpu.memref_slice %arg3[%mul3A_14] : memref<10240xf32, #tpu.memory_space<hbm>> -> memref<640xf32, #tpu.memory_space<hbm>>
      %dma_start3A_124 = tpu.memref_slice %arg3[%mul3A_14] : memref<10240xf32, #tpu.memory_space<hbm>> -> memref<640xf32, #tpu.memory_space<hbm>>
      tpu.enqueue_dma source(%dma_start3A_124 : memref<640xf32, #tpu.memory_space<hbm>>) target(%arg19 : memref<640xf32, #tpu.memory_space<vmem>>) target_semaphore(%run_scoped3A : memref<!tpu.dma_semaphore, #tpu.memory_space<semaphore_mem>>)
      %dma_wait3A = tpu.memref_slice %arg3[%mul3A_14] : memref<10240xf32, #tpu.memory_space<hbm>> -> memref<640xf32, #tpu.memory_space<hbm>>
      %dma_wait3A_125 = tpu.memref_slice %arg3[%mul3A_14] : memref<10240xf32, #tpu.memory_space<hbm>> -> memref<640xf32, #tpu.memory_space<hbm>>
      tpu.wait_dma2 semaphore(%run_scoped3A : memref<!tpu.dma_semaphore, #tpu.memory_space<semaphore_mem>>) src(%dma_wait3A_125 : memref<640xf32, #tpu.memory_space<hbm>>) dst(%arg19 : memref<640xf32, #tpu.memory_space<vmem>>)
      tpu.yield
    }) : () -> ()
    "tpu.region"() ({
      %run_scoped3A = tpu.sem_alloc : memref<!tpu.dma_semaphore, #tpu.memory_space<semaphore_mem>>
      %dma_start3A = tpu.memref_slice %arg21[%mul3A_14] : memref<10240xf32, #tpu.memory_space<vmem_shared>> -> memref<640xf32, #tpu.memory_space<vmem_shared>>
      %dma_start3A_124 = tpu.memref_slice %arg21[%mul3A_14] : memref<10240xf32, #tpu.memory_space<vmem_shared>> -> memref<640xf32, #tpu.memory_space<vmem_shared>>
      tpu.enqueue_dma source(%arg19 : memref<640xf32, #tpu.memory_space<vmem>>) target(%dma_start3A_124 : memref<640xf32, #tpu.memory_space<vmem_shared>>) target_semaphore(%run_scoped3A : memref<!tpu.dma_semaphore, #tpu.memory_space<semaphore_mem>>)
      %dma_wait3A = tpu.memref_slice %arg21[%mul3A_14] : memref<10240xf32, #tpu.memory_space<vmem_shared>> -> memref<640xf32, #tpu.memory_space<vmem_shared>>
      %dma_wait3A_125 = tpu.memref_slice %arg21[%mul3A_14] : memref<10240xf32, #tpu.memory_space<vmem_shared>> -> memref<640xf32, #tpu.memory_space<vmem_shared>>
      tpu.wait_dma2 semaphore(%run_scoped3A : memref<!tpu.dma_semaphore, #tpu.memory_space<semaphore_mem>>) src(%arg19 : memref<640xf32, #tpu.memory_space<vmem>>) dst(%dma_wait3A_125 : memref<640xf32, #tpu.memory_space<vmem_shared>>)
      tpu.yield
    }) : () -> ()
    "tpu.region"() ({
      %run_scoped3A = tpu.sem_alloc : memref<!tpu.dma_semaphore, #tpu.memory_space<semaphore_mem>>
      %dma_start3A = tpu.memref_slice %arg4[%mul3A_14] : memref<10240xf32, #tpu.memory_space<hbm>> -> memref<640xf32, #tpu.memory_space<hbm>>
      %dma_start3A_124 = tpu.memref_slice %arg4[%mul3A_14] : memref<10240xf32, #tpu.memory_space<hbm>> -> memref<640xf32, #tpu.memory_space<hbm>>
      tpu.enqueue_dma source(%dma_start3A_124 : memref<640xf32, #tpu.memory_space<hbm>>) target(%arg19 : memref<640xf32, #tpu.memory_space<vmem>>) target_semaphore(%run_scoped3A : memref<!tpu.dma_semaphore, #tpu.memory_space<semaphore_mem>>)
      %dma_wait3A = tpu.memref_slice %arg4[%mul3A_14] : memref<10240xf32, #tpu.memory_space<hbm>> -> memref<640xf32, #tpu.memory_space<hbm>>
      %dma_wait3A_125 = tpu.memref_slice %arg4[%mul3A_14] : memref<10240xf32, #tpu.memory_space<hbm>> -> memref<640xf32, #tpu.memory_space<hbm>>
      tpu.wait_dma2 semaphore(%run_scoped3A : memref<!tpu.dma_semaphore, #tpu.memory_space<semaphore_mem>>) src(%dma_wait3A_125 : memref<640xf32, #tpu.memory_space<hbm>>) dst(%arg19 : memref<640xf32, #tpu.memory_space<vmem>>)
      tpu.yield
    }) : () -> ()
    "tpu.region"() ({
      %run_scoped3A = tpu.sem_alloc : memref<!tpu.dma_semaphore, #tpu.memory_space<semaphore_mem>>
      %dma_start3A = tpu.memref_slice %arg22[%mul3A_14] : memref<10240xf32, #tpu.memory_space<vmem_shared>> -> memref<640xf32, #tpu.memory_space<vmem_shared>>
      %dma_start3A_124 = tpu.memref_slice %arg22[%mul3A_14] : memref<10240xf32, #tpu.memory_space<vmem_shared>> -> memref<640xf32, #tpu.memory_space<vmem_shared>>
      tpu.enqueue_dma source(%arg19 : memref<640xf32, #tpu.memory_space<vmem>>) target(%dma_start3A_124 : memref<640xf32, #tpu.memory_space<vmem_shared>>) target_semaphore(%run_scoped3A : memref<!tpu.dma_semaphore, #tpu.memory_space<semaphore_mem>>)
      %dma_wait3A = tpu.memref_slice %arg22[%mul3A_14] : memref<10240xf32, #tpu.memory_space<vmem_shared>> -> memref<640xf32, #tpu.memory_space<vmem_shared>>
      %dma_wait3A_125 = tpu.memref_slice %arg22[%mul3A_14] : memref<10240xf32, #tpu.memory_space<vmem_shared>> -> memref<640xf32, #tpu.memory_space<vmem_shared>>
      tpu.wait_dma2 semaphore(%run_scoped3A : memref<!tpu.dma_semaphore, #tpu.memory_space<semaphore_mem>>) src(%arg19 : memref<640xf32, #tpu.memory_space<vmem>>) dst(%dma_wait3A_125 : memref<640xf32, #tpu.memory_space<vmem_shared>>)
      tpu.yield
    }) : () -> ()
    "tpu.region"() ({
      %run_scoped3A = tpu.sem_alloc : memref<!tpu.dma_semaphore, #tpu.memory_space<semaphore_mem>>
      tpu.enqueue_dma source(%arg7 : memref<640xf32, #tpu.memory_space<hbm>>) target(%arg19 : memref<640xf32, #tpu.memory_space<vmem>>) target_semaphore(%run_scoped3A : memref<!tpu.dma_semaphore, #tpu.memory_space<semaphore_mem>>)
      tpu.wait_dma2 semaphore(%run_scoped3A : memref<!tpu.dma_semaphore, #tpu.memory_space<semaphore_mem>>) src(%arg7 : memref<640xf32, #tpu.memory_space<hbm>>) dst(%arg19 : memref<640xf32, #tpu.memory_space<vmem>>)
      tpu.yield
    }) : () -> ()
    "tpu.region"() ({
      %run_scoped3A = tpu.sem_alloc : memref<!tpu.dma_semaphore, #tpu.memory_space<semaphore_mem>>
      %dma_start3A = tpu.memref_slice %arg23[%mul3A_14] : memref<10240xf32, #tpu.memory_space<vmem_shared>> -> memref<640xf32, #tpu.memory_space<vmem_shared>>
      %dma_start3A_124 = tpu.memref_slice %arg23[%mul3A_14] : memref<10240xf32, #tpu.memory_space<vmem_shared>> -> memref<640xf32, #tpu.memory_space<vmem_shared>>
      tpu.enqueue_dma source(%arg19 : memref<640xf32, #tpu.memory_space<vmem>>) target(%dma_start3A_124 : memref<640xf32, #tpu.memory_space<vmem_shared>>) target_semaphore(%run_scoped3A : memref<!tpu.dma_semaphore, #tpu.memory_space<semaphore_mem>>)
      %dma_wait3A = tpu.memref_slice %arg23[%mul3A_14] : memref<10240xf32, #tpu.memory_space<vmem_shared>> -> memref<640xf32, #tpu.memory_space<vmem_shared>>
      %dma_wait3A_125 = tpu.memref_slice %arg23[%mul3A_14] : memref<10240xf32, #tpu.memory_space<vmem_shared>> -> memref<640xf32, #tpu.memory_space<vmem_shared>>
      tpu.wait_dma2 semaphore(%run_scoped3A : memref<!tpu.dma_semaphore, #tpu.memory_space<semaphore_mem>>) src(%arg19 : memref<640xf32, #tpu.memory_space<vmem>>) dst(%dma_wait3A_125 : memref<640xf32, #tpu.memory_space<vmem_shared>>)
      tpu.yield
    }) : () -> ()
    "tpu.region"() ({
      %run_scoped3A = tpu.sem_alloc : memref<!tpu.dma_semaphore, #tpu.memory_space<semaphore_mem>>
      %dma_start3A = tpu.memref_slice %arg24[%mul3A_14] : memref<10240xf32, #tpu.memory_space<vmem_shared>> -> memref<640xf32, #tpu.memory_space<vmem_shared>>
      %dma_start3A_124 = tpu.memref_slice %arg24[%mul3A_14] : memref<10240xf32, #tpu.memory_space<vmem_shared>> -> memref<640xf32, #tpu.memory_space<vmem_shared>>
      tpu.enqueue_dma source(%arg19 : memref<640xf32, #tpu.memory_space<vmem>>) target(%dma_start3A_124 : memref<640xf32, #tpu.memory_space<vmem_shared>>) target_semaphore(%run_scoped3A : memref<!tpu.dma_semaphore, #tpu.memory_space<semaphore_mem>>)
      %dma_wait3A = tpu.memref_slice %arg24[%mul3A_14] : memref<10240xf32, #tpu.memory_space<vmem_shared>> -> memref<640xf32, #tpu.memory_space<vmem_shared>>
      %dma_wait3A_125 = tpu.memref_slice %arg24[%mul3A_14] : memref<10240xf32, #tpu.memory_space<vmem_shared>> -> memref<640xf32, #tpu.memory_space<vmem_shared>>
      tpu.wait_dma2 semaphore(%run_scoped3A : memref<!tpu.dma_semaphore, #tpu.memory_space<semaphore_mem>>) src(%arg19 : memref<640xf32, #tpu.memory_space<vmem>>) dst(%dma_wait3A_125 : memref<640xf32, #tpu.memory_space<vmem_shared>>)
      tpu.yield
    }) : () -> ()
    "tpu.region"() ({
      %run_scoped3A = tpu.sem_alloc : memref<!tpu.dma_semaphore, #tpu.memory_space<semaphore_mem>>
      %dma_start3A = tpu.memref_slice %arg25[%mul3A_14] : memref<10240xf32, #tpu.memory_space<vmem_shared>> -> memref<640xf32, #tpu.memory_space<vmem_shared>>
      %dma_start3A_124 = tpu.memref_slice %arg25[%mul3A_14] : memref<10240xf32, #tpu.memory_space<vmem_shared>> -> memref<640xf32, #tpu.memory_space<vmem_shared>>
      tpu.enqueue_dma source(%arg19 : memref<640xf32, #tpu.memory_space<vmem>>) target(%dma_start3A_124 : memref<640xf32, #tpu.memory_space<vmem_shared>>) target_semaphore(%run_scoped3A : memref<!tpu.dma_semaphore, #tpu.memory_space<semaphore_mem>>)
      %dma_wait3A = tpu.memref_slice %arg25[%mul3A_14] : memref<10240xf32, #tpu.memory_space<vmem_shared>> -> memref<640xf32, #tpu.memory_space<vmem_shared>>
      %dma_wait3A_125 = tpu.memref_slice %arg25[%mul3A_14] : memref<10240xf32, #tpu.memory_space<vmem_shared>> -> memref<640xf32, #tpu.memory_space<vmem_shared>>
      tpu.wait_dma2 semaphore(%run_scoped3A : memref<!tpu.dma_semaphore, #tpu.memory_space<semaphore_mem>>) src(%arg19 : memref<640xf32, #tpu.memory_space<vmem>>) dst(%dma_wait3A_125 : memref<640xf32, #tpu.memory_space<vmem_shared>>)
      tpu.yield
    }) : () -> ()
    %mul3A_15 = arith.constant 128 : i32
    %mul3A_16 = arith.muli %max3A_8, %mul3A_15 : i32
    "tpu.region"() ({
      %run_scoped3A = tpu.sem_alloc : memref<!tpu.dma_semaphore, #tpu.memory_space<semaphore_mem>>
      %dma_start3A = tpu.memref_slice %arg5[%mul3A_16] : memref<640000xi32, #tpu.memory_space<hbm>> -> memref<10240xi32, #tpu.memory_space<hbm>>
      %dma_start3A_124 = tpu.memref_slice %arg5[%mul3A_16] : memref<640000xi32, #tpu.memory_space<hbm>> -> memref<10240xi32, #tpu.memory_space<hbm>>
      tpu.enqueue_dma source(%dma_start3A_124 : memref<10240xi32, #tpu.memory_space<hbm>>) target(%arg11 : memref<10240xi32, #tpu.memory_space<vmem>>) target_semaphore(%run_scoped3A : memref<!tpu.dma_semaphore, #tpu.memory_space<semaphore_mem>>)
      %dma_wait3A = tpu.memref_slice %arg5[%mul3A_16] : memref<640000xi32, #tpu.memory_space<hbm>> -> memref<10240xi32, #tpu.memory_space<hbm>>
      %dma_wait3A_125 = tpu.memref_slice %arg5[%mul3A_16] : memref<640000xi32, #tpu.memory_space<hbm>> -> memref<10240xi32, #tpu.memory_space<hbm>>
      tpu.wait_dma2 semaphore(%run_scoped3A : memref<!tpu.dma_semaphore, #tpu.memory_space<semaphore_mem>>) src(%dma_wait3A_125 : memref<10240xi32, #tpu.memory_space<hbm>>) dst(%arg11 : memref<10240xi32, #tpu.memory_space<vmem>>)
      tpu.yield
    }) : () -> ()
    %mul3A_17 = arith.constant 80 : i32
    %mul3A_18 = arith.muli %add3A_12, %mul3A_17 : i32
    "tpu.region"() ({
      %run_scoped3A = tpu.sem_alloc : memref<!tpu.dma_semaphore, #tpu.memory_space<semaphore_mem>>
      %dma_start3A = arith.constant 0 : i32
      %dma_start3A_124 = tpu.memref_slice %arg6[%mul3A_18, %dma_start3A] : memref<2560x128xi32, #tpu.memory_space<hbm>> -> memref<80x128xi32, #tpu.memory_space<hbm>>
      %dma_start3A_125 = arith.constant 0 : i32
      %dma_start3A_126 = tpu.memref_slice %arg6[%mul3A_18, %dma_start3A_125] : memref<2560x128xi32, #tpu.memory_space<hbm>> -> memref<80x128xi32, #tpu.memory_space<hbm>>
      tpu.enqueue_dma source(%dma_start3A_126 : memref<80x128xi32, #tpu.memory_space<hbm>>) target(%arg12 : memref<80x128xi32, #tpu.memory_space<vmem>>) target_semaphore(%run_scoped3A : memref<!tpu.dma_semaphore, #tpu.memory_space<semaphore_mem>>)
      %dma_wait3A = arith.constant 0 : i32
      %dma_wait3A_127 = tpu.memref_slice %arg6[%mul3A_18, %dma_wait3A] : memref<2560x128xi32, #tpu.memory_space<hbm>> -> memref<80x128xi32, #tpu.memory_space<hbm>>
      %dma_wait3A_128 = arith.constant 0 : i32
      %dma_wait3A_129 = tpu.memref_slice %arg6[%mul3A_18, %dma_wait3A_128] : memref<2560x128xi32, #tpu.memory_space<hbm>> -> memref<80x128xi32, #tpu.memory_space<hbm>>
      tpu.wait_dma2 semaphore(%run_scoped3A : memref<!tpu.dma_semaphore, #tpu.memory_space<semaphore_mem>>) src(%dma_wait3A_129 : memref<80x128xi32, #tpu.memory_space<hbm>>) dst(%arg12 : memref<80x128xi32, #tpu.memory_space<vmem>>)
      tpu.yield
    }) : () -> ()
    %barrier3A = arith.constant 0 : index
    tpu.barrier barrier_id(%barrier3A)
    %gt3A = arith.constant 0 : i32
    %gt3A_19 = arith.cmpi sgt, %min3A, %gt3A : i32
    %convert_element_type3A = arith.extui %gt3A_19 : i1 to i32
    %cond3A = arith.constant 0 : i32
    %cond3A_20 = arith.cmpi ne, %convert_element_type3A, %cond3A : i32
    scf.if %cond3A_20 {
      %add3A_124 = arith.constant 0 : i32
      %add3A_125 = arith.addi %add3A_124, %sub3A_9 : i32
      %mul3A_126 = arith.constant 128 : i32
      %mul3A_127 = arith.muli %add3A_125, %mul3A_126 : i32
      %dma_start3A = tpu.memref_slice %arg11[%mul3A_127] : memref<10240xi32, #tpu.memory_space<vmem>> -> memref<128xi32, #tpu.memory_space<vmem>>
      %dma_start3A_128 = arith.constant 0 : i32
      %dma_start3A_129 = tpu.memref_slice %arg20[%dma_start3A_128] : memref<10240xf32, #tpu.memory_space<vmem_shared>> -> memref<10240xf32, #tpu.memory_space<vmem_shared>>
      tpu.enqueue_indirect_dma source(%dma_start3A_129 : memref<10240xf32, #tpu.memory_space<vmem_shared>>) target(%arg13 : memref<128xf32, #tpu.memory_space<vmem>>) offsets(%dma_start3A : memref<128xi32, #tpu.memory_space<vmem>>) semaphore(%arg26 : memref<!tpu.dma_semaphore, #tpu.memory_space<semaphore_mem>>)
      %add3A_130 = arith.constant 0 : i32
      %add3A_131 = arith.addi %add3A_130, %sub3A_9 : i32
      %mul3A_132 = arith.constant 128 : i32
      %mul3A_133 = arith.muli %add3A_131, %mul3A_132 : i32
      %dma_start3A_134 = tpu.memref_slice %arg11[%mul3A_133] : memref<10240xi32, #tpu.memory_space<vmem>> -> memref<128xi32, #tpu.memory_space<vmem>>
      %dma_start3A_135 = arith.constant 0 : i32
      %dma_start3A_136 = tpu.memref_slice %arg21[%dma_start3A_135] : memref<10240xf32, #tpu.memory_space<vmem_shared>> -> memref<10240xf32, #tpu.memory_space<vmem_shared>>
      tpu.enqueue_indirect_dma source(%dma_start3A_136 : memref<10240xf32, #tpu.memory_space<vmem_shared>>) target(%arg14 : memref<128xf32, #tpu.memory_space<vmem>>) offsets(%dma_start3A_134 : memref<128xi32, #tpu.memory_space<vmem>>) semaphore(%arg26 : memref<!tpu.dma_semaphore, #tpu.memory_space<semaphore_mem>>)
      %add3A_137 = arith.constant 0 : i32
      %add3A_138 = arith.addi %add3A_137, %sub3A_9 : i32
      %mul3A_139 = arith.constant 128 : i32
      %mul3A_140 = arith.muli %add3A_138, %mul3A_139 : i32
      %dma_start3A_141 = tpu.memref_slice %arg11[%mul3A_140] : memref<10240xi32, #tpu.memory_space<vmem>> -> memref<128xi32, #tpu.memory_space<vmem>>
      %dma_start3A_142 = arith.constant 0 : i32
      %dma_start3A_143 = tpu.memref_slice %arg22[%dma_start3A_142] : memref<10240xf32, #tpu.memory_space<vmem_shared>> -> memref<10240xf32, #tpu.memory_space<vmem_shared>>
      tpu.enqueue_indirect_dma source(%dma_start3A_143 : memref<10240xf32, #tpu.memory_space<vmem_shared>>) target(%arg15 : memref<128xf32, #tpu.memory_space<vmem>>) offsets(%dma_start3A_141 : memref<128xi32, #tpu.memory_space<vmem>>) semaphore(%arg26 : memref<!tpu.dma_semaphore, #tpu.memory_space<semaphore_mem>>)
    } else {
    }
    %gt3A_21 = arith.constant 1 : i32
    %gt3A_22 = arith.cmpi sgt, %min3A, %gt3A_21 : i32
    %convert_element_type3A_23 = arith.extui %gt3A_22 : i1 to i32
    %cond3A_24 = arith.constant 0 : i32
    %cond3A_25 = arith.cmpi ne, %convert_element_type3A_23, %cond3A_24 : i32
    scf.if %cond3A_25 {
      %add3A_124 = arith.constant 1 : i32
      %add3A_125 = arith.addi %add3A_124, %sub3A_9 : i32
      %mul3A_126 = arith.constant 128 : i32
      %mul3A_127 = arith.muli %add3A_125, %mul3A_126 : i32
      %dma_start3A = tpu.memref_slice %arg11[%mul3A_127] : memref<10240xi32, #tpu.memory_space<vmem>> -> memref<128xi32, #tpu.memory_space<vmem>>
      %dma_start3A_128 = arith.constant 0 : i32
      %dma_start3A_129 = tpu.memref_slice %arg20[%dma_start3A_128] : memref<10240xf32, #tpu.memory_space<vmem_shared>> -> memref<10240xf32, #tpu.memory_space<vmem_shared>>
      tpu.enqueue_indirect_dma source(%dma_start3A_129 : memref<10240xf32, #tpu.memory_space<vmem_shared>>) target(%arg16 : memref<128xf32, #tpu.memory_space<vmem>>) offsets(%dma_start3A : memref<128xi32, #tpu.memory_space<vmem>>) semaphore(%arg27 : memref<!tpu.dma_semaphore, #tpu.memory_space<semaphore_mem>>)
      %add3A_130 = arith.constant 1 : i32
      %add3A_131 = arith.addi %add3A_130, %sub3A_9 : i32
      %mul3A_132 = arith.constant 128 : i32
      %mul3A_133 = arith.muli %add3A_131, %mul3A_132 : i32
      %dma_start3A_134 = tpu.memref_slice %arg11[%mul3A_133] : memref<10240xi32, #tpu.memory_space<vmem>> -> memref<128xi32, #tpu.memory_space<vmem>>
      %dma_start3A_135 = arith.constant 0 : i32
      %dma_start3A_136 = tpu.memref_slice %arg21[%dma_start3A_135] : memref<10240xf32, #tpu.memory_space<vmem_shared>> -> memref<10240xf32, #tpu.memory_space<vmem_shared>>
      tpu.enqueue_indirect_dma source(%dma_start3A_136 : memref<10240xf32, #tpu.memory_space<vmem_shared>>) target(%arg17 : memref<128xf32, #tpu.memory_space<vmem>>) offsets(%dma_start3A_134 : memref<128xi32, #tpu.memory_space<vmem>>) semaphore(%arg27 : memref<!tpu.dma_semaphore, #tpu.memory_space<semaphore_mem>>)
      %add3A_137 = arith.constant 1 : i32
      %add3A_138 = arith.addi %add3A_137, %sub3A_9 : i32
      %mul3A_139 = arith.constant 128 : i32
      %mul3A_140 = arith.muli %add3A_138, %mul3A_139 : i32
      %dma_start3A_141 = tpu.memref_slice %arg11[%mul3A_140] : memref<10240xi32, #tpu.memory_space<vmem>> -> memref<128xi32, #tpu.memory_space<vmem>>
      %dma_start3A_142 = arith.constant 0 : i32
      %dma_start3A_143 = tpu.memref_slice %arg22[%dma_start3A_142] : memref<10240xf32, #tpu.memory_space<vmem_shared>> -> memref<10240xf32, #tpu.memory_space<vmem_shared>>
      tpu.enqueue_indirect_dma source(%dma_start3A_143 : memref<10240xf32, #tpu.memory_space<vmem_shared>>) target(%arg18 : memref<128xf32, #tpu.memory_space<vmem>>) offsets(%dma_start3A_141 : memref<128xi32, #tpu.memory_space<vmem>>) semaphore(%arg27 : memref<!tpu.dma_semaphore, #tpu.memory_space<semaphore_mem>>)
    } else {
    }
    %scan3A = arith.constant 0 : i32
    %scan3A_26 = arith.constant 40 : i32
    %scan3A_27 = arith.addi %scan3A, %scan3A_26 : i32
    %scan3A_28 = arith.constant 1 : i32
    scf.for %scan3A_124 = %scan3A to %scan3A_27 step %scan3A_28  : i32 {
      %mul3A_125 = arith.constant 2 : i32
      %mul3A_126 = arith.muli %scan3A_124, %mul3A_125 : i32
      %add3A_127 = arith.constant 0 : i32
      %add3A_128 = arith.addi %add3A_127, %mul3A_126 : i32
      %lt3A_129 = arith.cmpi slt, %add3A_128, %min3A : i32
      %convert_element_type3A_130 = arith.extui %lt3A_129 : i1 to i32
      %cond3A_131 = arith.constant 0 : i32
      %cond3A_132 = arith.cmpi ne, %convert_element_type3A_130, %cond3A_131 : i32
      scf.if %cond3A_132 {
        %add3A_151 = arith.addi %add3A_128, %sub3A_9 : i32
        %mul3A_152 = arith.constant 128 : i32
        %mul3A_153 = arith.muli %add3A_151, %mul3A_152 : i32
        %dma_wait3A = tpu.memref_slice %arg11[%mul3A_153] : memref<10240xi32, #tpu.memory_space<vmem>> -> memref<128xi32, #tpu.memory_space<vmem>>
        %dma_wait3A_154 = arith.constant 0 : i32
        %dma_wait3A_155 = tpu.memref_slice %arg20[%dma_wait3A_154] : memref<10240xf32, #tpu.memory_space<vmem_shared>> -> memref<10240xf32, #tpu.memory_space<vmem_shared>>
        tpu.wait_indirect_dma semaphore(%arg26 : memref<!tpu.dma_semaphore, #tpu.memory_space<semaphore_mem>>) src(%dma_wait3A_155 : memref<10240xf32, #tpu.memory_space<vmem_shared>>) dst(%arg13 : memref<128xf32, #tpu.memory_space<vmem>>)
        %add3A_156 = arith.addi %add3A_128, %sub3A_9 : i32
        %mul3A_157 = arith.constant 128 : i32
        %mul3A_158 = arith.muli %add3A_156, %mul3A_157 : i32
        %dma_wait3A_159 = tpu.memref_slice %arg11[%mul3A_158] : memref<10240xi32, #tpu.memory_space<vmem>> -> memref<128xi32, #tpu.memory_space<vmem>>
        %dma_wait3A_160 = arith.constant 0 : i32
        %dma_wait3A_161 = tpu.memref_slice %arg21[%dma_wait3A_160] : memref<10240xf32, #tpu.memory_space<vmem_shared>> -> memref<10240xf32, #tpu.memory_space<vmem_shared>>
        tpu.wait_indirect_dma semaphore(%arg26 : memref<!tpu.dma_semaphore, #tpu.memory_space<semaphore_mem>>) src(%dma_wait3A_161 : memref<10240xf32, #tpu.memory_space<vmem_shared>>) dst(%arg14 : memref<128xf32, #tpu.memory_space<vmem>>)
        %add3A_162 = arith.addi %add3A_128, %sub3A_9 : i32
        %mul3A_163 = arith.constant 128 : i32
        %mul3A_164 = arith.muli %add3A_162, %mul3A_163 : i32
        %dma_wait3A_165 = tpu.memref_slice %arg11[%mul3A_164] : memref<10240xi32, #tpu.memory_space<vmem>> -> memref<128xi32, #tpu.memory_space<vmem>>
        %dma_wait3A_166 = arith.constant 0 : i32
        %dma_wait3A_167 = tpu.memref_slice %arg22[%dma_wait3A_166] : memref<10240xf32, #tpu.memory_space<vmem_shared>> -> memref<10240xf32, #tpu.memory_space<vmem_shared>>
        tpu.wait_indirect_dma semaphore(%arg26 : memref<!tpu.dma_semaphore, #tpu.memory_space<semaphore_mem>>) src(%dma_wait3A_167 : memref<10240xf32, #tpu.memory_space<vmem_shared>>) dst(%arg15 : memref<128xf32, #tpu.memory_space<vmem>>)
        %add3A_168 = arith.addi %add3A_128, %sub3A_9 : i32
        %dma_start3A = arith.constant 0 : i32
        %dma_start3A_169 = tpu.memref_slice %arg12[%add3A_168, %dma_start3A] : memref<80x128xi32, #tpu.memory_space<vmem>> -> memref<1x128xi32, #tpu.memory_space<vmem>>
        %dma_start3A_170 = tpu.memref_squeeze %dma_start3A_169 : memref<1x128xi32, #tpu.memory_space<vmem>> -> memref<128xi32, #tpu.memory_space<vmem>>
        %dma_start3A_171 = arith.constant 0 : i32
        %dma_start3A_172 = tpu.memref_slice %arg23[%dma_start3A_171] : memref<10240xf32, #tpu.memory_space<vmem_shared>> -> memref<10240xf32, #tpu.memory_space<vmem_shared>>
        tpu.enqueue_indirect_dma source(%arg13 : memref<128xf32, #tpu.memory_space<vmem>>) target(%dma_start3A_172 : memref<10240xf32, #tpu.memory_space<vmem_shared>>) offsets(%dma_start3A_170 : memref<128xi32, #tpu.memory_space<vmem>>) semaphore(%arg28 : memref<!tpu.dma_semaphore, #tpu.memory_space<semaphore_mem>>) {add = true}
        %add3A_173 = arith.addi %add3A_128, %sub3A_9 : i32
        %dma_start3A_174 = arith.constant 0 : i32
        %dma_start3A_175 = tpu.memref_slice %arg12[%add3A_173, %dma_start3A_174] : memref<80x128xi32, #tpu.memory_space<vmem>> -> memref<1x128xi32, #tpu.memory_space<vmem>>
        %dma_start3A_176 = tpu.memref_squeeze %dma_start3A_175 : memref<1x128xi32, #tpu.memory_space<vmem>> -> memref<128xi32, #tpu.memory_space<vmem>>
        %dma_start3A_177 = arith.constant 0 : i32
        %dma_start3A_178 = tpu.memref_slice %arg24[%dma_start3A_177] : memref<10240xf32, #tpu.memory_space<vmem_shared>> -> memref<10240xf32, #tpu.memory_space<vmem_shared>>
        tpu.enqueue_indirect_dma source(%arg14 : memref<128xf32, #tpu.memory_space<vmem>>) target(%dma_start3A_178 : memref<10240xf32, #tpu.memory_space<vmem_shared>>) offsets(%dma_start3A_176 : memref<128xi32, #tpu.memory_space<vmem>>) semaphore(%arg28 : memref<!tpu.dma_semaphore, #tpu.memory_space<semaphore_mem>>) {add = true}
        %add3A_179 = arith.addi %add3A_128, %sub3A_9 : i32
        %dma_start3A_180 = arith.constant 0 : i32
        %dma_start3A_181 = tpu.memref_slice %arg12[%add3A_179, %dma_start3A_180] : memref<80x128xi32, #tpu.memory_space<vmem>> -> memref<1x128xi32, #tpu.memory_space<vmem>>
        %dma_start3A_182 = tpu.memref_squeeze %dma_start3A_181 : memref<1x128xi32, #tpu.memory_space<vmem>> -> memref<128xi32, #tpu.memory_space<vmem>>
        %dma_start3A_183 = arith.constant 0 : i32
        %dma_start3A_184 = tpu.memref_slice %arg25[%dma_start3A_183] : memref<10240xf32, #tpu.memory_space<vmem_shared>> -> memref<10240xf32, #tpu.memory_space<vmem_shared>>
        tpu.enqueue_indirect_dma source(%arg15 : memref<128xf32, #tpu.memory_space<vmem>>) target(%dma_start3A_184 : memref<10240xf32, #tpu.memory_space<vmem_shared>>) offsets(%dma_start3A_182 : memref<128xi32, #tpu.memory_space<vmem>>) semaphore(%arg28 : memref<!tpu.dma_semaphore, #tpu.memory_space<semaphore_mem>>) {add = true}
      } else {
      }
      %add3A_133 = arith.constant 1 : i32
      %add3A_134 = arith.addi %add3A_128, %add3A_133 : i32
      %lt3A_135 = arith.cmpi slt, %add3A_134, %min3A : i32
      %convert_element_type3A_136 = arith.extui %lt3A_135 : i1 to i32
      %cond3A_137 = arith.constant 0 : i32
      %cond3A_138 = arith.cmpi ne, %convert_element_type3A_136, %cond3A_137 : i32
      scf.if %cond3A_138 {
        %add3A_151 = arith.constant 1 : i32
        %add3A_152 = arith.addi %add3A_128, %add3A_151 : i32
        %add3A_153 = arith.addi %add3A_152, %sub3A_9 : i32
        %mul3A_154 = arith.constant 128 : i32
        %mul3A_155 = arith.muli %add3A_153, %mul3A_154 : i32
        %dma_wait3A = tpu.memref_slice %arg11[%mul3A_155] : memref<10240xi32, #tpu.memory_space<vmem>> -> memref<128xi32, #tpu.memory_space<vmem>>
        %dma_wait3A_156 = arith.constant 0 : i32
        %dma_wait3A_157 = tpu.memref_slice %arg20[%dma_wait3A_156] : memref<10240xf32, #tpu.memory_space<vmem_shared>> -> memref<10240xf32, #tpu.memory_space<vmem_shared>>
        tpu.wait_indirect_dma semaphore(%arg27 : memref<!tpu.dma_semaphore, #tpu.memory_space<semaphore_mem>>) src(%dma_wait3A_157 : memref<10240xf32, #tpu.memory_space<vmem_shared>>) dst(%arg16 : memref<128xf32, #tpu.memory_space<vmem>>)
        %add3A_158 = arith.addi %add3A_152, %sub3A_9 : i32
        %mul3A_159 = arith.constant 128 : i32
        %mul3A_160 = arith.muli %add3A_158, %mul3A_159 : i32
        %dma_wait3A_161 = tpu.memref_slice %arg11[%mul3A_160] : memref<10240xi32, #tpu.memory_space<vmem>> -> memref<128xi32, #tpu.memory_space<vmem>>
        %dma_wait3A_162 = arith.constant 0 : i32
        %dma_wait3A_163 = tpu.memref_slice %arg21[%dma_wait3A_162] : memref<10240xf32, #tpu.memory_space<vmem_shared>> -> memref<10240xf32, #tpu.memory_space<vmem_shared>>
        tpu.wait_indirect_dma semaphore(%arg27 : memref<!tpu.dma_semaphore, #tpu.memory_space<semaphore_mem>>) src(%dma_wait3A_163 : memref<10240xf32, #tpu.memory_space<vmem_shared>>) dst(%arg17 : memref<128xf32, #tpu.memory_space<vmem>>)
        %add3A_164 = arith.addi %add3A_152, %sub3A_9 : i32
        %mul3A_165 = arith.constant 128 : i32
        %mul3A_166 = arith.muli %add3A_164, %mul3A_165 : i32
        %dma_wait3A_167 = tpu.memref_slice %arg11[%mul3A_166] : memref<10240xi32, #tpu.memory_space<vmem>> -> memref<128xi32, #tpu.memory_space<vmem>>
        %dma_wait3A_168 = arith.constant 0 : i32
        %dma_wait3A_169 = tpu.memref_slice %arg22[%dma_wait3A_168] : memref<10240xf32, #tpu.memory_space<vmem_shared>> -> memref<10240xf32, #tpu.memory_space<vmem_shared>>
        tpu.wait_indirect_dma semaphore(%arg27 : memref<!tpu.dma_semaphore, #tpu.memory_space<semaphore_mem>>) src(%dma_wait3A_169 : memref<10240xf32, #tpu.memory_space<vmem_shared>>) dst(%arg18 : memref<128xf32, #tpu.memory_space<vmem>>)
        %add3A_170 = arith.constant 1 : i32
        %add3A_171 = arith.addi %add3A_128, %add3A_170 : i32
        %add3A_172 = arith.addi %add3A_171, %sub3A_9 : i32
        %dma_start3A = arith.constant 0 : i32
        %dma_start3A_173 = tpu.memref_slice %arg12[%add3A_172, %dma_start3A] : memref<80x128xi32, #tpu.memory_space<vmem>> -> memref<1x128xi32, #tpu.memory_space<vmem>>
        %dma_start3A_174 = tpu.memref_squeeze %dma_start3A_173 : memref<1x128xi32, #tpu.memory_space<vmem>> -> memref<128xi32, #tpu.memory_space<vmem>>
        %dma_start3A_175 = arith.constant 0 : i32
        %dma_start3A_176 = tpu.memref_slice %arg23[%dma_start3A_175] : memref<10240xf32, #tpu.memory_space<vmem_shared>> -> memref<10240xf32, #tpu.memory_space<vmem_shared>>
        tpu.enqueue_indirect_dma source(%arg16 : memref<128xf32, #tpu.memory_space<vmem>>) target(%dma_start3A_176 : memref<10240xf32, #tpu.memory_space<vmem_shared>>) offsets(%dma_start3A_174 : memref<128xi32, #tpu.memory_space<vmem>>) semaphore(%arg29 : memref<!tpu.dma_semaphore, #tpu.memory_space<semaphore_mem>>) {add = true}
        %add3A_177 = arith.addi %add3A_171, %sub3A_9 : i32
        %dma_start3A_178 = arith.constant 0 : i32
        %dma_start3A_179 = tpu.memref_slice %arg12[%add3A_177, %dma_start3A_178] : memref<80x128xi32, #tpu.memory_space<vmem>> -> memref<1x128xi32, #tpu.memory_space<vmem>>
        %dma_start3A_180 = tpu.memref_squeeze %dma_start3A_179 : memref<1x128xi32, #tpu.memory_space<vmem>> -> memref<128xi32, #tpu.memory_space<vmem>>
        %dma_start3A_181 = arith.constant 0 : i32
        %dma_start3A_182 = tpu.memref_slice %arg24[%dma_start3A_181] : memref<10240xf32, #tpu.memory_space<vmem_shared>> -> memref<10240xf32, #tpu.memory_space<vmem_shared>>
        tpu.enqueue_indirect_dma source(%arg17 : memref<128xf32, #tpu.memory_space<vmem>>) target(%dma_start3A_182 : memref<10240xf32, #tpu.memory_space<vmem_shared>>) offsets(%dma_start3A_180 : memref<128xi32, #tpu.memory_space<vmem>>) semaphore(%arg29 : memref<!tpu.dma_semaphore, #tpu.memory_space<semaphore_mem>>) {add = true}
        %add3A_183 = arith.addi %add3A_171, %sub3A_9 : i32
        %dma_start3A_184 = arith.constant 0 : i32
        %dma_start3A_185 = tpu.memref_slice %arg12[%add3A_183, %dma_start3A_184] : memref<80x128xi32, #tpu.memory_space<vmem>> -> memref<1x128xi32, #tpu.memory_space<vmem>>
        %dma_start3A_186 = tpu.memref_squeeze %dma_start3A_185 : memref<1x128xi32, #tpu.memory_space<vmem>> -> memref<128xi32, #tpu.memory_space<vmem>>
        %dma_start3A_187 = arith.constant 0 : i32
        %dma_start3A_188 = tpu.memref_slice %arg25[%dma_start3A_187] : memref<10240xf32, #tpu.memory_space<vmem_shared>> -> memref<10240xf32, #tpu.memory_space<vmem_shared>>
        tpu.enqueue_indirect_dma source(%arg18 : memref<128xf32, #tpu.memory_space<vmem>>) target(%dma_start3A_188 : memref<10240xf32, #tpu.memory_space<vmem_shared>>) offsets(%dma_start3A_186 : memref<128xi32, #tpu.memory_space<vmem>>) semaphore(%arg29 : memref<!tpu.dma_semaphore, #tpu.memory_space<semaphore_mem>>) {add = true}
      } else {
      }
      %add3A_139 = arith.constant 2 : i32
      %add3A_140 = arith.addi %add3A_128, %add3A_139 : i32
      %lt3A_141 = arith.cmpi slt, %add3A_140, %min3A : i32
      %convert_element_type3A_142 = arith.extui %lt3A_141 : i1 to i32
      %cond3A_143 = arith.constant 0 : i32
      %cond3A_144 = arith.cmpi ne, %convert_element_type3A_142, %cond3A_143 : i32
      scf.if %cond3A_144 {
        %add3A_151 = arith.addi %add3A_128, %sub3A_9 : i32
        %dma_wait3A = arith.constant 0 : i32
        %dma_wait3A_152 = tpu.memref_slice %arg12[%add3A_151, %dma_wait3A] : memref<80x128xi32, #tpu.memory_space<vmem>> -> memref<1x128xi32, #tpu.memory_space<vmem>>
        %dma_wait3A_153 = tpu.memref_squeeze %dma_wait3A_152 : memref<1x128xi32, #tpu.memory_space<vmem>> -> memref<128xi32, #tpu.memory_space<vmem>>
        %dma_wait3A_154 = arith.constant 0 : i32
        %dma_wait3A_155 = tpu.memref_slice %arg23[%dma_wait3A_154] : memref<10240xf32, #tpu.memory_space<vmem_shared>> -> memref<10240xf32, #tpu.memory_space<vmem_shared>>
        tpu.wait_indirect_dma semaphore(%arg28 : memref<!tpu.dma_semaphore, #tpu.memory_space<semaphore_mem>>) src(%arg13 : memref<128xf32, #tpu.memory_space<vmem>>) dst(%dma_wait3A_155 : memref<10240xf32, #tpu.memory_space<vmem_shared>>)
        %add3A_156 = arith.addi %add3A_128, %sub3A_9 : i32
        %dma_wait3A_157 = arith.constant 0 : i32
        %dma_wait3A_158 = tpu.memref_slice %arg12[%add3A_156, %dma_wait3A_157] : memref<80x128xi32, #tpu.memory_space<vmem>> -> memref<1x128xi32, #tpu.memory_space<vmem>>
        %dma_wait3A_159 = tpu.memref_squeeze %dma_wait3A_158 : memref<1x128xi32, #tpu.memory_space<vmem>> -> memref<128xi32, #tpu.memory_space<vmem>>
        %dma_wait3A_160 = arith.constant 0 : i32
        %dma_wait3A_161 = tpu.memref_slice %arg24[%dma_wait3A_160] : memref<10240xf32, #tpu.memory_space<vmem_shared>> -> memref<10240xf32, #tpu.memory_space<vmem_shared>>
        tpu.wait_indirect_dma semaphore(%arg28 : memref<!tpu.dma_semaphore, #tpu.memory_space<semaphore_mem>>) src(%arg14 : memref<128xf32, #tpu.memory_space<vmem>>) dst(%dma_wait3A_161 : memref<10240xf32, #tpu.memory_space<vmem_shared>>)
        %add3A_162 = arith.addi %add3A_128, %sub3A_9 : i32
        %dma_wait3A_163 = arith.constant 0 : i32
        %dma_wait3A_164 = tpu.memref_slice %arg12[%add3A_162, %dma_wait3A_163] : memref<80x128xi32, #tpu.memory_space<vmem>> -> memref<1x128xi32, #tpu.memory_space<vmem>>
        %dma_wait3A_165 = tpu.memref_squeeze %dma_wait3A_164 : memref<1x128xi32, #tpu.memory_space<vmem>> -> memref<128xi32, #tpu.memory_space<vmem>>
        %dma_wait3A_166 = arith.constant 0 : i32
        %dma_wait3A_167 = tpu.memref_slice %arg25[%dma_wait3A_166] : memref<10240xf32, #tpu.memory_space<vmem_shared>> -> memref<10240xf32, #tpu.memory_space<vmem_shared>>
        tpu.wait_indirect_dma semaphore(%arg28 : memref<!tpu.dma_semaphore, #tpu.memory_space<semaphore_mem>>) src(%arg15 : memref<128xf32, #tpu.memory_space<vmem>>) dst(%dma_wait3A_167 : memref<10240xf32, #tpu.memory_space<vmem_shared>>)
        %add3A_168 = arith.constant 2 : i32
        %add3A_169 = arith.addi %add3A_128, %add3A_168 : i32
        %add3A_170 = arith.addi %add3A_169, %sub3A_9 : i32
        %mul3A_171 = arith.constant 128 : i32
        %mul3A_172 = arith.muli %add3A_170, %mul3A_171 : i32
        %dma_start3A = tpu.memref_slice %arg11[%mul3A_172] : memref<10240xi32, #tpu.memory_space<vmem>> -> memref<128xi32, #tpu.memory_space<vmem>>
        %dma_start3A_173 = arith.constant 0 : i32
        %dma_start3A_174 = tpu.memref_slice %arg20[%dma_start3A_173] : memref<10240xf32, #tpu.memory_space<vmem_shared>> -> memref<10240xf32, #tpu.memory_space<vmem_shared>>
        tpu.enqueue_indirect_dma source(%dma_start3A_174 : memref<10240xf32, #tpu.memory_space<vmem_shared>>) target(%arg13 : memref<128xf32, #tpu.memory_space<vmem>>) offsets(%dma_start3A : memref<128xi32, #tpu.memory_space<vmem>>) semaphore(%arg26 : memref<!tpu.dma_semaphore, #tpu.memory_space<semaphore_mem>>)
        %add3A_175 = arith.addi %add3A_169, %sub3A_9 : i32
        %mul3A_176 = arith.constant 128 : i32
        %mul3A_177 = arith.muli %add3A_175, %mul3A_176 : i32
        %dma_start3A_178 = tpu.memref_slice %arg11[%mul3A_177] : memref<10240xi32, #tpu.memory_space<vmem>> -> memref<128xi32, #tpu.memory_space<vmem>>
        %dma_start3A_179 = arith.constant 0 : i32
        %dma_start3A_180 = tpu.memref_slice %arg21[%dma_start3A_179] : memref<10240xf32, #tpu.memory_space<vmem_shared>> -> memref<10240xf32, #tpu.memory_space<vmem_shared>>
        tpu.enqueue_indirect_dma source(%dma_start3A_180 : memref<10240xf32, #tpu.memory_space<vmem_shared>>) target(%arg14 : memref<128xf32, #tpu.memory_space<vmem>>) offsets(%dma_start3A_178 : memref<128xi32, #tpu.memory_space<vmem>>) semaphore(%arg26 : memref<!tpu.dma_semaphore, #tpu.memory_space<semaphore_mem>>)
        %add3A_181 = arith.addi %add3A_169, %sub3A_9 : i32
        %mul3A_182 = arith.constant 128 : i32
        %mul3A_183 = arith.muli %add3A_181, %mul3A_182 : i32
        %dma_start3A_184 = tpu.memref_slice %arg11[%mul3A_183] : memref<10240xi32, #tpu.memory_space<vmem>> -> memref<128xi32, #tpu.memory_space<vmem>>
        %dma_start3A_185 = arith.constant 0 : i32
        %dma_start3A_186 = tpu.memref_slice %arg22[%dma_start3A_185] : memref<10240xf32, #tpu.memory_space<vmem_shared>> -> memref<10240xf32, #tpu.memory_space<vmem_shared>>
        tpu.enqueue_indirect_dma source(%dma_start3A_186 : memref<10240xf32, #tpu.memory_space<vmem_shared>>) target(%arg15 : memref<128xf32, #tpu.memory_space<vmem>>) offsets(%dma_start3A_184 : memref<128xi32, #tpu.memory_space<vmem>>) semaphore(%arg26 : memref<!tpu.dma_semaphore, #tpu.memory_space<semaphore_mem>>)
      } else {
      }
      %add3A_145 = arith.constant 3 : i32
      %add3A_146 = arith.addi %add3A_128, %add3A_145 : i32
      %lt3A_147 = arith.cmpi slt, %add3A_146, %min3A : i32
      %convert_element_type3A_148 = arith.extui %lt3A_147 : i1 to i32
      %cond3A_149 = arith.constant 0 : i32
      %cond3A_150 = arith.cmpi ne, %convert_element_type3A_148, %cond3A_149 : i32
      scf.if %cond3A_150 {
        %add3A_151 = arith.constant 1 : i32
        %add3A_152 = arith.addi %add3A_128, %add3A_151 : i32
        %add3A_153 = arith.addi %add3A_152, %sub3A_9 : i32
        %dma_wait3A = arith.constant 0 : i32
        %dma_wait3A_154 = tpu.memref_slice %arg12[%add3A_153, %dma_wait3A] : memref<80x128xi32, #tpu.memory_space<vmem>> -> memref<1x128xi32, #tpu.memory_space<vmem>>
        %dma_wait3A_155 = tpu.memref_squeeze %dma_wait3A_154 : memref<1x128xi32, #tpu.memory_space<vmem>> -> memref<128xi32, #tpu.memory_space<vmem>>
        %dma_wait3A_156 = arith.constant 0 : i32
        %dma_wait3A_157 = tpu.memref_slice %arg23[%dma_wait3A_156] : memref<10240xf32, #tpu.memory_space<vmem_shared>> -> memref<10240xf32, #tpu.memory_space<vmem_shared>>
        tpu.wait_indirect_dma semaphore(%arg29 : memref<!tpu.dma_semaphore, #tpu.memory_space<semaphore_mem>>) src(%arg16 : memref<128xf32, #tpu.memory_space<vmem>>) dst(%dma_wait3A_157 : memref<10240xf32, #tpu.memory_space<vmem_shared>>)
        %add3A_158 = arith.addi %add3A_152, %sub3A_9 : i32
        %dma_wait3A_159 = arith.constant 0 : i32
        %dma_wait3A_160 = tpu.memref_slice %arg12[%add3A_158, %dma_wait3A_159] : memref<80x128xi32, #tpu.memory_space<vmem>> -> memref<1x128xi32, #tpu.memory_space<vmem>>
        %dma_wait3A_161 = tpu.memref_squeeze %dma_wait3A_160 : memref<1x128xi32, #tpu.memory_space<vmem>> -> memref<128xi32, #tpu.memory_space<vmem>>
        %dma_wait3A_162 = arith.constant 0 : i32
        %dma_wait3A_163 = tpu.memref_slice %arg24[%dma_wait3A_162] : memref<10240xf32, #tpu.memory_space<vmem_shared>> -> memref<10240xf32, #tpu.memory_space<vmem_shared>>
        tpu.wait_indirect_dma semaphore(%arg29 : memref<!tpu.dma_semaphore, #tpu.memory_space<semaphore_mem>>) src(%arg17 : memref<128xf32, #tpu.memory_space<vmem>>) dst(%dma_wait3A_163 : memref<10240xf32, #tpu.memory_space<vmem_shared>>)
        %add3A_164 = arith.addi %add3A_152, %sub3A_9 : i32
        %dma_wait3A_165 = arith.constant 0 : i32
        %dma_wait3A_166 = tpu.memref_slice %arg12[%add3A_164, %dma_wait3A_165] : memref<80x128xi32, #tpu.memory_space<vmem>> -> memref<1x128xi32, #tpu.memory_space<vmem>>
        %dma_wait3A_167 = tpu.memref_squeeze %dma_wait3A_166 : memref<1x128xi32, #tpu.memory_space<vmem>> -> memref<128xi32, #tpu.memory_space<vmem>>
        %dma_wait3A_168 = arith.constant 0 : i32
        %dma_wait3A_169 = tpu.memref_slice %arg25[%dma_wait3A_168] : memref<10240xf32, #tpu.memory_space<vmem_shared>> -> memref<10240xf32, #tpu.memory_space<vmem_shared>>
        tpu.wait_indirect_dma semaphore(%arg29 : memref<!tpu.dma_semaphore, #tpu.memory_space<semaphore_mem>>) src(%arg18 : memref<128xf32, #tpu.memory_space<vmem>>) dst(%dma_wait3A_169 : memref<10240xf32, #tpu.memory_space<vmem_shared>>)
        %add3A_170 = arith.constant 3 : i32
        %add3A_171 = arith.addi %add3A_128, %add3A_170 : i32
        %add3A_172 = arith.addi %add3A_171, %sub3A_9 : i32
        %mul3A_173 = arith.constant 128 : i32
        %mul3A_174 = arith.muli %add3A_172, %mul3A_173 : i32
        %dma_start3A = tpu.memref_slice %arg11[%mul3A_174] : memref<10240xi32, #tpu.memory_space<vmem>> -> memref<128xi32, #tpu.memory_space<vmem>>
        %dma_start3A_175 = arith.constant 0 : i32
        %dma_start3A_176 = tpu.memref_slice %arg20[%dma_start3A_175] : memref<10240xf32, #tpu.memory_space<vmem_shared>> -> memref<10240xf32, #tpu.memory_space<vmem_shared>>
        tpu.enqueue_indirect_dma source(%dma_start3A_176 : memref<10240xf32, #tpu.memory_space<vmem_shared>>) target(%arg16 : memref<128xf32, #tpu.memory_space<vmem>>) offsets(%dma_start3A : memref<128xi32, #tpu.memory_space<vmem>>) semaphore(%arg27 : memref<!tpu.dma_semaphore, #tpu.memory_space<semaphore_mem>>)
        %add3A_177 = arith.addi %add3A_171, %sub3A_9 : i32
        %mul3A_178 = arith.constant 128 : i32
        %mul3A_179 = arith.muli %add3A_177, %mul3A_178 : i32
        %dma_start3A_180 = tpu.memref_slice %arg11[%mul3A_179] : memref<10240xi32, #tpu.memory_space<vmem>> -> memref<128xi32, #tpu.memory_space<vmem>>
        %dma_start3A_181 = arith.constant 0 : i32
        %dma_start3A_182 = tpu.memref_slice %arg21[%dma_start3A_181] : memref<10240xf32, #tpu.memory_space<vmem_shared>> -> memref<10240xf32, #tpu.memory_space<vmem_shared>>
        tpu.enqueue_indirect_dma source(%dma_start3A_182 : memref<10240xf32, #tpu.memory_space<vmem_shared>>) target(%arg17 : memref<128xf32, #tpu.memory_space<vmem>>) offsets(%dma_start3A_180 : memref<128xi32, #tpu.memory_space<vmem>>) semaphore(%arg27 : memref<!tpu.dma_semaphore, #tpu.memory_space<semaphore_mem>>)
        %add3A_183 = arith.addi %add3A_171, %sub3A_9 : i32
        %mul3A_184 = arith.constant 128 : i32
        %mul3A_185 = arith.muli %add3A_183, %mul3A_184 : i32
        %dma_start3A_186 = tpu.memref_slice %arg11[%mul3A_185] : memref<10240xi32, #tpu.memory_space<vmem>> -> memref<128xi32, #tpu.memory_space<vmem>>
        %dma_start3A_187 = arith.constant 0 : i32
        %dma_start3A_188 = tpu.memref_slice %arg22[%dma_start3A_187] : memref<10240xf32, #tpu.memory_space<vmem_shared>> -> memref<10240xf32, #tpu.memory_space<vmem_shared>>
        tpu.enqueue_indirect_dma source(%dma_start3A_188 : memref<10240xf32, #tpu.memory_space<vmem_shared>>) target(%arg18 : memref<128xf32, #tpu.memory_space<vmem>>) offsets(%dma_start3A_186 : memref<128xi32, #tpu.memory_space<vmem>>) semaphore(%arg27 : memref<!tpu.dma_semaphore, #tpu.memory_space<semaphore_mem>>)
      } else {
      }
    }
    %scan3A_29 = arith.constant 40 : i32
    %sub3A_30 = arith.constant 2 : i32
    %sub3A_31 = arith.subi %min3A, %sub3A_30 : i32
    %ge3A = arith.constant 0 : i32
    %ge3A_32 = arith.cmpi sge, %sub3A_31, %ge3A : i32
    %jit3A_33 = arith.constant 2 : i32
    %eq3A = arith.constant 0 : i32
    %eq3A_34 = arith.cmpi eq, %jit3A_33, %eq3A : i32
    %jit3A_35 = arith.constant 1 : i32
    %select_n3A = arith.select %eq3A_34, %jit3A_35, %jit3A_33 : i32
    %rem3A = arith.remsi %sub3A_31, %select_n3A : i32
    %ne3A = arith.constant 0 : i32
    %ne3A_36 = arith.cmpi ne, %rem3A, %ne3A : i32
    %lt3A = arith.constant 0 : i32
    %lt3A_37 = arith.cmpi slt, %rem3A, %lt3A : i32
    %lt3A_38 = arith.constant 0 : i32
    %lt3A_39 = arith.cmpi slt, %select_n3A, %lt3A_38 : i32
    %ne3A_40 = arith.xori %lt3A_37, %lt3A_39 : i1
    %and3A = arith.andi %ne3A_40, %ne3A_36 : i1
    %add3A_41 = arith.addi %rem3A, %select_n3A : i32
    %select_n3A_42 = arith.select %and3A, %add3A_41, %rem3A : i32
    %eq3A_43 = arith.constant 0 : i32
    %eq3A_44 = arith.cmpi eq, %select_n3A_42, %eq3A_43 : i32
    %and3A_45 = arith.andi %ge3A_32, %eq3A_44 : i1
    %convert_element_type3A_46 = arith.extui %and3A_45 : i1 to i32
    %cond3A_47 = arith.constant 0 : i32
    %cond3A_48 = arith.cmpi ne, %convert_element_type3A_46, %cond3A_47 : i32
    scf.if %cond3A_48 {
      %add3A_124 = arith.addi %sub3A_31, %sub3A_9 : i32
      %dma_wait3A = arith.constant 0 : i32
      %dma_wait3A_125 = tpu.memref_slice %arg12[%add3A_124, %dma_wait3A] : memref<80x128xi32, #tpu.memory_space<vmem>> -> memref<1x128xi32, #tpu.memory_space<vmem>>
      %dma_wait3A_126 = tpu.memref_squeeze %dma_wait3A_125 : memref<1x128xi32, #tpu.memory_space<vmem>> -> memref<128xi32, #tpu.memory_space<vmem>>
      %dma_wait3A_127 = arith.constant 0 : i32
      %dma_wait3A_128 = tpu.memref_slice %arg23[%dma_wait3A_127] : memref<10240xf32, #tpu.memory_space<vmem_shared>> -> memref<10240xf32, #tpu.memory_space<vmem_shared>>
      tpu.wait_indirect_dma semaphore(%arg28 : memref<!tpu.dma_semaphore, #tpu.memory_space<semaphore_mem>>) src(%arg13 : memref<128xf32, #tpu.memory_space<vmem>>) dst(%dma_wait3A_128 : memref<10240xf32, #tpu.memory_space<vmem_shared>>)
      %add3A_129 = arith.addi %sub3A_31, %sub3A_9 : i32
      %dma_wait3A_130 = arith.constant 0 : i32
      %dma_wait3A_131 = tpu.memref_slice %arg12[%add3A_129, %dma_wait3A_130] : memref<80x128xi32, #tpu.memory_space<vmem>> -> memref<1x128xi32, #tpu.memory_space<vmem>>
      %dma_wait3A_132 = tpu.memref_squeeze %dma_wait3A_131 : memref<1x128xi32, #tpu.memory_space<vmem>> -> memref<128xi32, #tpu.memory_space<vmem>>
      %dma_wait3A_133 = arith.constant 0 : i32
      %dma_wait3A_134 = tpu.memref_slice %arg24[%dma_wait3A_133] : memref<10240xf32, #tpu.memory_space<vmem_shared>> -> memref<10240xf32, #tpu.memory_space<vmem_shared>>
      tpu.wait_indirect_dma semaphore(%arg28 : memref<!tpu.dma_semaphore, #tpu.memory_space<semaphore_mem>>) src(%arg14 : memref<128xf32, #tpu.memory_space<vmem>>) dst(%dma_wait3A_134 : memref<10240xf32, #tpu.memory_space<vmem_shared>>)
      %add3A_135 = arith.addi %sub3A_31, %sub3A_9 : i32
      %dma_wait3A_136 = arith.constant 0 : i32
      %dma_wait3A_137 = tpu.memref_slice %arg12[%add3A_135, %dma_wait3A_136] : memref<80x128xi32, #tpu.memory_space<vmem>> -> memref<1x128xi32, #tpu.memory_space<vmem>>
      %dma_wait3A_138 = tpu.memref_squeeze %dma_wait3A_137 : memref<1x128xi32, #tpu.memory_space<vmem>> -> memref<128xi32, #tpu.memory_space<vmem>>
      %dma_wait3A_139 = arith.constant 0 : i32
      %dma_wait3A_140 = tpu.memref_slice %arg25[%dma_wait3A_139] : memref<10240xf32, #tpu.memory_space<vmem_shared>> -> memref<10240xf32, #tpu.memory_space<vmem_shared>>
      tpu.wait_indirect_dma semaphore(%arg28 : memref<!tpu.dma_semaphore, #tpu.memory_space<semaphore_mem>>) src(%arg15 : memref<128xf32, #tpu.memory_space<vmem>>) dst(%dma_wait3A_140 : memref<10240xf32, #tpu.memory_space<vmem_shared>>)
    } else {
    }
    %ge3A_49 = arith.constant 0 : i32
    %ge3A_50 = arith.cmpi sge, %sub3A_31, %ge3A_49 : i32
    %jit3A_51 = arith.constant 2 : i32
    %eq3A_52 = arith.constant 0 : i32
    %eq3A_53 = arith.cmpi eq, %jit3A_51, %eq3A_52 : i32
    %jit3A_54 = arith.constant 1 : i32
    %select_n3A_55 = arith.select %eq3A_53, %jit3A_54, %jit3A_51 : i32
    %rem3A_56 = arith.remsi %sub3A_31, %select_n3A_55 : i32
    %ne3A_57 = arith.constant 0 : i32
    %ne3A_58 = arith.cmpi ne, %rem3A_56, %ne3A_57 : i32
    %lt3A_59 = arith.constant 0 : i32
    %lt3A_60 = arith.cmpi slt, %rem3A_56, %lt3A_59 : i32
    %lt3A_61 = arith.constant 0 : i32
    %lt3A_62 = arith.cmpi slt, %select_n3A_55, %lt3A_61 : i32
    %ne3A_63 = arith.xori %lt3A_60, %lt3A_62 : i1
    %and3A_64 = arith.andi %ne3A_63, %ne3A_58 : i1
    %add3A_65 = arith.addi %rem3A_56, %select_n3A_55 : i32
    %select_n3A_66 = arith.select %and3A_64, %add3A_65, %rem3A_56 : i32
    %eq3A_67 = arith.constant 1 : i32
    %eq3A_68 = arith.cmpi eq, %select_n3A_66, %eq3A_67 : i32
    %and3A_69 = arith.andi %ge3A_50, %eq3A_68 : i1
    %convert_element_type3A_70 = arith.extui %and3A_69 : i1 to i32
    %cond3A_71 = arith.constant 0 : i32
    %cond3A_72 = arith.cmpi ne, %convert_element_type3A_70, %cond3A_71 : i32
    scf.if %cond3A_72 {
      %add3A_124 = arith.addi %sub3A_31, %sub3A_9 : i32
      %dma_wait3A = arith.constant 0 : i32
      %dma_wait3A_125 = tpu.memref_slice %arg12[%add3A_124, %dma_wait3A] : memref<80x128xi32, #tpu.memory_space<vmem>> -> memref<1x128xi32, #tpu.memory_space<vmem>>
      %dma_wait3A_126 = tpu.memref_squeeze %dma_wait3A_125 : memref<1x128xi32, #tpu.memory_space<vmem>> -> memref<128xi32, #tpu.memory_space<vmem>>
      %dma_wait3A_127 = arith.constant 0 : i32
      %dma_wait3A_128 = tpu.memref_slice %arg23[%dma_wait3A_127] : memref<10240xf32, #tpu.memory_space<vmem_shared>> -> memref<10240xf32, #tpu.memory_space<vmem_shared>>
      tpu.wait_indirect_dma semaphore(%arg29 : memref<!tpu.dma_semaphore, #tpu.memory_space<semaphore_mem>>) src(%arg16 : memref<128xf32, #tpu.memory_space<vmem>>) dst(%dma_wait3A_128 : memref<10240xf32, #tpu.memory_space<vmem_shared>>)
      %add3A_129 = arith.addi %sub3A_31, %sub3A_9 : i32
      %dma_wait3A_130 = arith.constant 0 : i32
      %dma_wait3A_131 = tpu.memref_slice %arg12[%add3A_129, %dma_wait3A_130] : memref<80x128xi32, #tpu.memory_space<vmem>> -> memref<1x128xi32, #tpu.memory_space<vmem>>
      %dma_wait3A_132 = tpu.memref_squeeze %dma_wait3A_131 : memref<1x128xi32, #tpu.memory_space<vmem>> -> memref<128xi32, #tpu.memory_space<vmem>>
      %dma_wait3A_133 = arith.constant 0 : i32
      %dma_wait3A_134 = tpu.memref_slice %arg24[%dma_wait3A_133] : memref<10240xf32, #tpu.memory_space<vmem_shared>> -> memref<10240xf32, #tpu.memory_space<vmem_shared>>
      tpu.wait_indirect_dma semaphore(%arg29 : memref<!tpu.dma_semaphore, #tpu.memory_space<semaphore_mem>>) src(%arg17 : memref<128xf32, #tpu.memory_space<vmem>>) dst(%dma_wait3A_134 : memref<10240xf32, #tpu.memory_space<vmem_shared>>)
      %add3A_135 = arith.addi %sub3A_31, %sub3A_9 : i32
      %dma_wait3A_136 = arith.constant 0 : i32
      %dma_wait3A_137 = tpu.memref_slice %arg12[%add3A_135, %dma_wait3A_136] : memref<80x128xi32, #tpu.memory_space<vmem>> -> memref<1x128xi32, #tpu.memory_space<vmem>>
      %dma_wait3A_138 = tpu.memref_squeeze %dma_wait3A_137 : memref<1x128xi32, #tpu.memory_space<vmem>> -> memref<128xi32, #tpu.memory_space<vmem>>
      %dma_wait3A_139 = arith.constant 0 : i32
      %dma_wait3A_140 = tpu.memref_slice %arg25[%dma_wait3A_139] : memref<10240xf32, #tpu.memory_space<vmem_shared>> -> memref<10240xf32, #tpu.memory_space<vmem_shared>>
      tpu.wait_indirect_dma semaphore(%arg29 : memref<!tpu.dma_semaphore, #tpu.memory_space<semaphore_mem>>) src(%arg18 : memref<128xf32, #tpu.memory_space<vmem>>) dst(%dma_wait3A_140 : memref<10240xf32, #tpu.memory_space<vmem_shared>>)
    } else {
    }
    %sub3A_73 = arith.constant 1 : i32
    %sub3A_74 = arith.subi %min3A, %sub3A_73 : i32
    %ge3A_75 = arith.constant 0 : i32
    %ge3A_76 = arith.cmpi sge, %sub3A_74, %ge3A_75 : i32
    %jit3A_77 = arith.constant 2 : i32
    %eq3A_78 = arith.constant 0 : i32
    %eq3A_79 = arith.cmpi eq, %jit3A_77, %eq3A_78 : i32
    %jit3A_80 = arith.constant 1 : i32
    %select_n3A_81 = arith.select %eq3A_79, %jit3A_80, %jit3A_77 : i32
    %rem3A_82 = arith.remsi %sub3A_74, %select_n3A_81 : i32
    %ne3A_83 = arith.constant 0 : i32
    %ne3A_84 = arith.cmpi ne, %rem3A_82, %ne3A_83 : i32
    %lt3A_85 = arith.constant 0 : i32
    %lt3A_86 = arith.cmpi slt, %rem3A_82, %lt3A_85 : i32
    %lt3A_87 = arith.constant 0 : i32
    %lt3A_88 = arith.cmpi slt, %select_n3A_81, %lt3A_87 : i32
    %ne3A_89 = arith.xori %lt3A_86, %lt3A_88 : i1
    %and3A_90 = arith.andi %ne3A_89, %ne3A_84 : i1
    %add3A_91 = arith.addi %rem3A_82, %select_n3A_81 : i32
    %select_n3A_92 = arith.select %and3A_90, %add3A_91, %rem3A_82 : i32
    %eq3A_93 = arith.constant 0 : i32
    %eq3A_94 = arith.cmpi eq, %select_n3A_92, %eq3A_93 : i32
    %and3A_95 = arith.andi %ge3A_76, %eq3A_94 : i1
    %convert_element_type3A_96 = arith.extui %and3A_95 : i1 to i32
    %cond3A_97 = arith.constant 0 : i32
    %cond3A_98 = arith.cmpi ne, %convert_element_type3A_96, %cond3A_97 : i32
    scf.if %cond3A_98 {
      %add3A_124 = arith.addi %sub3A_74, %sub3A_9 : i32
      %dma_wait3A = arith.constant 0 : i32
      %dma_wait3A_125 = tpu.memref_slice %arg12[%add3A_124, %dma_wait3A] : memref<80x128xi32, #tpu.memory_space<vmem>> -> memref<1x128xi32, #tpu.memory_space<vmem>>
      %dma_wait3A_126 = tpu.memref_squeeze %dma_wait3A_125 : memref<1x128xi32, #tpu.memory_space<vmem>> -> memref<128xi32, #tpu.memory_space<vmem>>
      %dma_wait3A_127 = arith.constant 0 : i32
      %dma_wait3A_128 = tpu.memref_slice %arg23[%dma_wait3A_127] : memref<10240xf32, #tpu.memory_space<vmem_shared>> -> memref<10240xf32, #tpu.memory_space<vmem_shared>>
      tpu.wait_indirect_dma semaphore(%arg28 : memref<!tpu.dma_semaphore, #tpu.memory_space<semaphore_mem>>) src(%arg13 : memref<128xf32, #tpu.memory_space<vmem>>) dst(%dma_wait3A_128 : memref<10240xf32, #tpu.memory_space<vmem_shared>>)
      %add3A_129 = arith.addi %sub3A_74, %sub3A_9 : i32
      %dma_wait3A_130 = arith.constant 0 : i32
      %dma_wait3A_131 = tpu.memref_slice %arg12[%add3A_129, %dma_wait3A_130] : memref<80x128xi32, #tpu.memory_space<vmem>> -> memref<1x128xi32, #tpu.memory_space<vmem>>
      %dma_wait3A_132 = tpu.memref_squeeze %dma_wait3A_131 : memref<1x128xi32, #tpu.memory_space<vmem>> -> memref<128xi32, #tpu.memory_space<vmem>>
      %dma_wait3A_133 = arith.constant 0 : i32
      %dma_wait3A_134 = tpu.memref_slice %arg24[%dma_wait3A_133] : memref<10240xf32, #tpu.memory_space<vmem_shared>> -> memref<10240xf32, #tpu.memory_space<vmem_shared>>
      tpu.wait_indirect_dma semaphore(%arg28 : memref<!tpu.dma_semaphore, #tpu.memory_space<semaphore_mem>>) src(%arg14 : memref<128xf32, #tpu.memory_space<vmem>>) dst(%dma_wait3A_134 : memref<10240xf32, #tpu.memory_space<vmem_shared>>)
      %add3A_135 = arith.addi %sub3A_74, %sub3A_9 : i32
      %dma_wait3A_136 = arith.constant 0 : i32
      %dma_wait3A_137 = tpu.memref_slice %arg12[%add3A_135, %dma_wait3A_136] : memref<80x128xi32, #tpu.memory_space<vmem>> -> memref<1x128xi32, #tpu.memory_space<vmem>>
      %dma_wait3A_138 = tpu.memref_squeeze %dma_wait3A_137 : memref<1x128xi32, #tpu.memory_space<vmem>> -> memref<128xi32, #tpu.memory_space<vmem>>
      %dma_wait3A_139 = arith.constant 0 : i32
      %dma_wait3A_140 = tpu.memref_slice %arg25[%dma_wait3A_139] : memref<10240xf32, #tpu.memory_space<vmem_shared>> -> memref<10240xf32, #tpu.memory_space<vmem_shared>>
      tpu.wait_indirect_dma semaphore(%arg28 : memref<!tpu.dma_semaphore, #tpu.memory_space<semaphore_mem>>) src(%arg15 : memref<128xf32, #tpu.memory_space<vmem>>) dst(%dma_wait3A_140 : memref<10240xf32, #tpu.memory_space<vmem_shared>>)
    } else {
    }
    %ge3A_99 = arith.constant 0 : i32
    %ge3A_100 = arith.cmpi sge, %sub3A_74, %ge3A_99 : i32
    %jit3A_101 = arith.constant 2 : i32
    %eq3A_102 = arith.constant 0 : i32
    %eq3A_103 = arith.cmpi eq, %jit3A_101, %eq3A_102 : i32
    %jit3A_104 = arith.constant 1 : i32
    %select_n3A_105 = arith.select %eq3A_103, %jit3A_104, %jit3A_101 : i32
    %rem3A_106 = arith.remsi %sub3A_74, %select_n3A_105 : i32
    %ne3A_107 = arith.constant 0 : i32
    %ne3A_108 = arith.cmpi ne, %rem3A_106, %ne3A_107 : i32
    %lt3A_109 = arith.constant 0 : i32
    %lt3A_110 = arith.cmpi slt, %rem3A_106, %lt3A_109 : i32
    %lt3A_111 = arith.constant 0 : i32
    %lt3A_112 = arith.cmpi slt, %select_n3A_105, %lt3A_111 : i32
    %ne3A_113 = arith.xori %lt3A_110, %lt3A_112 : i1
    %and3A_114 = arith.andi %ne3A_113, %ne3A_108 : i1
    %add3A_115 = arith.addi %rem3A_106, %select_n3A_105 : i32
    %select_n3A_116 = arith.select %and3A_114, %add3A_115, %rem3A_106 : i32
    %eq3A_117 = arith.constant 1 : i32
    %eq3A_118 = arith.cmpi eq, %select_n3A_116, %eq3A_117 : i32
    %and3A_119 = arith.andi %ge3A_100, %eq3A_118 : i1
    %convert_element_type3A_120 = arith.extui %and3A_119 : i1 to i32
    %cond3A_121 = arith.constant 0 : i32
    %cond3A_122 = arith.cmpi ne, %convert_element_type3A_120, %cond3A_121 : i32
    scf.if %cond3A_122 {
      %add3A_124 = arith.addi %sub3A_74, %sub3A_9 : i32
      %dma_wait3A = arith.constant 0 : i32
      %dma_wait3A_125 = tpu.memref_slice %arg12[%add3A_124, %dma_wait3A] : memref<80x128xi32, #tpu.memory_space<vmem>> -> memref<1x128xi32, #tpu.memory_space<vmem>>
      %dma_wait3A_126 = tpu.memref_squeeze %dma_wait3A_125 : memref<1x128xi32, #tpu.memory_space<vmem>> -> memref<128xi32, #tpu.memory_space<vmem>>
      %dma_wait3A_127 = arith.constant 0 : i32
      %dma_wait3A_128 = tpu.memref_slice %arg23[%dma_wait3A_127] : memref<10240xf32, #tpu.memory_space<vmem_shared>> -> memref<10240xf32, #tpu.memory_space<vmem_shared>>
      tpu.wait_indirect_dma semaphore(%arg29 : memref<!tpu.dma_semaphore, #tpu.memory_space<semaphore_mem>>) src(%arg16 : memref<128xf32, #tpu.memory_space<vmem>>) dst(%dma_wait3A_128 : memref<10240xf32, #tpu.memory_space<vmem_shared>>)
      %add3A_129 = arith.addi %sub3A_74, %sub3A_9 : i32
      %dma_wait3A_130 = arith.constant 0 : i32
      %dma_wait3A_131 = tpu.memref_slice %arg12[%add3A_129, %dma_wait3A_130] : memref<80x128xi32, #tpu.memory_space<vmem>> -> memref<1x128xi32, #tpu.memory_space<vmem>>
      %dma_wait3A_132 = tpu.memref_squeeze %dma_wait3A_131 : memref<1x128xi32, #tpu.memory_space<vmem>> -> memref<128xi32, #tpu.memory_space<vmem>>
      %dma_wait3A_133 = arith.constant 0 : i32
      %dma_wait3A_134 = tpu.memref_slice %arg24[%dma_wait3A_133] : memref<10240xf32, #tpu.memory_space<vmem_shared>> -> memref<10240xf32, #tpu.memory_space<vmem_shared>>
      tpu.wait_indirect_dma semaphore(%arg29 : memref<!tpu.dma_semaphore, #tpu.memory_space<semaphore_mem>>) src(%arg17 : memref<128xf32, #tpu.memory_space<vmem>>) dst(%dma_wait3A_134 : memref<10240xf32, #tpu.memory_space<vmem_shared>>)
      %add3A_135 = arith.addi %sub3A_74, %sub3A_9 : i32
      %dma_wait3A_136 = arith.constant 0 : i32
      %dma_wait3A_137 = tpu.memref_slice %arg12[%add3A_135, %dma_wait3A_136] : memref<80x128xi32, #tpu.memory_space<vmem>> -> memref<1x128xi32, #tpu.memory_space<vmem>>
      %dma_wait3A_138 = tpu.memref_squeeze %dma_wait3A_137 : memref<1x128xi32, #tpu.memory_space<vmem>> -> memref<128xi32, #tpu.memory_space<vmem>>
      %dma_wait3A_139 = arith.constant 0 : i32
      %dma_wait3A_140 = tpu.memref_slice %arg25[%dma_wait3A_139] : memref<10240xf32, #tpu.memory_space<vmem_shared>> -> memref<10240xf32, #tpu.memory_space<vmem_shared>>
      tpu.wait_indirect_dma semaphore(%arg29 : memref<!tpu.dma_semaphore, #tpu.memory_space<semaphore_mem>>) src(%arg18 : memref<128xf32, #tpu.memory_space<vmem>>) dst(%dma_wait3A_140 : memref<10240xf32, #tpu.memory_space<vmem_shared>>)
    } else {
    }
    %barrier3A_123 = arith.constant 0 : index
    tpu.barrier barrier_id(%barrier3A_123)
    "tpu.region"() ({
      %run_scoped3A = tpu.sem_alloc : memref<!tpu.dma_semaphore, #tpu.memory_space<semaphore_mem>>
      %dma_start3A = tpu.memref_slice %arg23[%mul3A_14] : memref<10240xf32, #tpu.memory_space<vmem_shared>> -> memref<640xf32, #tpu.memory_space<vmem_shared>>
      %dma_start3A_124 = tpu.memref_slice %arg23[%mul3A_14] : memref<10240xf32, #tpu.memory_space<vmem_shared>> -> memref<640xf32, #tpu.memory_space<vmem_shared>>
      tpu.enqueue_dma source(%dma_start3A_124 : memref<640xf32, #tpu.memory_space<vmem_shared>>) target(%arg19 : memref<640xf32, #tpu.memory_space<vmem>>) target_semaphore(%run_scoped3A : memref<!tpu.dma_semaphore, #tpu.memory_space<semaphore_mem>>)
      %dma_wait3A = tpu.memref_slice %arg23[%mul3A_14] : memref<10240xf32, #tpu.memory_space<vmem_shared>> -> memref<640xf32, #tpu.memory_space<vmem_shared>>
      %dma_wait3A_125 = tpu.memref_slice %arg23[%mul3A_14] : memref<10240xf32, #tpu.memory_space<vmem_shared>> -> memref<640xf32, #tpu.memory_space<vmem_shared>>
      tpu.wait_dma2 semaphore(%run_scoped3A : memref<!tpu.dma_semaphore, #tpu.memory_space<semaphore_mem>>) src(%dma_wait3A_125 : memref<640xf32, #tpu.memory_space<vmem_shared>>) dst(%arg19 : memref<640xf32, #tpu.memory_space<vmem>>)
      tpu.yield
    }) : () -> ()
    "tpu.region"() ({
      %run_scoped3A = tpu.sem_alloc : memref<!tpu.dma_semaphore, #tpu.memory_space<semaphore_mem>>
      %dma_start3A = arith.constant 0 : i32
      %dma_start3A_124 = tpu.memref_slice %arg8[%arg0, %dma_start3A] : memref<2x10240xf32, #tpu.memory_space<hbm>> -> memref<1x10240xf32, #tpu.memory_space<hbm>>
      %dma_start3A_125 = tpu.memref_squeeze %dma_start3A_124 : memref<1x10240xf32, #tpu.memory_space<hbm>> -> memref<10240xf32, #tpu.memory_space<hbm>>
      %dma_start3A_126 = tpu.memref_slice %dma_start3A_125[%mul3A_14] : memref<10240xf32, #tpu.memory_space<hbm>> -> memref<640xf32, #tpu.memory_space<hbm>>
      %dma_start3A_127 = arith.constant 0 : i32
      %dma_start3A_128 = tpu.memref_slice %arg8[%arg0, %dma_start3A_127] : memref<2x10240xf32, #tpu.memory_space<hbm>> -> memref<1x10240xf32, #tpu.memory_space<hbm>>
      %dma_start3A_129 = tpu.memref_squeeze %dma_start3A_128 : memref<1x10240xf32, #tpu.memory_space<hbm>> -> memref<10240xf32, #tpu.memory_space<hbm>>
      %dma_start3A_130 = tpu.memref_slice %dma_start3A_129[%mul3A_14] : memref<10240xf32, #tpu.memory_space<hbm>> -> memref<640xf32, #tpu.memory_space<hbm>>
      tpu.enqueue_dma source(%arg19 : memref<640xf32, #tpu.memory_space<vmem>>) target(%dma_start3A_130 : memref<640xf32, #tpu.memory_space<hbm>>) target_semaphore(%run_scoped3A : memref<!tpu.dma_semaphore, #tpu.memory_space<semaphore_mem>>)
      %dma_wait3A = arith.constant 0 : i32
      %dma_wait3A_131 = tpu.memref_slice %arg8[%arg0, %dma_wait3A] : memref<2x10240xf32, #tpu.memory_space<hbm>> -> memref<1x10240xf32, #tpu.memory_space<hbm>>
      %dma_wait3A_132 = tpu.memref_squeeze %dma_wait3A_131 : memref<1x10240xf32, #tpu.memory_space<hbm>> -> memref<10240xf32, #tpu.memory_space<hbm>>
      %dma_wait3A_133 = tpu.memref_slice %dma_wait3A_132[%mul3A_14] : memref<10240xf32, #tpu.memory_space<hbm>> -> memref<640xf32, #tpu.memory_space<hbm>>
      %dma_wait3A_134 = arith.constant 0 : i32
      %dma_wait3A_135 = tpu.memref_slice %arg8[%arg0, %dma_wait3A_134] : memref<2x10240xf32, #tpu.memory_space<hbm>> -> memref<1x10240xf32, #tpu.memory_space<hbm>>
      %dma_wait3A_136 = tpu.memref_squeeze %dma_wait3A_135 : memref<1x10240xf32, #tpu.memory_space<hbm>> -> memref<10240xf32, #tpu.memory_space<hbm>>
      %dma_wait3A_137 = tpu.memref_slice %dma_wait3A_136[%mul3A_14] : memref<10240xf32, #tpu.memory_space<hbm>> -> memref<640xf32, #tpu.memory_space<hbm>>
      tpu.wait_dma2 semaphore(%run_scoped3A : memref<!tpu.dma_semaphore, #tpu.memory_space<semaphore_mem>>) src(%arg19 : memref<640xf32, #tpu.memory_space<vmem>>) dst(%dma_wait3A_137 : memref<640xf32, #tpu.memory_space<hbm>>)
      tpu.yield
    }) : () -> ()
    "tpu.region"() ({
      %run_scoped3A = tpu.sem_alloc : memref<!tpu.dma_semaphore, #tpu.memory_space<semaphore_mem>>
      %dma_start3A = tpu.memref_slice %arg24[%mul3A_14] : memref<10240xf32, #tpu.memory_space<vmem_shared>> -> memref<640xf32, #tpu.memory_space<vmem_shared>>
      %dma_start3A_124 = tpu.memref_slice %arg24[%mul3A_14] : memref<10240xf32, #tpu.memory_space<vmem_shared>> -> memref<640xf32, #tpu.memory_space<vmem_shared>>
      tpu.enqueue_dma source(%dma_start3A_124 : memref<640xf32, #tpu.memory_space<vmem_shared>>) target(%arg19 : memref<640xf32, #tpu.memory_space<vmem>>) target_semaphore(%run_scoped3A : memref<!tpu.dma_semaphore, #tpu.memory_space<semaphore_mem>>)
      %dma_wait3A = tpu.memref_slice %arg24[%mul3A_14] : memref<10240xf32, #tpu.memory_space<vmem_shared>> -> memref<640xf32, #tpu.memory_space<vmem_shared>>
      %dma_wait3A_125 = tpu.memref_slice %arg24[%mul3A_14] : memref<10240xf32, #tpu.memory_space<vmem_shared>> -> memref<640xf32, #tpu.memory_space<vmem_shared>>
      tpu.wait_dma2 semaphore(%run_scoped3A : memref<!tpu.dma_semaphore, #tpu.memory_space<semaphore_mem>>) src(%dma_wait3A_125 : memref<640xf32, #tpu.memory_space<vmem_shared>>) dst(%arg19 : memref<640xf32, #tpu.memory_space<vmem>>)
      tpu.yield
    }) : () -> ()
    "tpu.region"() ({
      %run_scoped3A = tpu.sem_alloc : memref<!tpu.dma_semaphore, #tpu.memory_space<semaphore_mem>>
      %dma_start3A = arith.constant 0 : i32
      %dma_start3A_124 = tpu.memref_slice %arg9[%arg0, %dma_start3A] : memref<2x10240xf32, #tpu.memory_space<hbm>> -> memref<1x10240xf32, #tpu.memory_space<hbm>>
      %dma_start3A_125 = tpu.memref_squeeze %dma_start3A_124 : memref<1x10240xf32, #tpu.memory_space<hbm>> -> memref<10240xf32, #tpu.memory_space<hbm>>
      %dma_start3A_126 = tpu.memref_slice %dma_start3A_125[%mul3A_14] : memref<10240xf32, #tpu.memory_space<hbm>> -> memref<640xf32, #tpu.memory_space<hbm>>
      %dma_start3A_127 = arith.constant 0 : i32
      %dma_start3A_128 = tpu.memref_slice %arg9[%arg0, %dma_start3A_127] : memref<2x10240xf32, #tpu.memory_space<hbm>> -> memref<1x10240xf32, #tpu.memory_space<hbm>>
      %dma_start3A_129 = tpu.memref_squeeze %dma_start3A_128 : memref<1x10240xf32, #tpu.memory_space<hbm>> -> memref<10240xf32, #tpu.memory_space<hbm>>
      %dma_start3A_130 = tpu.memref_slice %dma_start3A_129[%mul3A_14] : memref<10240xf32, #tpu.memory_space<hbm>> -> memref<640xf32, #tpu.memory_space<hbm>>
      tpu.enqueue_dma source(%arg19 : memref<640xf32, #tpu.memory_space<vmem>>) target(%dma_start3A_130 : memref<640xf32, #tpu.memory_space<hbm>>) target_semaphore(%run_scoped3A : memref<!tpu.dma_semaphore, #tpu.memory_space<semaphore_mem>>)
      %dma_wait3A = arith.constant 0 : i32
      %dma_wait3A_131 = tpu.memref_slice %arg9[%arg0, %dma_wait3A] : memref<2x10240xf32, #tpu.memory_space<hbm>> -> memref<1x10240xf32, #tpu.memory_space<hbm>>
      %dma_wait3A_132 = tpu.memref_squeeze %dma_wait3A_131 : memref<1x10240xf32, #tpu.memory_space<hbm>> -> memref<10240xf32, #tpu.memory_space<hbm>>
      %dma_wait3A_133 = tpu.memref_slice %dma_wait3A_132[%mul3A_14] : memref<10240xf32, #tpu.memory_space<hbm>> -> memref<640xf32, #tpu.memory_space<hbm>>
      %dma_wait3A_134 = arith.constant 0 : i32
      %dma_wait3A_135 = tpu.memref_slice %arg9[%arg0, %dma_wait3A_134] : memref<2x10240xf32, #tpu.memory_space<hbm>> -> memref<1x10240xf32, #tpu.memory_space<hbm>>
      %dma_wait3A_136 = tpu.memref_squeeze %dma_wait3A_135 : memref<1x10240xf32, #tpu.memory_space<hbm>> -> memref<10240xf32, #tpu.memory_space<hbm>>
      %dma_wait3A_137 = tpu.memref_slice %dma_wait3A_136[%mul3A_14] : memref<10240xf32, #tpu.memory_space<hbm>> -> memref<640xf32, #tpu.memory_space<hbm>>
      tpu.wait_dma2 semaphore(%run_scoped3A : memref<!tpu.dma_semaphore, #tpu.memory_space<semaphore_mem>>) src(%arg19 : memref<640xf32, #tpu.memory_space<vmem>>) dst(%dma_wait3A_137 : memref<640xf32, #tpu.memory_space<hbm>>)
      tpu.yield
    }) : () -> ()
    "tpu.region"() ({
      %run_scoped3A = tpu.sem_alloc : memref<!tpu.dma_semaphore, #tpu.memory_space<semaphore_mem>>
      %dma_start3A = tpu.memref_slice %arg25[%mul3A_14] : memref<10240xf32, #tpu.memory_space<vmem_shared>> -> memref<640xf32, #tpu.memory_space<vmem_shared>>
      %dma_start3A_124 = tpu.memref_slice %arg25[%mul3A_14] : memref<10240xf32, #tpu.memory_space<vmem_shared>> -> memref<640xf32, #tpu.memory_space<vmem_shared>>
      tpu.enqueue_dma source(%dma_start3A_124 : memref<640xf32, #tpu.memory_space<vmem_shared>>) target(%arg19 : memref<640xf32, #tpu.memory_space<vmem>>) target_semaphore(%run_scoped3A : memref<!tpu.dma_semaphore, #tpu.memory_space<semaphore_mem>>)
      %dma_wait3A = tpu.memref_slice %arg25[%mul3A_14] : memref<10240xf32, #tpu.memory_space<vmem_shared>> -> memref<640xf32, #tpu.memory_space<vmem_shared>>
      %dma_wait3A_125 = tpu.memref_slice %arg25[%mul3A_14] : memref<10240xf32, #tpu.memory_space<vmem_shared>> -> memref<640xf32, #tpu.memory_space<vmem_shared>>
      tpu.wait_dma2 semaphore(%run_scoped3A : memref<!tpu.dma_semaphore, #tpu.memory_space<semaphore_mem>>) src(%dma_wait3A_125 : memref<640xf32, #tpu.memory_space<vmem_shared>>) dst(%arg19 : memref<640xf32, #tpu.memory_space<vmem>>)
      tpu.yield
    }) : () -> ()
    "tpu.region"() ({
      %run_scoped3A = tpu.sem_alloc : memref<!tpu.dma_semaphore, #tpu.memory_space<semaphore_mem>>
      %dma_start3A = arith.constant 0 : i32
      %dma_start3A_124 = tpu.memref_slice %arg10[%arg0, %dma_start3A] : memref<2x10240xf32, #tpu.memory_space<hbm>> -> memref<1x10240xf32, #tpu.memory_space<hbm>>
      %dma_start3A_125 = tpu.memref_squeeze %dma_start3A_124 : memref<1x10240xf32, #tpu.memory_space<hbm>> -> memref<10240xf32, #tpu.memory_space<hbm>>
      %dma_start3A_126 = tpu.memref_slice %dma_start3A_125[%mul3A_14] : memref<10240xf32, #tpu.memory_space<hbm>> -> memref<640xf32, #tpu.memory_space<hbm>>
      %dma_start3A_127 = arith.constant 0 : i32
      %dma_start3A_128 = tpu.memref_slice %arg10[%arg0, %dma_start3A_127] : memref<2x10240xf32, #tpu.memory_space<hbm>> -> memref<1x10240xf32, #tpu.memory_space<hbm>>
      %dma_start3A_129 = tpu.memref_squeeze %dma_start3A_128 : memref<1x10240xf32, #tpu.memory_space<hbm>> -> memref<10240xf32, #tpu.memory_space<hbm>>
      %dma_start3A_130 = tpu.memref_slice %dma_start3A_129[%mul3A_14] : memref<10240xf32, #tpu.memory_space<hbm>> -> memref<640xf32, #tpu.memory_space<hbm>>
      tpu.enqueue_dma source(%arg19 : memref<640xf32, #tpu.memory_space<vmem>>) target(%dma_start3A_130 : memref<640xf32, #tpu.memory_space<hbm>>) target_semaphore(%run_scoped3A : memref<!tpu.dma_semaphore, #tpu.memory_space<semaphore_mem>>)
      %dma_wait3A = arith.constant 0 : i32
      %dma_wait3A_131 = tpu.memref_slice %arg10[%arg0, %dma_wait3A] : memref<2x10240xf32, #tpu.memory_space<hbm>> -> memref<1x10240xf32, #tpu.memory_space<hbm>>
      %dma_wait3A_132 = tpu.memref_squeeze %dma_wait3A_131 : memref<1x10240xf32, #tpu.memory_space<hbm>> -> memref<10240xf32, #tpu.memory_space<hbm>>
      %dma_wait3A_133 = tpu.memref_slice %dma_wait3A_132[%mul3A_14] : memref<10240xf32, #tpu.memory_space<hbm>> -> memref<640xf32, #tpu.memory_space<hbm>>
      %dma_wait3A_134 = arith.constant 0 : i32
      %dma_wait3A_135 = tpu.memref_slice %arg10[%arg0, %dma_wait3A_134] : memref<2x10240xf32, #tpu.memory_space<hbm>> -> memref<1x10240xf32, #tpu.memory_space<hbm>>
      %dma_wait3A_136 = tpu.memref_squeeze %dma_wait3A_135 : memref<1x10240xf32, #tpu.memory_space<hbm>> -> memref<10240xf32, #tpu.memory_space<hbm>>
      %dma_wait3A_137 = tpu.memref_slice %dma_wait3A_136[%mul3A_14] : memref<10240xf32, #tpu.memory_space<hbm>> -> memref<640xf32, #tpu.memory_space<hbm>>
      tpu.wait_dma2 semaphore(%run_scoped3A : memref<!tpu.dma_semaphore, #tpu.memory_space<semaphore_mem>>) src(%arg19 : memref<640xf32, #tpu.memory_space<vmem>>) dst(%dma_wait3A_137 : memref<640xf32, #tpu.memory_space<hbm>>)
      tpu.yield
    }) : () -> ()
    return
  }
}

module attributes {stable_mosaic.version = 14 : i64} {
  func.func @body(%arg0: memref<2x10240xf32, #tpu.memory_space<vmem>>, %arg1: memref<3x10240xf32, #tpu.memory_space<vmem>>, %arg2: memref<3x10240xf32, #tpu.memory_space<vmem>>, %arg3: memref<1x10240xf32, #tpu.memory_space<vmem>>) attributes {dimension_semantics = [], scalar_prefetch = 0 : i64, scratch_operands = 0 : i64, tpu.core_type = #tpu.core_type<tc>} {
    %get3A = arith.constant 0 : index
    %get3A_0 = arith.constant 0 : index
    %get3A_1 = vector.load %arg0[%get3A, %get3A_0] : memref<2x10240xf32, #tpu.memory_space<vmem>>, vector<1x10240xf32>
    %get3A_2 = vector.shape_cast %get3A_1 : vector<1x10240xf32> to vector<10240xf32>
    %get3A_3 = arith.constant 1 : index
    %get3A_4 = arith.constant 0 : index
    %get3A_5 = vector.load %arg0[%get3A_3, %get3A_4] : memref<2x10240xf32, #tpu.memory_space<vmem>>, vector<1x10240xf32>
    %get3A_6 = vector.shape_cast %get3A_5 : vector<1x10240xf32> to vector<10240xf32>
    %add3A = arith.addf %get3A_2, %get3A_6 : vector<10240xf32>
    %add3A_7 = arith.constant 1.000000e+00 : f32
    %add3A_8 = vector.broadcast %add3A_7 : f32 to vector<10240xf32>
    %add3A_9 = arith.addf %add3A, %add3A_8 : vector<10240xf32>
    %rsqrt3A = math.rsqrt %add3A_9 : vector<10240xf32>
    %swap3A = arith.constant 0 : index
    %swap3A_10 = arith.constant 0 : index
    %swap3A_11 = vector.load %arg3[%swap3A, %swap3A_10] : memref<1x10240xf32, #tpu.memory_space<vmem>>, vector<1x10240xf32>
    %swap3A_12 = vector.shape_cast %swap3A_11 : vector<1x10240xf32> to vector<10240xf32>
    %swap3A_13 = vector.shape_cast %rsqrt3A : vector<10240xf32> to vector<1x10240xf32>
    tpu.vector_store %arg3[%swap3A, %swap3A_10], %swap3A_13 {strides = array<i32>} : memref<1x10240xf32, #tpu.memory_space<vmem>>, vector<1x10240xf32>,
    %broadcast_in_dim3A = vector.shape_cast %rsqrt3A : vector<10240xf32> to vector<1x10240xf32>
    %get3A_14 = arith.constant 0 : index
    %get3A_15 = arith.constant 0 : index
    %get3A_16 = vector.load %arg1[%get3A_14, %get3A_15] : memref<3x10240xf32, #tpu.memory_space<vmem>>, vector<3x10240xf32>
    %mul3A = vector.broadcast %broadcast_in_dim3A : vector<1x10240xf32> to vector<3x10240xf32>
    %mul3A_17 = arith.mulf %mul3A, %get3A_16 : vector<3x10240xf32>
    %swap3A_18 = arith.constant 0 : index
    %swap3A_19 = arith.constant 0 : index
    %swap3A_20 = vector.load %arg2[%swap3A_18, %swap3A_19] : memref<3x10240xf32, #tpu.memory_space<vmem>>, vector<3x10240xf32>
    tpu.vector_store %arg2[%swap3A_18, %swap3A_19], %mul3A_17 {strides = array<i32>} : memref<3x10240xf32, #tpu.memory_space<vmem>>, vector<3x10240xf32>,
    return
  }
}

module attributes {stable_mosaic.version = 14 : i64} {
  func.func @body(%arg0: memref<10000x128xf32, #tpu.memory_space<vmem>>, %arg1: memref<128x3xf32, #tpu.memory_space<vmem>>, %arg2: memref<3x1xf32, #tpu.memory_space<vmem>>, %arg3: memref<3x10240xf32, #tpu.memory_space<vmem>>) attributes {dimension_semantics = [], scalar_prefetch = 0 : i64, scratch_operands = 0 : i64, tpu.core_type = #tpu.core_type<tc>} {
    %get3A = arith.constant 0 : index
    %get3A_0 = arith.constant 0 : index
    %get3A_1 = vector.load %arg1[%get3A, %get3A_0] : memref<128x3xf32, #tpu.memory_space<vmem>>, vector<128x3xf32>
    %get3A_2 = arith.constant 0 : index
    %get3A_3 = arith.constant 0 : index
    %get3A_4 = vector.load %arg0[%get3A_2, %get3A_3] : memref<10000x128xf32, #tpu.memory_space<vmem>>, vector<10000x128xf32>
    %dot_general3A = arith.constant dense<0.000000e+00> : vector<3x10000xf32>
    %dot_general3A_5 = tpu.matmul %get3A_1, %get3A_4, %dot_general3A {dimension_numbers = #tpu.dot_dimension_numbers<[0], [1], [1], [0], [0, 1, 1, 0], [], []>, transpose_lhs_hint = false} : vector<128x3xf32>, vector<10000x128xf32>, vector<3x10000xf32> -> vector<3x10000xf32>
    %get3A_6 = arith.constant 0 : index
    %get3A_7 = arith.constant 0 : index
    %get3A_8 = vector.load %arg2[%get3A_6, %get3A_7] : memref<3x1xf32, #tpu.memory_space<vmem>>, vector<3x1xf32>
    %add3A = vector.broadcast %get3A_8 : vector<3x1xf32> to vector<3x10000xf32>
    %add3A_9 = arith.addf %dot_general3A_5, %add3A : vector<3x10000xf32>
    %jit3A = arith.constant 0 : i32
    %convert_element_type3A = arith.sitofp %jit3A : i32 to f32
    %pad3A = vector.broadcast %convert_element_type3A : f32 to vector<3x240xf32>
    %pad3A_10 = tpu.concatenate %add3A_9, %pad3A in 1 : vector<3x10000xf32>, vector<3x240xf32> -> vector<3x10240xf32>
    %swap3A = arith.constant 0 : index
    %swap3A_11 = arith.constant 0 : index
    %swap3A_12 = vector.load %arg3[%swap3A, %swap3A_11] : memref<3x10240xf32, #tpu.memory_space<vmem>>, vector<3x10240xf32>
    tpu.vector_store %arg3[%swap3A, %swap3A_11], %pad3A_10 {strides = array<i32>} : memref<3x10240xf32, #tpu.memory_space<vmem>>, vector<3x10240xf32>,
    return
  }
}

module attributes {stable_mosaic.version = 14 : i64} {
  func.func @body(%arg0: memref<2x10240xf32, #tpu.memory_space<vmem>>, %arg1: memref<2x10240xf32, #tpu.memory_space<vmem>>, %arg2: memref<2x10240xf32, #tpu.memory_space<vmem>>, %arg3: memref<1x10240xf32, #tpu.memory_space<vmem>>, %arg4: memref<3x10240xf32, #tpu.memory_space<vmem>>, %arg5: memref<3x16xf32, #tpu.memory_space<vmem>>, %arg6: memref<16x1xf32, #tpu.memory_space<vmem>>, %arg7: memref<3x10240xf32, #tpu.memory_space<vmem>>, %arg8: memref<16x10240xf32, #tpu.memory_space<vmem>>) attributes {dimension_semantics = [], scalar_prefetch = 0 : i64, scratch_operands = 0 : i64, tpu.core_type = #tpu.core_type<tc>} {
    %get3A = arith.constant 0 : index
    %get3A_0 = arith.constant 0 : index
    %get3A_1 = vector.load %arg3[%get3A, %get3A_0] : memref<1x10240xf32, #tpu.memory_space<vmem>>, vector<1x10240xf32>
    %get3A_2 = vector.shape_cast %get3A_1 : vector<1x10240xf32> to vector<10240xf32>
    %get3A_3 = arith.constant 0 : index
    %get3A_4 = arith.constant 0 : index
    %get3A_5 = vector.load %arg0[%get3A_3, %get3A_4] : memref<2x10240xf32, #tpu.memory_space<vmem>>, vector<1x10240xf32>
    %get3A_6 = vector.shape_cast %get3A_5 : vector<1x10240xf32> to vector<10240xf32>
    %get3A_7 = arith.constant 1 : index
    %get3A_8 = arith.constant 0 : index
    %get3A_9 = vector.load %arg0[%get3A_7, %get3A_8] : memref<2x10240xf32, #tpu.memory_space<vmem>>, vector<1x10240xf32>
    %get3A_10 = vector.shape_cast %get3A_9 : vector<1x10240xf32> to vector<10240xf32>
    %add3A = arith.addf %get3A_6, %get3A_10 : vector<10240xf32>
    %mul3A = arith.mulf %get3A_2, %add3A : vector<10240xf32>
    %mul3A_11 = arith.mulf %get3A_2, %get3A_2 : vector<10240xf32>
    %get3A_12 = arith.constant 0 : index
    %get3A_13 = arith.constant 0 : index
    %get3A_14 = vector.load %arg4[%get3A_12, %get3A_13] : memref<3x10240xf32, #tpu.memory_space<vmem>>, vector<1x10240xf32>
    %get3A_15 = vector.shape_cast %get3A_14 : vector<1x10240xf32> to vector<10240xf32>
    %mul3A_16 = arith.mulf %mul3A_11, %get3A_15 : vector<10240xf32>
    %add3A_17 = arith.addf %mul3A, %mul3A_16 : vector<10240xf32>
    %max3A = arith.constant 0.000000e+00 : f32
    %max3A_18 = vector.broadcast %max3A : f32 to vector<10240xf32>
    %max3A_19 = arith.maximumf %add3A_17, %max3A_18 : vector<10240xf32>
    %swap3A = arith.constant 0 : index
    %swap3A_20 = arith.constant 0 : index
    %swap3A_21 = vector.load %arg7[%swap3A, %swap3A_20] : memref<3x10240xf32, #tpu.memory_space<vmem>>, vector<1x10240xf32>
    %swap3A_22 = vector.shape_cast %swap3A_21 : vector<1x10240xf32> to vector<10240xf32>
    %swap3A_23 = vector.shape_cast %max3A_19 : vector<10240xf32> to vector<1x10240xf32>
    tpu.vector_store %arg7[%swap3A, %swap3A_20], %swap3A_23 {strides = array<i32>} : memref<3x10240xf32, #tpu.memory_space<vmem>>, vector<1x10240xf32>,
    %get3A_24 = arith.constant 0 : index
    %get3A_25 = arith.constant 0 : index
    %get3A_26 = vector.load %arg1[%get3A_24, %get3A_25] : memref<2x10240xf32, #tpu.memory_space<vmem>>, vector<1x10240xf32>
    %get3A_27 = vector.shape_cast %get3A_26 : vector<1x10240xf32> to vector<10240xf32>
    %get3A_28 = arith.constant 1 : index
    %get3A_29 = arith.constant 0 : index
    %get3A_30 = vector.load %arg1[%get3A_28, %get3A_29] : memref<2x10240xf32, #tpu.memory_space<vmem>>, vector<1x10240xf32>
    %get3A_31 = vector.shape_cast %get3A_30 : vector<1x10240xf32> to vector<10240xf32>
    %add3A_32 = arith.addf %get3A_27, %get3A_31 : vector<10240xf32>
    %mul3A_33 = arith.mulf %get3A_2, %add3A_32 : vector<10240xf32>
    %mul3A_34 = arith.mulf %get3A_2, %get3A_2 : vector<10240xf32>
    %get3A_35 = arith.constant 1 : index
    %get3A_36 = arith.constant 0 : index
    %get3A_37 = vector.load %arg4[%get3A_35, %get3A_36] : memref<3x10240xf32, #tpu.memory_space<vmem>>, vector<1x10240xf32>
    %get3A_38 = vector.shape_cast %get3A_37 : vector<1x10240xf32> to vector<10240xf32>
    %mul3A_39 = arith.mulf %mul3A_34, %get3A_38 : vector<10240xf32>
    %add3A_40 = arith.addf %mul3A_33, %mul3A_39 : vector<10240xf32>
    %max3A_41 = arith.constant 0.000000e+00 : f32
    %max3A_42 = vector.broadcast %max3A_41 : f32 to vector<10240xf32>
    %max3A_43 = arith.maximumf %add3A_40, %max3A_42 : vector<10240xf32>
    %swap3A_44 = arith.constant 1 : index
    %swap3A_45 = arith.constant 0 : index
    %swap3A_46 = vector.load %arg7[%swap3A_44, %swap3A_45] : memref<3x10240xf32, #tpu.memory_space<vmem>>, vector<1x10240xf32>
    %swap3A_47 = vector.shape_cast %swap3A_46 : vector<1x10240xf32> to vector<10240xf32>
    %swap3A_48 = vector.shape_cast %max3A_43 : vector<10240xf32> to vector<1x10240xf32>
    tpu.vector_store %arg7[%swap3A_44, %swap3A_45], %swap3A_48 {strides = array<i32>} : memref<3x10240xf32, #tpu.memory_space<vmem>>, vector<1x10240xf32>,
    %get3A_49 = arith.constant 0 : index
    %get3A_50 = arith.constant 0 : index
    %get3A_51 = vector.load %arg2[%get3A_49, %get3A_50] : memref<2x10240xf32, #tpu.memory_space<vmem>>, vector<1x10240xf32>
    %get3A_52 = vector.shape_cast %get3A_51 : vector<1x10240xf32> to vector<10240xf32>
    %get3A_53 = arith.constant 1 : index
    %get3A_54 = arith.constant 0 : index
    %get3A_55 = vector.load %arg2[%get3A_53, %get3A_54] : memref<2x10240xf32, #tpu.memory_space<vmem>>, vector<1x10240xf32>
    %get3A_56 = vector.shape_cast %get3A_55 : vector<1x10240xf32> to vector<10240xf32>
    %add3A_57 = arith.addf %get3A_52, %get3A_56 : vector<10240xf32>
    %mul3A_58 = arith.mulf %get3A_2, %add3A_57 : vector<10240xf32>
    %mul3A_59 = arith.mulf %get3A_2, %get3A_2 : vector<10240xf32>
    %get3A_60 = arith.constant 2 : index
    %get3A_61 = arith.constant 0 : index
    %get3A_62 = vector.load %arg4[%get3A_60, %get3A_61] : memref<3x10240xf32, #tpu.memory_space<vmem>>, vector<1x10240xf32>
    %get3A_63 = vector.shape_cast %get3A_62 : vector<1x10240xf32> to vector<10240xf32>
    %mul3A_64 = arith.mulf %mul3A_59, %get3A_63 : vector<10240xf32>
    %add3A_65 = arith.addf %mul3A_58, %mul3A_64 : vector<10240xf32>
    %max3A_66 = arith.constant 0.000000e+00 : f32
    %max3A_67 = vector.broadcast %max3A_66 : f32 to vector<10240xf32>
    %max3A_68 = arith.maximumf %add3A_65, %max3A_67 : vector<10240xf32>
    %swap3A_69 = arith.constant 2 : index
    %swap3A_70 = arith.constant 0 : index
    %swap3A_71 = vector.load %arg7[%swap3A_69, %swap3A_70] : memref<3x10240xf32, #tpu.memory_space<vmem>>, vector<1x10240xf32>
    %swap3A_72 = vector.shape_cast %swap3A_71 : vector<1x10240xf32> to vector<10240xf32>
    %swap3A_73 = vector.shape_cast %max3A_68 : vector<10240xf32> to vector<1x10240xf32>
    tpu.vector_store %arg7[%swap3A_69, %swap3A_70], %swap3A_73 {strides = array<i32>} : memref<3x10240xf32, #tpu.memory_space<vmem>>, vector<1x10240xf32>,
    %get3A_74 = arith.constant 0 : index
    %get3A_75 = arith.constant 0 : index
    %get3A_76 = vector.load %arg5[%get3A_74, %get3A_75] : memref<3x16xf32, #tpu.memory_space<vmem>>, vector<3x16xf32>
    %get3A_77 = arith.constant 0 : index
    %get3A_78 = arith.constant 0 : index
    %get3A_79 = vector.load %arg7[%get3A_77, %get3A_78] : memref<3x10240xf32, #tpu.memory_space<vmem>>, vector<3x10240xf32>
    %dot_general3A = arith.constant dense<0.000000e+00> : vector<16x10240xf32>
    %dot_general3A_80 = tpu.matmul %get3A_76, %get3A_79, %dot_general3A {dimension_numbers = #tpu.dot_dimension_numbers<[0], [0], [1], [1], [0, 1, 1, 1], [], []>, transpose_lhs_hint = false} : vector<3x16xf32>, vector<3x10240xf32>, vector<16x10240xf32> -> vector<16x10240xf32>
    %get3A_81 = arith.constant 0 : index
    %get3A_82 = arith.constant 0 : index
    %get3A_83 = vector.load %arg6[%get3A_81, %get3A_82] : memref<16x1xf32, #tpu.memory_space<vmem>>, vector<16x1xf32>
    %add3A_84 = vector.broadcast %get3A_83 : vector<16x1xf32> to vector<16x10240xf32>
    %add3A_85 = arith.addf %dot_general3A_80, %add3A_84 : vector<16x10240xf32>
    %swap3A_86 = arith.constant 0 : index
    %swap3A_87 = arith.constant 0 : index
    %swap3A_88 = vector.load %arg8[%swap3A_86, %swap3A_87] : memref<16x10240xf32, #tpu.memory_space<vmem>>, vector<16x10240xf32>
    tpu.vector_store %arg8[%swap3A_86, %swap3A_87], %add3A_85 {strides = array<i32>} : memref<16x10240xf32, #tpu.memory_space<vmem>>, vector<16x10240xf32>,
    return
  }
}

</mosaic_0001>

<sc_bundles>
// kernel: kernel.10.cloned.1.call-start
scs
__scs_entry_jumppad:
0x0: {  	(pc) =	sbr.rel $0x88, $3  }
0x1: {  	(tag) =	ssettag $0x0;
	lr =	simm.s32 $0x1  }
0x2: {  	[smem:$0x3F9B] =	sst lr;
	_ =	strace $0xD0000000  }
0x3: {  	_ = 	snop  }
0x4: {  	_ = 	snop  }
0x5: {  	_ = 	snop  }
0x6: {  	_ = 	snop  }
0x7: {  	_ = 	snop  }
__scs_overlays_trampoline_lowered:
0x8: {  	[smem:$0x3FAA] =	sst s0  }
0x9: {  	[smem:$0x3FAB] =	sst s1  }
0xa: {  	[smem:$0x3FAC] =	sst s2  }
0xb: {  	[smem:$0x3FAD] =	sst s3  }
0xc: {  	[smem:$0x3FAE] =	sst s4  }
0xd: {  	[smem:$0x3FAF] =	sst s5  }
0xe: {  	[smem:$0x3FB0] =	sst s6  }
0xf: {  	[smem:$0x3FB1] =	sst s7  }
0x10: {  	[smem:$0x3FB2] =	sst s8  }
0x11: {  	[smem:$0x3FB3] =	sst s9;
	s0 =	simm.s32 @!p0 $0x0  }
0x12: {  	s1 =	sld [smem:$0x3F99];
	s0 =	simm.s32 @p0 $0x1  }
0x13: {  	[smem:$0x3FB4] =	sst s0;
	s0 =	simm.s32 @!p1 $0x0  }
0x14: {  	s2 =	sld [smem:$0x3F98];
	s0 =	simm.s32 @p1 $0x1  }
0x15: {  	[smem:$0x3FB5] =	sst s0;
	s0 =	simm.s32 @!p2 $0x0  }
0x16: {  	s3 =	sld [smem:$0x3FDB];
	s0 =	simm.s32 @p2 $0x1  }
0x17: {  	s4 =	simm.s32 $0x1BF5;
	[smem:$0x3FB7] =	sst s0  }
0x18: {  	s0 =	sld [smem:$0x3F9A];
	_ =	swait.ge [sflag:s4], $0x0  }
0x19: {  	s7 =	sld [smem:$0x3F9B]  }
0x1a: {  	s8 =	sadd.s32 $0xFFFFE003, lr  }
0x1b: {  	s9 =	sadd.s32 $0xFFFFFEF7, lr;
	s5 =	simm.s32 $0xFFFFFFFF;
	p2 =	slt.u32 s8, $0xFFFFF086  }
0x1c: {  	p1 =	slt.u32 s9, $0xF7A;
	s5 =	simm.s32 @!p2 $0x0  }
0x1d: {  	s5 =	simm.s32 @p1 $0x1;
	p0 =	seq.s32 s7, s2  }
0x1e: {  	s7 =	smul.u32 @!p0 $0xF7A, s2;
	p2 =	seq.s32 @!p0 s5, $0x0  }
0x1f: {  	s9 =	smul.u32 $0xF7A, s1;
	s8 =	simm.s32 @!p0 $0x1BF5;
	p2 =	por !p2, p0  }
0x20: {  	[sflag:s8] =	ssyncset.s32 @!p0 $0xFFFFF086;
	s6 =	sadd.s32 @!p0 s3, s7;
	s7 =	simm.s32 @!p0 $0x108  }
0x21: {  	s3 =	sadd.s32 s3, s9;
	s6 =	sadd.s32 @!p0 $0x88, s6;
	s7 =	simm.s32 @p2 $0x1082  }
0x22: {  	[simem:s7], [sflag:s8] =	dma.local @!p0 [hbm:s6], $0xF7A  }
0x23: {  	s9 =	sor.u32 $0xD0000000, s2;
	s6 =	simm.s32 $0x108;
	_ =	swait.ge @!p0 [sflag:s8], $0x0  }
0x24: {  	s3 =	sadd.s32 $0x88, s3;
	s6 =	simm.s32 @!p1 $0x1082;
	[sflag:s4] =	ssyncset.s32 $0xFFFFF086  }
0x25: {  	[simem:s6], [sflag:s4] =	dma.local [hbm:s3], $0xF7A  }
0x26: {  	[smem:$0x3F9B] =	sst s1;
	(tag) =	ssettag s2;
	_ =	strace s9  }
0x27: {  	s1 =	sld [smem:$0x3FAB]  }
0x28: {  	s2 =	sld [smem:$0x3FAC]  }
0x29: {  	s4 =	sld [smem:$0x3FAE]  }
0x2a: {  	p0 =	seq.s32 s5, $0x0;
	s5 =	sld [smem:$0x3FAF]  }
0x2b: {  	s6 =	sld [smem:$0x3FB0]  }
0x2c: {  	s7 =	sld [smem:$0x3FB1]  }
0x2d: {  	s3 =	simm.s32 $0x108;
	s8 =	sld [smem:$0x3FB2]  }
0x2e: {  	s3 =	simm.s32 @!p0 $0x1082;
	s9 =	sld [smem:$0x3FB3]  }
0x2f: {  	lr =	sadd.s32 s0, s3;
	s0 =	sld [smem:$0x3FAA]  }
0x30: {  	s3 =	sld [smem:$0x3FAD]  }
0x31: {  	[smem:$0x3FB6] =	sst s10  }
0x32: {  	s10 =	sld [smem:$0x3FB4];
	_ =	sdelay $0x3  }
0x33: {  	p0 =	seq.s32 s10, $0x1;
	s10 =	sld [smem:$0x3FB6];
	_ =	sdelay $0x3  }
0x34: {  	[smem:$0x3FB6] =	sst s10  }
0x35: {  	s10 =	sld [smem:$0x3FB5];
	_ =	sdelay $0x3  }
0x36: {  	p1 =	seq.s32 s10, $0x1;
	s10 =	sld [smem:$0x3FB6];
	_ =	sdelay $0x3  }
0x37: {  	[smem:$0x3FB6] =	sst s10  }
0x38: {  	s10 =	sld [smem:$0x3FB7]  }
0x39: {  	_ = 	snop;
	(pc) =	sbr.ind lr, $3  }
0x3a: {  	_ = 	snop  }
0x3b: {  	_ = 	snop  }
0x3c: {  	p2 =	seq.s32 s10, $0x1;
	s10 =	sld [smem:$0x3FB6]  }
0x3d: {  	_ =	shalt  }
0x3e: {  	_ =	shalt  }
0x3f: {  	_ =	shalt  }
0x40: {  	_ =	shalt  }
0x41: {  	_ =	shalt  }
0x42: {  	_ =	shalt  }
0x43: {  	_ =	shalt  }
0x44: {  	_ =	shalt  }
0x45: {  	_ =	shalt  }
0x46: {  	_ =	shalt  }
0x47: {  	_ =	shalt  }
0x48: {  	_ =	shalt  }
0x49: {  	_ =	shalt  }
0x4a: {  	_ =	shalt  }
0x4b: {  	_ =	shalt  }
0x4c: {  	_ =	shalt  }
0x4d: {  	_ =	shalt  }
0x4e: {  	_ =	shalt  }
0x4f: {  	_ =	shalt  }
0x50: {  	_ =	shalt  }
0x51: {  	_ =	shalt  }
0x52: {  	_ =	shalt  }
0x53: {  	_ =	shalt  }
0x54: {  	_ =	shalt  }
0x55: {  	_ =	shalt  }
0x56: {  	_ =	shalt  }
0x57: {  	_ =	shalt  }
0x58: {  	_ =	shalt  }
0x59: {  	_ =	shalt  }
0x5a: {  	_ =	shalt  }
0x5b: {  	_ =	shalt  }
0x5c: {  	_ =	shalt  }
0x5d: {  	_ =	shalt  }
0x5e: {  	_ =	shalt  }
0x5f: {  	_ =	shalt  }
0x60: {  	_ =	shalt  }
0x61: {  	_ =	shalt  }
0x62: {  	_ =	shalt  }
0x63: {  	_ =	shalt  }
0x64: {  	_ =	shalt  }
0x65: {  	_ =	shalt  }
0x66: {  	_ =	shalt  }
0x67: {  	_ =	shalt  }
0x68: {  	_ =	shalt  }
0x69: {  	_ =	shalt  }
0x6a: {  	_ =	shalt  }
0x6b: {  	_ =	shalt  }
0x6c: {  	_ =	shalt  }
0x6d: {  	_ =	shalt  }
0x6e: {  	_ =	shalt  }
0x6f: {  	_ =	shalt  }
0x70: {  	_ =	shalt  }
0x71: {  	_ =	shalt  }
0x72: {  	_ =	shalt  }
0x73: {  	_ =	shalt  }
0x74: {  	_ =	shalt  }
0x75: {  	_ =	shalt  }
0x76: {  	_ =	shalt  }
0x77: {  	_ =	shalt  }
0x78: {  	_ =	shalt  }
0x79: {  	_ =	shalt  }
0x7a: {  	_ =	shalt  }
0x7b: {  	_ =	shalt  }
0x7c: {  	_ =	shalt  }
0x7d: {  	_ =	shalt  }
0x7e: {  	_ =	shalt  }
0x7f: {  	_ =	shalt  }
0x80: {  	_ =	shalt  }
0x81: {  	_ =	shalt  }
0x82: {  	_ =	shalt  }
0x83: {  	_ =	shalt  }
0x84: {  	_ =	shalt  }
0x85: {  	_ =	shalt  }
0x86: {  	_ =	shalt  }
0x87: {  	_ =	shalt  }
.Lfunc_end0:
.L_simem_size_0:
called_computation.1_lowered:
.L_overlay_start_0:
0x88: {  	s2 =	sld [smem:$0x3FD9]  }
0x89: {  	s3 =	sld [smem:$0x3FFE];
	_ =	sdelay $0x1  }
0x8a: {  	s1 =	srdreg.scid  }
0x8b: {  	s0 =	sand.u32 $0x1, s1  }
0x8c: {  	s14 =	sshll.u32 s0, $0xA;
	s2 =	sadd.s32 s3, s2  }
0x8d: {  	s2 =	sadd.s32 s2, s14  }
0x8e: {  	[smem:$0x3FC2] =	sst s2  }
0x8f: {  	_ = 	snop  }
0x90: {  	s2 =	sld [smem:$0x3FD0];
	_ =	sdelay $0x2  }
0x91: {  	s15 =	simm.s32 $0xA;
	s4 =	simm.s32 $0x10  }
0x92: {  	[smem:s4], [sflag:s15] =	dma.local [hbm:s2], $0x1  }
0x93: {  	_ =	swait.eq [sflag:s15], $0x1  }
0x94: {  	[sflag:s15] =	ssyncset.done $0x0  }
0x95: {  	s16 =	sld [smem:$0x10];
	[sflag:s15] =	ssyncadd.s32 $0xFFFFFFFF  }
0x96: {  	s17 =	sld [smem:$0x11];
	(tm) =	ssettm $0x1  }
0x97: {  	s18 =	sld [smem:$0x3FFB];
	_ =	sdelay $0x3  }
0x98: {  	_ =	strace s18  }
0x99: {  	s4 =	sld [smem:$0x3FFC];
	_ =	sdelay $0x3  }
0x9a: {  	_ =	strace s4  }
0x9b: {  	s4 =	sld [smem:$0x3FFD];
	_ =	sdelay $0x3  }
0x9c: {  	_ =	strace s4  }
0x9d: {  	_ =	strace $0x8FFFFFFF  }
0x9e: {  	s19 =	sld [smem:$0x3FDB];
	_ =	sdelay $0x1  }
0x9f: {  	s5 =	simm.s32 $_scs_section_size  }
0xa0: {  	s6 =	simm.s32 $_size__tile_overlayer_lowered;
	s7 =	simm.s32 $_tile_overlayer_lowered  }
0xa1: {  	s22 =	simm.s32 $0x1BFF;
	s21 =	sshll.u32 s7, $0x1;
	s4 =	sadd.s32 s5, s19  }
0xa2: {  	s8 =	simm.s32 $0x0;
	s20 =	sshll.u32 s6, $0x1;
	s6 =	sadd.s32 s21, s4  }
0xa3: {  	[timem:s8], [sflag:s22] =	dma.local [hbm:s6], s20  }
0xa4: {  	_ =	swait.ge [sflag:s22], s20  }
0xa5: {  	s5 =	ssub.s32 $0x0, s20;
	[sflag:s22] =	ssyncset.done $0x0  }
0xa6: {  	[sflag:s22] =	ssyncadd.s32 s5;
	_ =	sdelay $0x1  }
0xa7: {  	s23 =	simm.s32 $0x1B8B  }
0xa8: {  	_ =	swait.ge [sflag:s23], $0x1  }
0xa9: {  	[sflag:s23] =	ssyncset.done $0x0  }
0xaa: {  	s25 =	simm.s32 $0x1B8E;
	s24 =	sld [smem:$0x3FFE];
	[sflag:s23] =	ssyncadd.s32 $0xFFFFFFFF  }
0xab: {  	s26 =	simm.s32 $execute0_lowered;
	[smem:$0x3FD2] =	sst s25  }
0xac: {  	s6 =	sshll.u32 s26, $0x1;
	_ =	strace $0x80000049;
	[dreg:$0x1] =	wrdreg $0xFFFFFFFF  }
0xad: {  	s28 =	simm.s32 $_size_execute0_lowered;
	s4 =	sadd.s32 s4, s6;
	[dreg:$0x0] =	wrdreg $0x0  }
0xae: {  	s6 =	sshll.u32 s28, $0x1;
	[dreg:$0x2] =	wrdreg s4  }
0xaf: {  	[dreg:$0x3] =	wrdreg s6  }
0xb0: {  	[dreg:$0x4] =	wrdreg $0xC0  }
0xb1: {  	_ =	task [dreg:s8], $0x5FFFF  }
0xb2: {  	[dreg:$0x1] =	wrdreg $0xFFFFFFFF  }
0xb3: {  	[dreg:$0x0] =	wrdreg $0x60  }
0xb4: {  	[dreg:$0x2] =	wrdreg s24  }
0xb5: {  	[dreg:$0x3] =	wrdreg s16  }
0xb6: {  	[dreg:$0x4] =	wrdreg s17  }
0xb7: {  	[dreg:$0x5] =	wrdreg $0x55800  }
0xb8: {  	[dreg:$0x6] =	wrdreg $0x58000  }
0xb9: {  	[dreg:$0x7] =	wrdreg $0x5A800  }
0xba: {  	[dreg:$0x8] =	wrdreg $0x5D000  }
0xbb: {  	[dreg:$0x9] =	wrdreg $0x5F800  }
0xbc: {  	[dreg:$0xa] =	wrdreg $0x62000  }
0xbd: {  	[dreg:$0xb] =	wrdreg $0x9  }
0xbe: {  	_ =	task.clear_ibuf [dreg:s8], $0xCFFFF;
	_ =	strace $0x90000049  }
0xbf: {  	s29 =	simm.s32 $0x9;
	_ =	strace $0x8000004B  }
0xc0: {  	_ =	swait.ge [sflag:s29], $0x1  }
0xc1: {  	[sflag:s29] =	ssyncadd.s32 $0xFFFFFFFF  }
0xc2: {  	_ =	strace $0x9000004B  }
0xc3: {  	_ =	sfence  }
0xc4: {  	s30 =	sld [smem:$0x0];
	_ =	sdelay $0x2  }
0xc5: {  	s31 =	sshll.u32 s1, $0xD;
	s1 =	sshrl.u32 s1, $0x2  }
0xc6: {  	s3 =	sand.u32 $0x4000, s31;
	s1 =	sadd.s32 s1, s30  }
0xc7: {  	s0 =	sor.u32 s3, s0;
	s1 =	sshll.u32 s1, $0x11  }
0xc8: {  	s0 =	sor.u32 s1, s0  }
0xc9: {  	s0 =	sadd.s32 $0x8F2B, s0  }
0xca: {  	[sflag:s0] =	ssyncadd.remote.s32 $0x1  }
0xcb: {  	_ =	sfence.sel $0xFFFF  }
0xcc: {  	[dreg:$0x0] =	wrdreg $0xFFFFFFFF;
	(pc) =	sbr.abs _section_cstart, $3  }
0xcd: {  	[dreg:$0x1] =	wrdreg $0xFFFFFFFF  }
0xce: {  	_ =	task.clear_ibuf [dreg:s8], $0x2FFFF;
	_ =	strace $0x9FFFFFFF  }
0xcf: {  	(tm) =	ssettm $0x7FFFFFFF  }
tec
execute0_lowered:
.L_overlay_start_1:
0x0: {  	(tag) =	ssettag $0x1  }
0x1: {  	s3 =	rddreg [dreg:$0x0]  }
0x2: {  	s5 =	rddreg [dreg:$0x1]  }
0x3: {  	s9 =	rddreg [dreg:$0x2]  }
0x4: {  	s0 =	rddreg [dreg:$0x3]  }
0x5: {  	s1 =	rddreg [dreg:$0x4]  }
0x6: {  	s2 =	rddreg [dreg:$0x5]  }
0x7: {  	s6 =	srdreg.scid;
	s4 =	rddreg [dreg:$0x6]  }
0x8: {  	s21 =	stileid.u32;
	s7 =	rddreg [dreg:$0x8]  }
0x9: {  	s8 =	simm.s32 $0x0;
	s11 =	sand.u32 $0x1, s6;
	s6 =	rddreg [dreg:$0x7]  }
0xa: {  	s31 =	simm.s32 $0x5300;
	s13 =	smul.u32 $0x280, s21;
	[smem:$0x7FF] =	sst s8  }
0xb: {  	s19 =	sadd.s32 $0x16800, s3;
	s25 =	smul.u32 $0x50, s21;
	s12 =	sshll.u32 s11, $0x4  }
0xc: {  	_ =	strace $0x8000004A;
	s22 =	ssub.s32 $0x2, s11;
	s20 =	smul.u32 $0x500, s11  }
0xd: {  	[dreg:$0xa] =	wrdreg s19;
	s11 =	smul.u32 $0xA0000, s11;
	s10 =	sor.u32 s21, s12  }
0xe: {  	s15 =	sshrl.u32 s13, $0x3;
	s23 =	sshrl.u32 s22, $0x1;
	s26 =	sadd.s32 s13, s0  }
0xf: {  	s5 =	sadd.s32 s5, s12;
	s9 =	sadd.s32 s9, s12;
	s14 =	smul.u32 $0x50, s10  }
0x10: {  	s10 =	smul.u32 $0x500, s10;
	s15 =	sadd.s32 s15, s3;
	s19 =	ssub.s32 s22, s23  }
0x11: {  	[dreg:$0xc] =	wrdreg s26;
	s26 =	sadd.s32 s13, s1;
	s22 =	sadd.s32 $0x21600, s15  }
0x12: {  	s23 =	sadd.s32 $0x21000, s15;
	[dreg:$0xe] =	wrdreg s26;
	s26 =	smax.u32 s19, $0x1  }
0x13: {  	s16 =	smin.u32 s14, $0x974;
	s18 =	sadd.s32 s10, s3;
	[dreg:$0xb] =	wrdreg s22  }
0x14: {  	s24 =	ssub.s32 $0x9C4, s14;
	s22 =	smul.u32 $0xA000, s21;
	[dreg:$0xd] =	wrdreg s23  }
0x15: {  	[dreg:$0x18] =	wrdreg s26;
	s17 =	sshll.u32 s16, $0x4;
	s10 =	smin.u32 s24, $0x50  }
0x16: {  	s14 =	ssub.s32 s14, s16;
	s16 =	sadd.s32 s25, s20;
	s25 =	smul.u32 $0xA0, s21  }
0x17: {  	s20 =	sadd.s32 $0x20A00, s15;
	s15 =	sadd.s32 s13, s4;
	s17 =	sadd.s32 s17, s3  }
0x18: {  	s11 =	sadd.s32 s22, s11;
	[dreg:$0xf] =	wrdreg s20;
	s22 =	sadd.s32 s13, s2  }
0x19: {  	s24 =	smin.u32 s16, $0x974;
	s16 =	sadd.s32 s13, s6;
	[dreg:$0x13] =	wrdreg s22  }
0x1a: {  	s3 =	sadd.s32 s12, s3;
	s20 =	sadd.s32 s13, s7;
	[dreg:$0x14] =	wrdreg s16  }
0x1b: {  	s23 =	sshll.u32 s14, $0x9;
	s5 =	sadd.s32 s25, s5;
	[dreg:$0x15] =	wrdreg s20  }
0x1c: {  	s12 =	sshll.u32 s24, $0x9;
	s21 =	sadd.s32 s25, s9;
	[dreg:$0x10] =	wrdreg s5  }
0x1d: {  	s3 =	sadd.s32 $0x21C00, s3;
	s24 =	sadd.s32 $0x2E00, s17;
	[dreg:$0x11] =	wrdreg s21  }
0x1e: {  	s13 =	simm.s32 $0x0;
	s3 =	sadd.s32 s25, s3;
	[dreg:$0x16] =	wrdreg s24  }
0x1f: {  	s9 =	simm.s32 $0x3;
	s25 =	sadd.s32 $0x16A00, s18;
	[dreg:$0x12] =	wrdreg s3  }
0x20: {  	s11 =	ssub.s32 s11, s12;
	s5 =	simm.s32 $0x5;
	[dreg:$0x17] =	wrdreg s25  }
0x21: {  	s25 =	sshra.s32 s23, $0x2;
	s28 =	sshra.s32 s11, $0x2;
	s3 =	simm.s32 $0x80  }
0x22: {  	s11 =	simm.s32 $0x4;
	s29 =	sor.u32 $0x80, s25;
	s30 =	sadd.s32 $0x2800, s28  }
.LBB2_1:
0x23: {  	s12 =	rddreg [dreg:$0xb]  }
0x24: {  	[tilespmem:s31], [sflag:$0x5] =	stream.linear.gather [hbm4b:s12+s8], $0x280, $0x38;
	[tilespmem:$0x6480] =	vst v63  }
0x25: {  	_ =	swait.ge [sflag:s5], $0x280  }
0x26: {  	[sflag:s5] =	ssyncset.done $0x0  }
0x27: {  	s21 =	rddreg [dreg:$0xc];
	[sflag:s5] =	ssyncadd.s32 $0xFFFFFD80  }
0x28: {  	[spmem:s21] =	stream.linear.scatter [tilespmem:s31], [sflag:$0x5], $0x280, $0x38;
	[tilespmem:$0x6480] =	vst v63  }
0x29: {  	_ =	swait.ge [sflag:s5], $0x280  }
0x2a: {  	[sflag:s5] =	ssyncset.done $0x0  }
0x2b: {  	s22 =	rddreg [dreg:$0xd];
	[sflag:s5] =	ssyncadd.s32 $0xFFFFFD80  }
0x2c: {  	[tilespmem:s31], [sflag:$0x5] =	stream.linear.gather [hbm4b:s22+s8], $0x280, $0x38;
	[tilespmem:$0x6480] =	vst v63  }
0x2d: {  	_ =	swait.ge [sflag:s5], $0x280  }
0x2e: {  	[sflag:s5] =	ssyncset.done $0x0  }
0x2f: {  	s23 =	rddreg [dreg:$0xe];
	[sflag:s5] =	ssyncadd.s32 $0xFFFFFD80  }
0x30: {  	[spmem:s23] =	stream.linear.scatter [tilespmem:s31], [sflag:$0x5], $0x280, $0x38;
	[tilespmem:$0x6480] =	vst v63  }
0x31: {  	_ =	swait.ge [sflag:s5], $0x280  }
0x32: {  	[sflag:s5] =	ssyncset.done $0x0  }
0x33: {  	s24 =	rddreg [dreg:$0xf];
	[sflag:s5] =	ssyncadd.s32 $0xFFFFFD80  }
0x34: {  	[tilespmem:s31], [sflag:$0x5] =	stream.linear.gather [hbm4b:s24+s8], $0x280, $0x38;
	[tilespmem:$0x6480] =	vst v63  }
0x35: {  	_ =	swait.ge [sflag:s5], $0x280  }
0x36: {  	[sflag:s5] =	ssyncset.done $0x0  }
0x37: {  	s26 =	rddreg [dreg:$0x13];
	[sflag:s5] =	ssyncadd.s32 $0xFFFFFD80  }
0x38: {  	[spmem:s26] =	stream.linear.scatter [tilespmem:s31], [sflag:$0x5], $0x280, $0x38;
	[tilespmem:$0x6480] =	vst v63  }
0x39: {  	_ =	swait.ge [sflag:s5], $0x280  }
0x3a: {  	[sflag:s5] =	ssyncset.done $0x0  }
0x3b: {  	s14 =	rddreg [dreg:$0xa];
	[sflag:s5] =	ssyncadd.s32 $0xFFFFFD80  }
0x3c: {  	[tilespmem:s31], [sflag:$0x5] =	stream.linear.gather [hbm4b:s14+s8], $0x280, $0x38;
	[tilespmem:$0x6480] =	vst v63  }
0x3d: {  	_ =	swait.ge [sflag:s5], $0x280  }
0x3e: {  	[sflag:s5] =	ssyncset.done $0x0  }
0x3f: {  	[sflag:s5] =	ssyncadd.s32 $0xFFFFFD80  }
0x40: {  	[spmem:s15] =	stream.linear.scatter [tilespmem:s31], [sflag:$0x5], $0x280, $0x38;
	[tilespmem:$0x6480] =	vst v63  }
0x41: {  	_ =	swait.ge [sflag:s5], $0x280  }
0x42: {  	[sflag:s5] =	ssyncset.done $0x0  }
0x43: {  	[sflag:s5] =	ssyncadd.s32 $0xFFFFFD80  }
0x44: {  	[spmem:s16] =	stream.linear.scatter [tilespmem:s31], [sflag:$0x5], $0x280, $0x38;
	[tilespmem:$0x6480] =	vst v63  }
0x45: {  	_ =	swait.ge [sflag:s5], $0x280  }
0x46: {  	[sflag:s5] =	ssyncset.done $0x0  }
0x47: {  	[sflag:s5] =	ssyncadd.s32 $0xFFFFFD80  }
0x48: {  	[spmem:s20] =	stream.linear.scatter [tilespmem:s31], [sflag:$0x5], $0x280, $0x38;
	[tilespmem:$0x6480] =	vst v63  }
0x49: {  	_ =	swait.ge [sflag:s5], $0x280  }
0x4a: {  	[sflag:s5] =	ssyncset.done $0x0  }
0x4b: {  	s17 =	rddreg [dreg:$0x16];
	[sflag:s5] =	ssyncadd.s32 $0xFFFFFD80  }
0x4c: {  	[tilespmem:s8], [sflag:$0x5] =	stream.linear.gather [hbm4b:s17+s8], $0x2800, $0x38;
	[tilespmem:$0x6480] =	vst v63  }
0x4d: {  	_ =	swait.ge [sflag:s5], $0x2800  }
0x4e: {  	[sflag:s5] =	ssyncset.done $0x0  }
0x4f: {  	s14 =	simm.s32 $0x2800;
	s18 =	rddreg [dreg:$0x17];
	[sflag:s5] =	ssyncadd.s32 $0xFFFFD800  }
0x50: {  	[tilespmem:s14], [sflag:$0x5] =	stream.linear.gather [hbm4b:s18+s8], $0x2800, $0x38;
	[tilespmem:$0x6480] =	vst v63  }
0x51: {  	_ =	swait.ge [sflag:s5], $0x2800  }
0x52: {  	[sflag:s5] =	ssyncset.done $0x0  }
0x53: {  	[sflag:s5] =	ssyncadd.s32 $0xFFFFD800  }
0x54: {  	s19 =	simm.s32 $0x5000;
	[bflag:$0x0] =	sbarrier.arrive $0xFFFF  }
0x55: {  	[tilespmem:s19], [sflag:$0x1] =	stream.indirect.gather [spmem:s0], $0x1, s25, s3, $0xb8;
	[tilespmem:$0x6480] =	vst v63  }
0x56: {  	s20 =	simm.s32 $0x5080  }
0x57: {  	[tilespmem:s20], [sflag:$0x1] =	stream.indirect.gather [spmem:s1], $0x1, s25, s3, $0xb8;
	[tilespmem:$0x6480] =	vst v63  }
0x58: {  	s21 =	simm.s32 $0x5100  }
0x59: {  	[tilespmem:s21], [sflag:$0x1] =	stream.indirect.gather [spmem:s2], $0x1, s25, s3, $0xb8;
	[tilespmem:$0x6480] =	vst v63  }
0x5a: {  	s23 =	simm.s32 $0x5180  }
0x5b: {  	[tilespmem:s23], [sflag:$0x2] =	stream.indirect.gather [spmem:s0], $0x1, s29, s3, $0xb8;
	[tilespmem:$0x6480] =	vst v63  }
0x5c: {  	p1 =	sle.u32 s10, $0x0;
	s24 =	simm.s32 $0x5200  }
0x5d: {  	[tilespmem:s24], [sflag:$0x2] =	stream.indirect.gather [spmem:s1], $0x1, s29, s3, $0xb8;
	[tilespmem:$0x6480] =	vst v63  }
0x5e: {  	s12 =	simm.s32 @!p1 $0x1;
	s26 =	simm.s32 $0x5280  }
0x5f: {  	[tilespmem:s26], [sflag:$0x2] =	stream.indirect.gather [spmem:s2], $0x1, s29, s3, $0xb8;
	[tilespmem:$0x6480] =	vst v63  }
0x60: {  	_ =	swait.ge @!p1 [sflag:s12], $0x80  }
0x61: {  	[sflag:s12] =	ssyncset.done @!p1 $0x0  }
0x62: {  	[sflag:s12] =	ssyncadd.s32 @!p1 $0xFFFFFF80  }
0x63: {  	_ =	swait.ge @!p1 [sflag:s12], $0x80  }
0x64: {  	[sflag:s12] =	ssyncset.done @!p1 $0x0  }
0x65: {  	[sflag:s12] =	ssyncadd.s32 @!p1 $0xFFFFFF80  }
0x66: {  	_ =	swait.ge @!p1 [sflag:s12], $0x80  }
0x67: {  	s22 =	smov.u32 s15;
	s15 =	sadd.s32 @!p1 $0x0, s30;
	[sflag:s12] =	ssyncset.done @!p1 $0x0  }
0x68: {  	s16 =	simm.s32 @!p1 $0x80;
	s14 =	simm.s32 @!p1 $0x5000;
	[sflag:s12] =	ssyncadd.s32 @!p1 $0xFFFFFF80  }
0x69: {  	[spmem:s4] =	stream.indirect.scatter.add.f32 @!p1 [tilespmem:s14], [sflag:$0x3], $0x1, s15, s16, $0xb8;
	[tilespmem:$0x6480] =	vst v63  }
0x6a: {  	p0 =	sle.u32 s10, $0x1;
	s12 =	simm.s32 @!p1 $0x5080  }
0x6b: {  	[spmem:s6] =	stream.indirect.scatter.add.f32 @!p1 [tilespmem:s12], [sflag:$0x3], $0x1, s15, s16, $0xb8;
	[tilespmem:$0x6480] =	vst v63  }
0x6c: {  	s14 =	simm.s32 @!p0 $0x2;
	s12 =	simm.s32 @!p1 $0x5100  }
0x6d: {  	[spmem:s7] =	stream.indirect.scatter.add.f32 @!p1 [tilespmem:s12], [sflag:$0x3], $0x1, s15, s16, $0xb8;
	[tilespmem:$0x6480] =	vst v63  }
0x6e: {  	_ =	swait.ge @!p0 [sflag:s14], $0x80  }
0x6f: {  	[sflag:s14] =	ssyncset.done @!p0 $0x0  }
0x70: {  	[sflag:s14] =	ssyncadd.s32 @!p0 $0xFFFFFF80  }
0x71: {  	_ =	swait.ge @!p0 [sflag:s14], $0x80  }
0x72: {  	[sflag:s14] =	ssyncset.done @!p0 $0x0  }
0x73: {  	[sflag:s14] =	ssyncadd.s32 @!p0 $0xFFFFFF80  }
0x74: {  	_ =	swait.ge @!p0 [sflag:s14], $0x80  }
0x75: {  	s12 =	sadd.s32 @!p0 $0x0, s30;
	s15 =	simm.s32 @!p0 $0x5180;
	[sflag:s14] =	ssyncset.done @!p0 $0x0  }
0x76: {  	s16 =	simm.s32 @!p0 $0x80;
	s12 =	sadd.s32 @!p0 $0x80, s12;
	[sflag:s14] =	ssyncadd.s32 @!p0 $0xFFFFFF80  }
0x77: {  	[spmem:s4] =	stream.indirect.scatter.add.f32 @!p0 [tilespmem:s15], [sflag:$0x4], $0x1, s12, s16, $0xb8;
	[tilespmem:$0x6480] =	vst v63  }
0x78: {  	p1 =	sle.u32 s10, $0x2;
	s14 =	simm.s32 @!p0 $0x5200  }
0x79: {  	[spmem:s6] =	stream.indirect.scatter.add.f32 @!p0 [tilespmem:s14], [sflag:$0x4], $0x1, s12, s16, $0xb8;
	[tilespmem:$0x6480] =	vst v63  }
0x7a: {  	s23 =	simm.s32 @!p1 $0x3;
	s14 =	simm.s32 @!p0 $0x5280  }
0x7b: {  	[spmem:s7] =	stream.indirect.scatter.add.f32 @!p0 [tilespmem:s14], [sflag:$0x4], $0x1, s12, s16, $0xb8;
	[tilespmem:$0x6480] =	vst v63  }
0x7c: {  	s17 =	simm.s32 $0x0;
	_ =	swait.ge @!p1 [sflag:s23], $0x80  }
0x7d: {  	s18 =	simm.s32 $0x4;
	s19 =	simm.s32 $0x0;
	[sflag:s23] =	ssyncset.done @!p1 $0x0  }
0x7e: {  	s26 =	simm.s32 @!p1 $0x5000;
	s24 =	simm.s32 @!p1 $0x5080;
	[sflag:s23] =	ssyncadd.s32 @!p1 $0xFFFFFF80  }
0x7f: {  	s20 =	simm.s32 @!p1 $0x80;
	s15 =	simm.s32 $0x4;
	_ =	swait.ge @!p1 [sflag:s23], $0x80  }
0x80: {  	s14 =	simm.s32 $0x2;
	s12 =	sadd.s32 @!p1 $0x0, s28;
	[sflag:s23] =	ssyncset.done @!p1 $0x0  }
0x81: {  	s16 =	simm.s32 $0x0;
	s12 =	sadd.s32 @!p1 $0x100, s12;
	[sflag:s23] =	ssyncadd.s32 @!p1 $0xFFFFFF80  }
.LBB2_2:
0x82: {  	_ =	swait.ge @!p1 [sflag:s23], $0x80;
	s21 =	smov.u32 s18;
	s18 =	sadd.s32 $0x2, s18  }
0x83: {  	s16 =	sadd.s32 $0x400, s16;
	p0 =	sne.s32 s18, $0x50;
	[sflag:s23] =	ssyncset.done @!p1 $0x0  }
0x84: {  	s19 =	sadd.s32 $0x3, s19;
	[sflag:s23] =	ssyncadd.s32 @!p1 $0xFFFFFF80;
	s23 =	simm.s32 @!p1 $0x5100  }
0x85: {  	[tilespmem:s26], [sflag:$0x1] =	stream.indirect.gather @!p1 [spmem:s0], $0x1, s12, s20, $0xb8;
	[tilespmem:$0x6480] =	vst v63  }
0x86: {  	p3 =	sge.u32 s19, s10;
	s19 =	smov.u32 s14;
	s14 =	smov.u32 s21  }
0x87: {  	[tilespmem:s24], [sflag:$0x1] =	stream.indirect.gather @!p1 [spmem:s1], $0x1, s12, s20, $0xb8;
	[tilespmem:$0x6480] =	vst v63  }
0x88: {  	s21 =	simm.s32 @!p3 $0x4;
	s24 =	sshra.s32 @!p3 s17, $0x2;
	s17 =	smov.u32 s16  }
0x89: {  	[tilespmem:s23], [sflag:$0x1] =	stream.indirect.gather @!p1 [spmem:s2], $0x1, s12, s20, $0xb8;
	[tilespmem:$0x6480] =	vst v63  }
0x8a: {  	s12 =	sadd.s32 @!p3 s24, s28;
	_ =	swait.ge @!p3 [sflag:s21], $0x80  }
0x8b: {  	[sflag:s21] =	ssyncset.done @!p3 $0x0  }
0x8c: {  	[sflag:s21] =	ssyncadd.s32 @!p3 $0xFFFFFF80  }
0x8d: {  	_ =	swait.ge @!p3 [sflag:s21], $0x80  }
0x8e: {  	[sflag:s21] =	ssyncset.done @!p3 $0x0  }
0x8f: {  	[sflag:s21] =	ssyncadd.s32 @!p3 $0xFFFFFF80  }
0x90: {  	_ =	swait.ge @!p3 [sflag:s21], $0x80  }
0x91: {  	s20 =	simm.s32 @!p3 $0x5180;
	[sflag:s21] =	ssyncset.done @!p3 $0x0  }
0x92: {  	s12 =	sadd.s32 @!p3 $0x180, s12;
	[sflag:s21] =	ssyncadd.s32 @!p3 $0xFFFFFF80;
	s21 =	simm.s32 @!p3 $0x80  }
0x93: {  	[tilespmem:s20], [sflag:$0x2] =	stream.indirect.gather @!p3 [spmem:s0], $0x1, s12, s21, $0xb8;
	[tilespmem:$0x6480] =	vst v63  }
0x94: {  	p1 =	sge.u32 s19, s10;
	s23 =	simm.s32 @!p3 $0x5200;
	s20 =	sadd.s32 $0x1, s19  }
0x95: {  	[tilespmem:s23], [sflag:$0x2] =	stream.indirect.gather @!p3 [spmem:s1], $0x1, s12, s21, $0xb8;
	[tilespmem:$0x6480] =	vst v63  }
0x96: {  	p2 =	sge.u32 s20, s10;
	s20 =	simm.s32 @!p3 $0x5280;
	s23 =	simm.s32 @!p1 $0x1  }
0x97: {  	[tilespmem:s20], [sflag:$0x2] =	stream.indirect.gather @!p3 [spmem:s2], $0x1, s12, s21, $0xb8;
	[tilespmem:$0x6480] =	vst v63  }
0x98: {  	_ =	swait.ge @!p1 [sflag:s23], $0x80  }
0x99: {  	s12 =	sshra.s32 @!p2 s16, $0x2;
	[sflag:s23] =	ssyncset.done @!p1 $0x0  }
0x9a: {  	s12 =	sadd.s32 @!p2 s12, s30;
	[sflag:s23] =	ssyncadd.s32 @!p1 $0xFFFFFF80  }
0x9b: {  	_ =	swait.ge @!p1 [sflag:s23], $0x80  }
0x9c: {  	[sflag:s23] =	ssyncset.done @!p1 $0x0  }
0x9d: {  	s20 =	sshra.s32 @!p1 s16, $0x2;
	[sflag:s23] =	ssyncadd.s32 @!p1 $0xFFFFFF80  }
0x9e: {  	s24 =	simm.s32 @!p1 $0x5080;
	s21 =	simm.s32 @!p1 $0x5000;
	_ =	swait.ge @!p1 [sflag:s23], $0x80  }
0x9f: {  	s26 =	simm.s32 @!p1 $0x80;
	s20 =	sadd.s32 @!p1 s20, s30;
	[sflag:s23] =	ssyncset.done @!p1 $0x0  }
0xa0: {  	[sflag:s23] =	ssyncadd.s32 @!p1 $0xFFFFFF80  }
0xa1: {  	[spmem:s4] =	stream.indirect.scatter.add.f32 @!p1 [tilespmem:s21], [sflag:$0x3], $0x1, s20, s26, $0xb8;
	[tilespmem:$0x6480] =	vst v63  }
0xa2: {  	_ = 	snop  }
0xa3: {  	s21 =	simm.s32 @!p1 $0x5100  }
0xa4: {  	[spmem:s6] =	stream.indirect.scatter.add.f32 @!p1 [tilespmem:s24], [sflag:$0x3], $0x1, s20, s26, $0xb8;
	[tilespmem:$0x6480] =	vst v63  }
0xa5: {  	s23 =	simm.s32 @!p2 $0x2  }
0xa6: {  	[spmem:s7] =	stream.indirect.scatter.add.f32 @!p1 [tilespmem:s21], [sflag:$0x3], $0x1, s20, s26, $0xb8;
	[tilespmem:$0x6480] =	vst v63  }
0xa7: {  	_ =	swait.ge @!p2 [sflag:s23], $0x80  }
0xa8: {  	[sflag:s23] =	ssyncset.done @!p2 $0x0  }
0xa9: {  	[sflag:s23] =	ssyncadd.s32 @!p2 $0xFFFFFF80  }
0xaa: {  	s20 =	simm.s32 @!p2 $0x5180;
	_ =	swait.ge @!p2 [sflag:s23], $0x80  }
0xab: {  	[sflag:s23] =	ssyncset.done @!p2 $0x0  }
0xac: {  	s21 =	simm.s32 @!p2 $0x5200;
	[sflag:s23] =	ssyncadd.s32 @!p2 $0xFFFFFF80  }
0xad: {  	_ =	swait.ge @!p2 [sflag:s23], $0x80  }
0xae: {  	s24 =	simm.s32 @!p2 $0x80;
	p1 =	sge.u32 s15, s10;
	[sflag:s23] =	ssyncset.done @!p2 $0x0  }
0xaf: {  	s12 =	sadd.s32 @!p2 $0x80, s12;
	s15 =	sshra.s32 @!p1 s16, $0x2;
	[sflag:s23] =	ssyncadd.s32 @!p2 $0xFFFFFF80  }
0xb0: {  	[spmem:s4] =	stream.indirect.scatter.add.f32 @!p2 [tilespmem:s20], [sflag:$0x4], $0x1, s12, s24, $0xb8;
	[tilespmem:$0x6480] =	vst v63  }
0xb1: {  	s23 =	simm.s32 @!p1 $0x3;
	s20 =	sadd.s32 @!p1 s15, s28;
	s15 =	smov.u32 s18  }
0xb2: {  	[spmem:s6] =	stream.indirect.scatter.add.f32 @!p2 [tilespmem:s21], [sflag:$0x4], $0x1, s12, s24, $0xb8;
	[tilespmem:$0x6480] =	vst v63  }
0xb3: {  	s26 =	simm.s32 @!p1 $0x5000;
	s21 =	simm.s32 @!p2 $0x5280  }
0xb4: {  	[spmem:s7] =	stream.indirect.scatter.add.f32 @!p2 [tilespmem:s21], [sflag:$0x4], $0x1, s12, s24, $0xb8;
	[tilespmem:$0x6480] =	vst v63  }
0xb5: {  	s24 =	simm.s32 @!p1 $0x5080;
	_ =	swait.ge @!p1 [sflag:s23], $0x80  }
.Ltmp0:
0xb6: {  	[sflag:s23] =	ssyncset.done @!p1 $0x0;
	(pc) =	sbr.rel @p0 .LBB2_2-.Ltmp0, $4  }
0xb7: {  	[sflag:s23] =	ssyncadd.s32 @!p1 $0xFFFFFF80  }
0xb8: {  	_ =	swait.ge @!p1 [sflag:s23], $0x80  }
0xb9: {  	[sflag:s23] =	ssyncset.done @!p1 $0x0  }
0xba: {  	s12 =	sadd.s32 @!p1 $0x100, s20;
	s20 =	simm.s32 @!p1 $0x80;
	[sflag:s23] =	ssyncadd.s32 @!p1 $0xFFFFFF80  }
0xbb: {  	_ =	swait.ge @!p1 [sflag:s23], $0x80  }
0xbc: {  	[sflag:s23] =	ssyncset.done @!p1 $0x0  }
0xbd: {  	[sflag:s23] =	ssyncadd.s32 @!p1 $0xFFFFFF80  }
0xbe: {  	[tilespmem:s26], [sflag:$0x1] =	stream.indirect.gather @!p1 [spmem:s0], $0x1, s12, s20, $0xb8;
	[tilespmem:$0x6480] =	vst v63  }
0xbf: {  	_ = 	snop  }
0xc0: {  	[tilespmem:s24], [sflag:$0x1] =	stream.indirect.gather @!p1 [spmem:s1], $0x1, s12, s20, $0xb8;
	[tilespmem:$0x6480] =	vst v63  }
0xc1: {  	s18 =	simm.s32 @!p1 $0x5100  }
0xc2: {  	[tilespmem:s18], [sflag:$0x1] =	stream.indirect.gather @!p1 [spmem:s2], $0x1, s12, s20, $0xb8;
	[tilespmem:$0x6480] =	vst v63  }
0xc3: {  	s18 =	sadd.s32 $0x3, s19  }
0xc4: {  	p1 =	sge.u32 s18, s10  }
0xc5: {  	s12 =	simm.s32 @!p1 $0x4  }
0xc6: {  	_ =	swait.ge @!p1 [sflag:s12], $0x80  }
0xc7: {  	[sflag:s12] =	ssyncset.done @!p1 $0x0  }
0xc8: {  	[sflag:s12] =	ssyncadd.s32 @!p1 $0xFFFFFF80  }
0xc9: {  	_ =	swait.ge @!p1 [sflag:s12], $0x80  }
0xca: {  	[sflag:s12] =	ssyncset.done @!p1 $0x0  }
0xcb: {  	[sflag:s12] =	ssyncadd.s32 @!p1 $0xFFFFFF80  }
0xcc: {  	s17 =	sshra.s32 @!p1 s17, $0x2;
	_ =	swait.ge @!p1 [sflag:s12], $0x80  }
0xcd: {  	s18 =	simm.s32 @!p1 $0x5180;
	s17 =	sadd.s32 @!p1 s17, s28;
	[sflag:s12] =	ssyncset.done @!p1 $0x0  }
0xce: {  	[sflag:s12] =	ssyncadd.s32 @!p1 $0xFFFFFF80;
	s12 =	sadd.s32 @!p1 $0x180, s17;
	s17 =	simm.s32 @!p1 $0x80  }
0xcf: {  	[tilespmem:s18], [sflag:$0x2] =	stream.indirect.gather @!p1 [spmem:s0], $0x1, s12, s17, $0xb8;
	[tilespmem:$0x6480] =	vst v63  }
0xd0: {  	s18 =	simm.s32 @!p1 $0x5200  }
0xd1: {  	[tilespmem:s18], [sflag:$0x2] =	stream.indirect.gather @!p1 [spmem:s1], $0x1, s12, s17, $0xb8;
	[tilespmem:$0x6480] =	vst v63  }
0xd2: {  	p0 =	sge.u32 s14, s10;
	s18 =	simm.s32 @!p1 $0x5280  }
0xd3: {  	[tilespmem:s18], [sflag:$0x2] =	stream.indirect.gather @!p1 [spmem:s2], $0x1, s12, s17, $0xb8;
	[tilespmem:$0x6480] =	vst v63  }
0xd4: {  	s12 =	simm.s32 @!p0 $0x1  }
0xd5: {  	_ =	swait.ge @!p0 [sflag:s12], $0x80  }
0xd6: {  	[sflag:s12] =	ssyncset.done @!p0 $0x0  }
0xd7: {  	[sflag:s12] =	ssyncadd.s32 @!p0 $0xFFFFFF80  }
0xd8: {  	_ =	swait.ge @!p0 [sflag:s12], $0x80  }
0xd9: {  	[sflag:s12] =	ssyncset.done @!p0 $0x0  }
0xda: {  	[sflag:s12] =	ssyncadd.s32 @!p0 $0xFFFFFF80  }
0xdb: {  	s16 =	sadd.s32 $0x400, s16;
	_ =	swait.ge @!p0 [sflag:s12], $0x80  }
0xdc: {  	s17 =	sshra.s32 @!p0 s16, $0x2;
	s18 =	simm.s32 @!p0 $0x5000;
	[sflag:s12] =	ssyncset.done @!p0 $0x0  }
0xdd: {  	s17 =	sadd.s32 @!p0 s17, s30;
	[sflag:s12] =	ssyncadd.s32 @!p0 $0xFFFFFF80;
	s12 =	simm.s32 @!p0 $0x80  }
0xde: {  	[spmem:s4] =	stream.indirect.scatter.add.f32 @!p0 [tilespmem:s18], [sflag:$0x3], $0x1, s17, s12, $0xb8;
	[tilespmem:$0x6480] =	vst v63  }
0xdf: {  	s19 =	sadd.s32 $0x1, s14;
	s18 =	simm.s32 @!p0 $0x5080  }
0xe0: {  	[spmem:s6] =	stream.indirect.scatter.add.f32 @!p0 [tilespmem:s18], [sflag:$0x3], $0x1, s17, s12, $0xb8;
	[tilespmem:$0x6480] =	vst v63  }
0xe1: {  	p1 =	sge.u32 s19, s10;
	s18 =	simm.s32 @!p0 $0x5100  }
0xe2: {  	[spmem:s7] =	stream.indirect.scatter.add.f32 @!p0 [tilespmem:s18], [sflag:$0x3], $0x1, s17, s12, $0xb8;
	[tilespmem:$0x6480] =	vst v63  }
0xe3: {  	s12 =	simm.s32 @!p1 $0x2  }
0xe4: {  	_ =	swait.ge @!p1 [sflag:s12], $0x80  }
0xe5: {  	[sflag:s12] =	ssyncset.done @!p1 $0x0  }
0xe6: {  	[sflag:s12] =	ssyncadd.s32 @!p1 $0xFFFFFF80  }
0xe7: {  	_ =	swait.ge @!p1 [sflag:s12], $0x80  }
0xe8: {  	[sflag:s12] =	ssyncset.done @!p1 $0x0  }
0xe9: {  	[sflag:s12] =	ssyncadd.s32 @!p1 $0xFFFFFF80  }
0xea: {  	s17 =	sshra.s32 @!p1 s16, $0x2;
	_ =	swait.ge @!p1 [sflag:s12], $0x80  }
0xeb: {  	s18 =	simm.s32 @!p1 $0x5180;
	s17 =	sadd.s32 @!p1 s17, s30;
	[sflag:s12] =	ssyncset.done @!p1 $0x0  }
0xec: {  	s17 =	sadd.s32 @!p1 $0x80, s17;
	[sflag:s12] =	ssyncadd.s32 @!p1 $0xFFFFFF80;
	s12 =	simm.s32 @!p1 $0x80  }
0xed: {  	[spmem:s4] =	stream.indirect.scatter.add.f32 @!p1 [tilespmem:s18], [sflag:$0x4], $0x1, s17, s12, $0xb8;
	[tilespmem:$0x6480] =	vst v63  }
0xee: {  	s18 =	simm.s32 @!p1 $0x5200  }
0xef: {  	[spmem:s6] =	stream.indirect.scatter.add.f32 @!p1 [tilespmem:s18], [sflag:$0x4], $0x1, s17, s12, $0xb8;
	[tilespmem:$0x6480] =	vst v63  }
0xf0: {  	p0 =	sge.u32 s15, s10;
	s15 =	simm.s32 @!p1 $0x5280  }
0xf1: {  	[spmem:s7] =	stream.indirect.scatter.add.f32 @!p1 [tilespmem:s15], [sflag:$0x4], $0x1, s17, s12, $0xb8;
	[tilespmem:$0x6480] =	vst v63  }
0xf2: {  	s12 =	simm.s32 @!p0 $0x3  }
0xf3: {  	_ =	swait.ge @!p0 [sflag:s12], $0x80  }
0xf4: {  	[sflag:s12] =	ssyncset.done @!p0 $0x0  }
0xf5: {  	[sflag:s12] =	ssyncadd.s32 @!p0 $0xFFFFFF80  }
0xf6: {  	_ =	swait.ge @!p0 [sflag:s12], $0x80  }
0xf7: {  	[sflag:s12] =	ssyncset.done @!p0 $0x0  }
0xf8: {  	[sflag:s12] =	ssyncadd.s32 @!p0 $0xFFFFFF80  }
0xf9: {  	s15 =	sshra.s32 @!p0 s16, $0x2;
	_ =	swait.ge @!p0 [sflag:s12], $0x80  }
0xfa: {  	s17 =	simm.s32 @!p0 $0x5000;
	s15 =	sadd.s32 @!p0 s15, s28;
	[sflag:s12] =	ssyncset.done @!p0 $0x0  }
0xfb: {  	s15 =	sadd.s32 @!p0 $0x100, s15;
	[sflag:s12] =	ssyncadd.s32 @!p0 $0xFFFFFF80;
	s12 =	simm.s32 @!p0 $0x80  }
0xfc: {  	[tilespmem:s17], [sflag:$0x1] =	stream.indirect.gather @!p0 [spmem:s0], $0x1, s15, s12, $0xb8;
	[tilespmem:$0x6480] =	vst v63  }
0xfd: {  	s17 =	simm.s32 @!p0 $0x5080  }
0xfe: {  	[tilespmem:s17], [sflag:$0x1] =	stream.indirect.gather @!p0 [spmem:s1], $0x1, s15, s12, $0xb8;
	[tilespmem:$0x6480] =	vst v63  }
0xff: {  	s20 =	sadd.s32 $0x3, s14;
	s17 =	simm.s32 @!p0 $0x5100  }
0x100: {  	[tilespmem:s17], [sflag:$0x1] =	stream.indirect.gather @!p0 [spmem:s2], $0x1, s15, s12, $0xb8;
	[tilespmem:$0x6480] =	vst v63  }
0x101: {  	p0 =	sge.u32 s20, s10  }
0x102: {  	s12 =	simm.s32 @!p0 $0x4  }
0x103: {  	_ =	swait.ge @!p0 [sflag:s12], $0x80  }
0x104: {  	[sflag:s12] =	ssyncset.done @!p0 $0x0  }
0x105: {  	[sflag:s12] =	ssyncadd.s32 @!p0 $0xFFFFFF80  }
0x106: {  	_ =	swait.ge @!p0 [sflag:s12], $0x80  }
0x107: {  	[sflag:s12] =	ssyncset.done @!p0 $0x0  }
0x108: {  	[sflag:s12] =	ssyncadd.s32 @!p0 $0xFFFFFF80  }
0x109: {  	s14 =	sshra.s32 @!p0 s16, $0x2;
	_ =	swait.ge @!p0 [sflag:s12], $0x80  }
0x10a: {  	s15 =	simm.s32 @!p0 $0x5180;
	s14 =	sadd.s32 @!p0 s14, s28;
	[sflag:s12] =	ssyncset.done @!p0 $0x0  }
0x10b: {  	[sflag:s12] =	ssyncadd.s32 @!p0 $0xFFFFFF80;
	s12 =	sadd.s32 @!p0 $0x180, s14;
	s14 =	simm.s32 @!p0 $0x80  }
0x10c: {  	[tilespmem:s15], [sflag:$0x2] =	stream.indirect.gather @!p0 [spmem:s0], $0x1, s12, s14, $0xb8;
	[tilespmem:$0x6480] =	vst v63  }
0x10d: {  	s15 =	simm.s32 @!p0 $0x5200  }
0x10e: {  	[tilespmem:s15], [sflag:$0x2] =	stream.indirect.gather @!p0 [spmem:s1], $0x1, s12, s14, $0xb8;
	[tilespmem:$0x6480] =	vst v63  }
0x10f: {  	s15 =	simm.s32 @!p0 $0x5280  }
0x110: {  	[tilespmem:s15], [sflag:$0x2] =	stream.indirect.gather @!p0 [spmem:s2], $0x1, s12, s14, $0xb8;
	[tilespmem:$0x6480] =	vst v63  }
0x111: {  	_ =	swait.ge [sflag:s9], $0x80  }
0x112: {  	[sflag:s9] =	ssyncset.done $0x0  }
0x113: {  	[sflag:s9] =	ssyncadd.s32 $0xFFFFFF80  }
0x114: {  	_ =	swait.ge [sflag:s9], $0x80  }
0x115: {  	[sflag:s9] =	ssyncset.done $0x0  }
0x116: {  	[sflag:s9] =	ssyncadd.s32 $0xFFFFFF80  }
0x117: {  	_ =	swait.ge [sflag:s9], $0x80  }
0x118: {  	[sflag:s9] =	ssyncset.done $0x0  }
0x119: {  	[sflag:s9] =	ssyncadd.s32 $0xFFFFFF80  }
0x11a: {  	_ =	swait.ge [sflag:s11], $0x80  }
0x11b: {  	[sflag:s11] =	ssyncset.done $0x0  }
0x11c: {  	[sflag:s11] =	ssyncadd.s32 $0xFFFFFF80  }
0x11d: {  	_ =	swait.ge [sflag:s11], $0x80  }
0x11e: {  	[sflag:s11] =	ssyncset.done $0x0  }
0x11f: {  	[sflag:s11] =	ssyncadd.s32 $0xFFFFFF80  }
0x120: {  	_ =	swait.ge [sflag:s11], $0x80  }
0x121: {  	[sflag:s11] =	ssyncset.done $0x0  }
0x122: {  	[sflag:s11] =	ssyncadd.s32 $0xFFFFFF80  }
0x123: {  	[bflag:$0x0] =	sbarrier.arrive $0xFFFF  }
0x124: {  	[tilespmem:s31], [sflag:$0x5] =	stream.linear.gather [spmem:s22], $0x280, $0x38;
	[tilespmem:$0x6480] =	vst v63  }
0x125: {  	_ =	swait.ge [sflag:s5], $0x280  }
0x126: {  	s15 =	smov.u32 s22;
	[sflag:s5] =	ssyncset.done $0x0  }
0x127: {  	s22 =	simm.s32 $0x100;
	s21 =	rddreg [dreg:$0x10];
	[sflag:s5] =	ssyncadd.s32 $0xFFFFFD80  }
0x128: {  	[hbm4b:s21+s3] =	stream.strided.scatter [tilespmem:s31], [sflag:$0x5], $0x280, s22, s3, $0x38;
	[tilespmem:$0x6480] =	vst v63  }
0x129: {  	_ =	swait.ge [sflag:s5], $0x280  }
0x12a: {  	[sflag:s5] =	ssyncset.done $0x0  }
0x12b: {  	s16 =	rddreg [dreg:$0x14];
	[sflag:s5] =	ssyncadd.s32 $0xFFFFFD80  }
0x12c: {  	[tilespmem:s31], [sflag:$0x5] =	stream.linear.gather [spmem:s16], $0x280, $0x38;
	[tilespmem:$0x6480] =	vst v63  }
0x12d: {  	_ =	swait.ge [sflag:s5], $0x280  }
0x12e: {  	[sflag:s5] =	ssyncset.done $0x0  }
0x12f: {  	s23 =	rddreg [dreg:$0x11];
	[sflag:s5] =	ssyncadd.s32 $0xFFFFFD80  }
0x130: {  	[hbm4b:s23+s3] =	stream.strided.scatter [tilespmem:s31], [sflag:$0x5], $0x280, s22, s3, $0x38;
	[tilespmem:$0x6480] =	vst v63  }
0x131: {  	_ =	swait.ge [sflag:s5], $0x280  }
0x132: {  	[sflag:s5] =	ssyncset.done $0x0  }
0x133: {  	s20 =	rddreg [dreg:$0x15];
	[sflag:s5] =	ssyncadd.s32 $0xFFFFFD80  }
0x134: {  	[tilespmem:s31], [sflag:$0x5] =	stream.linear.gather [spmem:s20], $0x280, $0x38;
	[tilespmem:$0x6480] =	vst v63  }
0x135: {  	_ =	swait.ge [sflag:s5], $0x280  }
0x136: {  	[sflag:s5] =	ssyncset.done $0x0  }
0x137: {  	s24 =	rddreg [dreg:$0x12];
	[sflag:s5] =	ssyncadd.s32 $0xFFFFFD80  }
0x138: {  	[hbm4b:s24+s3] =	stream.strided.scatter [tilespmem:s31], [sflag:$0x5], $0x280, s22, s3, $0x38;
	[tilespmem:$0x6480] =	vst v63  }
0x139: {  	_ =	swait.ge [sflag:s5], $0x280  }
0x13a: {  	s13 =	sadd.s32 $0x1, s13;
	s26 =	rddreg [dreg:$0x18]  }
0x13b: {  	p0 =	sne.s32 s13, s26  }
.Ltmp1:
0x13c: {  	_ = 	snop;
	(pc) =	sbr.rel @p0 .LBB2_1-.Ltmp1, $3  }
0x13d: {  	_ =	sdelay $0x1  }
0x13e: {  	[sflag:s5] =	ssyncset.done $0x0  }
0x13f: {  	[sflag:s5] =	ssyncadd.s32 $0xFFFFFD80  }
0x140: {  	_ =	sfence.sel $0x180000  }
0x141: {  	[bflag:$0x0] =	sbarrier.arrive $0xFFFF  }
0x142: {  	_ =	strace $0x9000004A  }
0x143: {  	s0 =	stileid.u32;
	[bflag:$0x2] =	sbarrier.arrive $0xFFFF  }
0x144: {  	p0 =	sne.s32 s0, $0x0;
	s0 =	rddreg [dreg:$0x9]  }
0x145: {  	s0 =	sadd.s32 @!p0 $0x100000, s0  }
0x146: {  	[sflag:s0] =	ssyncadd.tile.s32 @!p0 $0x1;
	_ =	shalt  }
.Lfunc_end2:
_tile_overlayer_lowered:
.L_overlay_start_2:
0x147: {  	(tag) =	ssettag $0x2  }
0x148: {  	s0 =	rddreg [dreg:$0x0];
	s2 =	stileid.u32  }
0x149: {  	s1 =	rddreg [dreg:$0x1];
	p0 =	sne.s32 s2, $0x0  }
0x14a: {  	s3 =	rddreg [dreg:$0x2];
	[bflag:$0x3] =	sbarrier.arrive $0xFFFF;
	s2 =	simm.s32 @!p0 $0x1C05  }
0x14b: {  	[timem:s3], [sflag:s2] =	dma.local @!p0 [hbm:s0], s1  }
0x14c: {  	s0 =	simm.s32 @!p0 $0x5  }
0x14d: {  	_ =	swait.ge @!p0 [sflag:s0], s1  }
0x14e: {  	s1 =	ssub.s32 @!p0 $0x0, s1;
	[sflag:s0] =	ssyncset.done @!p0 $0x0  }
0x14f: {  	[sflag:s0] =	ssyncadd.s32 @!p0 s1  }
0x150: {  	[bflag:$0x3] =	sbarrier.arrive $0xFFFF  }
0x151: {  	_ =	shalt  }

// kernel: kernel.7.cloned.1.call-start
scs
__scs_entry_jumppad:
0x0: {  	(pc) =	sbr.rel $0x88, $3  }
0x1: {  	(tag) =	ssettag $0x0;
	lr =	simm.s32 $0x1  }
0x2: {  	[smem:$0x3F9B] =	sst lr;
	_ =	strace $0xD0000000  }
0x3: {  	_ = 	snop  }
0x4: {  	_ = 	snop  }
0x5: {  	_ = 	snop  }
0x6: {  	_ = 	snop  }
0x7: {  	_ = 	snop  }
__scs_overlays_trampoline_lowered:
0x8: {  	[smem:$0x3FAA] =	sst s0  }
0x9: {  	[smem:$0x3FAB] =	sst s1  }
0xa: {  	[smem:$0x3FAC] =	sst s2  }
0xb: {  	[smem:$0x3FAD] =	sst s3  }
0xc: {  	[smem:$0x3FAE] =	sst s4  }
0xd: {  	[smem:$0x3FAF] =	sst s5  }
0xe: {  	[smem:$0x3FB0] =	sst s6  }
0xf: {  	[smem:$0x3FB1] =	sst s7  }
0x10: {  	[smem:$0x3FB2] =	sst s8  }
0x11: {  	[smem:$0x3FB3] =	sst s9;
	s0 =	simm.s32 @!p0 $0x0  }
0x12: {  	s1 =	sld [smem:$0x3F99];
	s0 =	simm.s32 @p0 $0x1  }
0x13: {  	[smem:$0x3FB4] =	sst s0;
	s0 =	simm.s32 @!p1 $0x0  }
0x14: {  	s2 =	sld [smem:$0x3F98];
	s0 =	simm.s32 @p1 $0x1  }
0x15: {  	[smem:$0x3FB5] =	sst s0;
	s0 =	simm.s32 @!p2 $0x0  }
0x16: {  	s3 =	sld [smem:$0x3FDB];
	s0 =	simm.s32 @p2 $0x1  }
0x17: {  	s4 =	simm.s32 $0x1BF5;
	[smem:$0x3FB7] =	sst s0  }
0x18: {  	s0 =	sld [smem:$0x3F9A];
	_ =	swait.ge [sflag:s4], $0x0  }
0x19: {  	s7 =	sld [smem:$0x3F9B]  }
0x1a: {  	s8 =	sadd.s32 $0xFFFFE003, lr  }
0x1b: {  	s9 =	sadd.s32 $0xFFFFFEF7, lr;
	s5 =	simm.s32 $0xFFFFFFFF;
	p2 =	slt.u32 s8, $0xFFFFF086  }
0x1c: {  	p1 =	slt.u32 s9, $0xF7A;
	s5 =	simm.s32 @!p2 $0x0  }
0x1d: {  	s5 =	simm.s32 @p1 $0x1;
	p0 =	seq.s32 s7, s2  }
0x1e: {  	s7 =	smul.u32 @!p0 $0xF7A, s2;
	p2 =	seq.s32 @!p0 s5, $0x0  }
0x1f: {  	s9 =	smul.u32 $0xF7A, s1;
	s8 =	simm.s32 @!p0 $0x1BF5;
	p2 =	por !p2, p0  }
0x20: {  	[sflag:s8] =	ssyncset.s32 @!p0 $0xFFFFF086;
	s6 =	sadd.s32 @!p0 s3, s7;
	s7 =	simm.s32 @!p0 $0x108  }
0x21: {  	s3 =	sadd.s32 s3, s9;
	s6 =	sadd.s32 @!p0 $0x88, s6;
	s7 =	simm.s32 @p2 $0x1082  }
0x22: {  	[simem:s7], [sflag:s8] =	dma.local @!p0 [hbm:s6], $0xF7A  }
0x23: {  	s9 =	sor.u32 $0xD0000000, s2;
	s6 =	simm.s32 $0x108;
	_ =	swait.ge @!p0 [sflag:s8], $0x0  }
0x24: {  	s3 =	sadd.s32 $0x88, s3;
	s6 =	simm.s32 @!p1 $0x1082;
	[sflag:s4] =	ssyncset.s32 $0xFFFFF086  }
0x25: {  	[simem:s6], [sflag:s4] =	dma.local [hbm:s3], $0xF7A  }
0x26: {  	[smem:$0x3F9B] =	sst s1;
	(tag) =	ssettag s2;
	_ =	strace s9  }
0x27: {  	s1 =	sld [smem:$0x3FAB]  }
0x28: {  	s2 =	sld [smem:$0x3FAC]  }
0x29: {  	s4 =	sld [smem:$0x3FAE]  }
0x2a: {  	p0 =	seq.s32 s5, $0x0;
	s5 =	sld [smem:$0x3FAF]  }
0x2b: {  	s6 =	sld [smem:$0x3FB0]  }
0x2c: {  	s7 =	sld [smem:$0x3FB1]  }
0x2d: {  	s3 =	simm.s32 $0x108;
	s8 =	sld [smem:$0x3FB2]  }
0x2e: {  	s3 =	simm.s32 @!p0 $0x1082;
	s9 =	sld [smem:$0x3FB3]  }
0x2f: {  	lr =	sadd.s32 s0, s3;
	s0 =	sld [smem:$0x3FAA]  }
0x30: {  	s3 =	sld [smem:$0x3FAD]  }
0x31: {  	[smem:$0x3FB6] =	sst s10  }
0x32: {  	s10 =	sld [smem:$0x3FB4];
	_ =	sdelay $0x3  }
0x33: {  	p0 =	seq.s32 s10, $0x1;
	s10 =	sld [smem:$0x3FB6];
	_ =	sdelay $0x3  }
0x34: {  	[smem:$0x3FB6] =	sst s10  }
0x35: {  	s10 =	sld [smem:$0x3FB5];
	_ =	sdelay $0x3  }
0x36: {  	p1 =	seq.s32 s10, $0x1;
	s10 =	sld [smem:$0x3FB6];
	_ =	sdelay $0x3  }
0x37: {  	[smem:$0x3FB6] =	sst s10  }
0x38: {  	s10 =	sld [smem:$0x3FB7]  }
0x39: {  	_ = 	snop;
	(pc) =	sbr.ind lr, $3  }
0x3a: {  	_ = 	snop  }
0x3b: {  	_ = 	snop  }
0x3c: {  	p2 =	seq.s32 s10, $0x1;
	s10 =	sld [smem:$0x3FB6]  }
0x3d: {  	_ =	shalt  }
0x3e: {  	_ =	shalt  }
0x3f: {  	_ =	shalt  }
0x40: {  	_ =	shalt  }
0x41: {  	_ =	shalt  }
0x42: {  	_ =	shalt  }
0x43: {  	_ =	shalt  }
0x44: {  	_ =	shalt  }
0x45: {  	_ =	shalt  }
0x46: {  	_ =	shalt  }
0x47: {  	_ =	shalt  }
0x48: {  	_ =	shalt  }
0x49: {  	_ =	shalt  }
0x4a: {  	_ =	shalt  }
0x4b: {  	_ =	shalt  }
0x4c: {  	_ =	shalt  }
0x4d: {  	_ =	shalt  }
0x4e: {  	_ =	shalt  }
0x4f: {  	_ =	shalt  }
0x50: {  	_ =	shalt  }
0x51: {  	_ =	shalt  }
0x52: {  	_ =	shalt  }
0x53: {  	_ =	shalt  }
0x54: {  	_ =	shalt  }
0x55: {  	_ =	shalt  }
0x56: {  	_ =	shalt  }
0x57: {  	_ =	shalt  }
0x58: {  	_ =	shalt  }
0x59: {  	_ =	shalt  }
0x5a: {  	_ =	shalt  }
0x5b: {  	_ =	shalt  }
0x5c: {  	_ =	shalt  }
0x5d: {  	_ =	shalt  }
0x5e: {  	_ =	shalt  }
0x5f: {  	_ =	shalt  }
0x60: {  	_ =	shalt  }
0x61: {  	_ =	shalt  }
0x62: {  	_ =	shalt  }
0x63: {  	_ =	shalt  }
0x64: {  	_ =	shalt  }
0x65: {  	_ =	shalt  }
0x66: {  	_ =	shalt  }
0x67: {  	_ =	shalt  }
0x68: {  	_ =	shalt  }
0x69: {  	_ =	shalt  }
0x6a: {  	_ =	shalt  }
0x6b: {  	_ =	shalt  }
0x6c: {  	_ =	shalt  }
0x6d: {  	_ =	shalt  }
0x6e: {  	_ =	shalt  }
0x6f: {  	_ =	shalt  }
0x70: {  	_ =	shalt  }
0x71: {  	_ =	shalt  }
0x72: {  	_ =	shalt  }
0x73: {  	_ =	shalt  }
0x74: {  	_ =	shalt  }
0x75: {  	_ =	shalt  }
0x76: {  	_ =	shalt  }
0x77: {  	_ =	shalt  }
0x78: {  	_ =	shalt  }
0x79: {  	_ =	shalt  }
0x7a: {  	_ =	shalt  }
0x7b: {  	_ =	shalt  }
0x7c: {  	_ =	shalt  }
0x7d: {  	_ =	shalt  }
0x7e: {  	_ =	shalt  }
0x7f: {  	_ =	shalt  }
0x80: {  	_ =	shalt  }
0x81: {  	_ =	shalt  }
0x82: {  	_ =	shalt  }
0x83: {  	_ =	shalt  }
0x84: {  	_ =	shalt  }
0x85: {  	_ =	shalt  }
0x86: {  	_ =	shalt  }
0x87: {  	_ =	shalt  }
.Lfunc_end0:
.L_simem_size_0:
called_computation_lowered:
.L_overlay_start_0:
0x88: {  	s2 =	sld [smem:$0x3FD9]  }
0x89: {  	s3 =	sld [smem:$0x3FFE];
	_ =	sdelay $0x1  }
0x8a: {  	s1 =	srdreg.scid  }
0x8b: {  	s0 =	sand.u32 $0x1, s1  }
0x8c: {  	s14 =	sshll.u32 s0, $0xA;
	s2 =	sadd.s32 s3, s2  }
0x8d: {  	s2 =	sadd.s32 s2, s14  }
0x8e: {  	[smem:$0x3FC2] =	sst s2  }
0x8f: {  	_ = 	snop  }
0x90: {  	s2 =	sld [smem:$0x3FD0];
	_ =	sdelay $0x2  }
0x91: {  	s15 =	simm.s32 $0xA;
	s4 =	simm.s32 $0x10  }
0x92: {  	[smem:s4], [sflag:s15] =	dma.local [hbm:s2], $0x1  }
0x93: {  	_ =	swait.eq [sflag:s15], $0x1  }
0x94: {  	[sflag:s15] =	ssyncset.done $0x0  }
0x95: {  	s16 =	sld [smem:$0x10];
	[sflag:s15] =	ssyncadd.s32 $0xFFFFFFFF  }
0x96: {  	s17 =	sld [smem:$0x11];
	(tm) =	ssettm $0x1  }
0x97: {  	s18 =	sld [smem:$0x3FFB];
	_ =	sdelay $0x3  }
0x98: {  	_ =	strace s18  }
0x99: {  	s4 =	sld [smem:$0x3FFC];
	_ =	sdelay $0x3  }
0x9a: {  	_ =	strace s4  }
0x9b: {  	s4 =	sld [smem:$0x3FFD];
	_ =	sdelay $0x3  }
0x9c: {  	_ =	strace s4  }
0x9d: {  	_ =	strace $0x8FFFFFFF  }
0x9e: {  	s19 =	sld [smem:$0x3FDB];
	_ =	sdelay $0x1  }
0x9f: {  	s5 =	simm.s32 $_scs_section_size  }
0xa0: {  	s6 =	simm.s32 $_size__tile_overlayer_lowered;
	s7 =	simm.s32 $_tile_overlayer_lowered  }
0xa1: {  	s22 =	simm.s32 $0x1BFF;
	s21 =	sshll.u32 s7, $0x1;
	s4 =	sadd.s32 s5, s19  }
0xa2: {  	s8 =	simm.s32 $0x0;
	s20 =	sshll.u32 s6, $0x1;
	s6 =	sadd.s32 s21, s4  }
0xa3: {  	[timem:s8], [sflag:s22] =	dma.local [hbm:s6], s20  }
0xa4: {  	_ =	swait.ge [sflag:s22], s20  }
0xa5: {  	s5 =	ssub.s32 $0x0, s20;
	[sflag:s22] =	ssyncset.done $0x0  }
0xa6: {  	[sflag:s22] =	ssyncadd.s32 s5;
	_ =	sdelay $0x1  }
0xa7: {  	s23 =	simm.s32 $0x1B8B  }
0xa8: {  	_ =	swait.ge [sflag:s23], $0x1  }
0xa9: {  	[sflag:s23] =	ssyncset.done $0x0  }
0xaa: {  	s25 =	simm.s32 $0x1B8E;
	s24 =	sld [smem:$0x3FFE];
	[sflag:s23] =	ssyncadd.s32 $0xFFFFFFFF  }
0xab: {  	s26 =	simm.s32 $execute0_lowered;
	[smem:$0x3FD2] =	sst s25  }
0xac: {  	s6 =	sshll.u32 s26, $0x1;
	_ =	strace $0x80000046;
	[dreg:$0x1] =	wrdreg $0xFFFFFFFF  }
0xad: {  	s28 =	simm.s32 $_size_execute0_lowered;
	s4 =	sadd.s32 s4, s6;
	[dreg:$0x0] =	wrdreg $0x0  }
0xae: {  	s6 =	sshll.u32 s28, $0x1;
	[dreg:$0x2] =	wrdreg s4  }
0xaf: {  	[dreg:$0x3] =	wrdreg s6  }
0xb0: {  	[dreg:$0x4] =	wrdreg $0xC0  }
0xb1: {  	_ =	task [dreg:s8], $0x5FFFF  }
0xb2: {  	[dreg:$0x1] =	wrdreg $0xFFFFFFFF  }
0xb3: {  	[dreg:$0x0] =	wrdreg $0x60  }
0xb4: {  	[dreg:$0x2] =	wrdreg s24  }
0xb5: {  	[dreg:$0x3] =	wrdreg s17  }
0xb6: {  	[dreg:$0x4] =	wrdreg s16  }
0xb7: {  	[dreg:$0x5] =	wrdreg $0x2B000  }
0xb8: {  	[dreg:$0x6] =	wrdreg $0x9  }
0xb9: {  	_ =	task.clear_ibuf [dreg:s8], $0x7FFFF;
	_ =	strace $0x90000046  }
0xba: {  	s29 =	simm.s32 $0x9;
	_ =	strace $0x80000048  }
0xbb: {  	_ =	swait.ge [sflag:s29], $0x1  }
0xbc: {  	[sflag:s29] =	ssyncadd.s32 $0xFFFFFFFF  }
0xbd: {  	_ =	strace $0x90000048  }
0xbe: {  	_ =	sfence  }
0xbf: {  	s30 =	sld [smem:$0x0];
	_ =	sdelay $0x2  }
0xc0: {  	s31 =	sshll.u32 s1, $0xD;
	s1 =	sshrl.u32 s1, $0x2  }
0xc1: {  	s3 =	sand.u32 $0x4000, s31;
	s1 =	sadd.s32 s1, s30  }
0xc2: {  	s0 =	sor.u32 s3, s0;
	s1 =	sshll.u32 s1, $0x11  }
0xc3: {  	s0 =	sor.u32 s1, s0  }
0xc4: {  	s0 =	sadd.s32 $0x8F2B, s0  }
0xc5: {  	[sflag:s0] =	ssyncadd.remote.s32 $0x1  }
0xc6: {  	_ =	sfence.sel $0xFFFF  }
0xc7: {  	[dreg:$0x0] =	wrdreg $0xFFFFFFFF;
	(pc) =	sbr.abs _section_cstart, $3  }
0xc8: {  	[dreg:$0x1] =	wrdreg $0xFFFFFFFF  }
0xc9: {  	_ =	task.clear_ibuf [dreg:s8], $0x2FFFF;
	_ =	strace $0x9FFFFFFF  }
0xca: {  	(tm) =	ssettm $0x7FFFFFFF  }
0xcb: {  	_ =	shalt  }
tec
execute0_lowered:
.L_overlay_start_1:
0x0: {  	(tag) =	ssettag $0x1  }
0x1: {  	s0 =	rddreg [dreg:$0x0];
	s14 =	stileid.u32  }
0x2: {  	s1 =	srdreg.scid;
	s4 =	smul.u32 $0x50, s14  }
0x3: {  	s9 =	rddreg [dreg:$0x2];
	s12 =	smul.u32 $0xA00, s14  }
0x4: {  	s3 =	rddreg [dreg:$0x3];
	s1 =	sand.u32 $0x1, s1;
	s28 =	smul.u32 $0xA000, s14  }
0x5: {  	s15 =	simm.s32 $0x1;
	s24 =	sadd.s32 $0x16800, s0;
	s2 =	smul.u32 $0x500, s1  }
0x6: {  	s10 =	sshll.u32 s1, $0x4;
	s8 =	ssub.s32 $0x2, s1;
	s1 =	smul.u32 $0xA0000, s1  }
0x7: {  	s6 =	sor.u32 s14, s10;
	s25 =	sshrl.u32 s8, $0x1;
	s14 =	smul.u32 $0xA0, s14  }
0x8: {  	s26 =	sshrl.u32 s12, $0x2;
	s29 =	sadd.s32 s9, s10;
	s7 =	smul.u32 $0x500, s6  }
0x9: {  	s2 =	sadd.s32 s4, s2;
	s4 =	simm.s32 $0x0;
	s6 =	smul.u32 $0x50, s6  }
0xa: {  	s13 =	ssub.s32 s8, s25;
	s1 =	sadd.s32 s28, s1;
	s2 =	smin.u32 s2, $0x974  }
0xb: {  	[smem:$0x7FF] =	sst s4;
	s30 =	smax.u32 s13, $0x1;
	s13 =	simm.s32 $0x2  }
0xc: {  	s5 =	sshll.u32 s2, $0x4;
	_ =	strace $0x80000047;
	[dreg:$0x5] =	wrdreg s24  }
0xd: {  	s6 =	ssub.s32 $0x9C4, s6;
	s2 =	sshll.u32 s2, $0x9;
	[dreg:$0x8] =	wrdreg s30  }
0xe: {  	s11 =	sadd.s32 s5, s0;
	s0 =	sadd.s32 s7, s0;
	s5 =	sadd.s32 s26, s3  }
0xf: {  	s6 =	smin.u32 s6, $0x50;
	s0 =	sadd.s32 $0x16A00, s0;
	[dreg:$0x6] =	wrdreg s5  }
0x10: {  	s1 =	ssub.s32 s1, s2;
	s31 =	sadd.s32 $0xCA40, s11;
	[dreg:$0x7] =	wrdreg s0  }
0x11: {  	s2 =	simm.s32 $0x0;
	[dreg:$0x9] =	wrdreg s31;
	s0 =	sadd.s32 s14, s29  }
0x12: {  	s11 =	sshra.s32 s1, $0x2;
	s1 =	simm.s32 $0x2880;
	[dreg:$0xa] =	wrdreg s0  }
.LBB2_1:
0x13: {  	[dreg:$0xb] =	wrdreg s2  }
0x14: {  	s0 =	rddreg [dreg:$0x5]  }
0x15: {  	[tilespmem:s1], [sflag:$0x2] =	stream.linear.gather [hbm4b:s0+s4], $0x280, $0x38;
	[tilespmem:$0x2D80] =	vst v63  }
0x16: {  	_ =	swait.ge [sflag:s13], $0x280  }
0x17: {  	[sflag:s13] =	ssyncset.done $0x0  }
0x18: {  	[sflag:s13] =	ssyncadd.s32 $0xFFFFFD80  }
0x19: {  	[spmem:s5] =	stream.linear.scatter [tilespmem:s1], [sflag:$0x2], $0x280, $0x38;
	[tilespmem:$0x2D80] =	vst v63  }
0x1a: {  	_ =	swait.ge [sflag:s13], $0x280  }
0x1b: {  	[sflag:s13] =	ssyncset.done $0x0  }
0x1c: {  	[sflag:s13] =	ssyncadd.s32 $0xFFFFFD80  }
0x1d: {  	s12 =	simm.s32 $0x2800;
	s10 =	rddreg [dreg:$0x1]  }
0x1e: {  	[tilespmem:s12], [sflag:$0x2] =	stream.linear.gather [hbm4b:s10+s4], $0x80, $0x38;
	[tilespmem:$0x2D80] =	vst v63  }
0x1f: {  	_ =	swait.ge [sflag:s13], $0x80  }
0x20: {  	[sflag:s13] =	ssyncset.done $0x0  }
0x21: {  	s14 =	simm.s32 $0x0;
	s16 =	rddreg [dreg:$0x9];
	[sflag:s13] =	ssyncadd.s32 $0xFFFFFF80  }
0x22: {  	[tilespmem:s14], [sflag:$0x1] =	stream.linear.gather [hbm4b:s16+s4], $0x80, $0x38;
	[tilespmem:$0x2D80] =	vst v63  }
0x23: {  	s17 =	simm.s32 $0x80;
	s18 =	sadd.s32 $0x10, s16  }
0x24: {  	[tilespmem:s17], [sflag:$0x1] =	stream.linear.gather [hbm4b:s18+s4], $0x80, $0x38;
	[tilespmem:$0x2D80] =	vst v63  }
0x25: {  	s19 =	simm.s32 $0x100;
	s20 =	sadd.s32 $0x20, s16  }
0x26: {  	[tilespmem:s19], [sflag:$0x1] =	stream.linear.gather [hbm4b:s20+s4], $0x80, $0x38;
	[tilespmem:$0x2D80] =	vst v63  }
0x27: {  	s21 =	simm.s32 $0x180;
	s22 =	sadd.s32 $0x30, s16  }
0x28: {  	[tilespmem:s21], [sflag:$0x1] =	stream.linear.gather [hbm4b:s22+s4], $0x80, $0x38;
	[tilespmem:$0x2D80] =	vst v63  }
0x29: {  	s23 =	simm.s32 $0x200;
	s24 =	sadd.s32 $0x40, s16  }
0x2a: {  	[tilespmem:s23], [sflag:$0x1] =	stream.linear.gather [hbm4b:s24+s4], $0x80, $0x38;
	[tilespmem:$0x2D80] =	vst v63  }
0x2b: {  	s25 =	simm.s32 $0x280;
	s26 =	sadd.s32 $0x50, s16  }
0x2c: {  	[tilespmem:s25], [sflag:$0x1] =	stream.linear.gather [hbm4b:s26+s4], $0x80, $0x38;
	[tilespmem:$0x2D80] =	vst v63  }
0x2d: {  	s28 =	simm.s32 $0x300;
	s29 =	sadd.s32 $0x60, s16  }
0x2e: {  	[tilespmem:s28], [sflag:$0x1] =	stream.linear.gather [hbm4b:s29+s4], $0x80, $0x38;
	[tilespmem:$0x2D80] =	vst v63  }
0x2f: {  	s30 =	simm.s32 $0x380;
	s31 =	sadd.s32 $0x70, s16  }
0x30: {  	[tilespmem:s30], [sflag:$0x1] =	stream.linear.gather [hbm4b:s31+s4], $0x80, $0x38;
	[tilespmem:$0x2D80] =	vst v63  }
0x31: {  	_ =	swait.ge [sflag:s15], $0x80  }
0x32: {  	[sflag:s15] =	ssyncset.done $0x0  }
0x33: {  	[sflag:s15] =	ssyncadd.s32 $0xFFFFFF80  }
0x34: {  	_ =	swait.ge [sflag:s15], $0x80  }
0x35: {  	[sflag:s15] =	ssyncset.done $0x0  }
0x36: {  	[sflag:s15] =	ssyncadd.s32 $0xFFFFFF80  }
0x37: {  	_ =	swait.ge [sflag:s15], $0x80  }
0x38: {  	[sflag:s15] =	ssyncset.done $0x0  }
0x39: {  	[sflag:s15] =	ssyncadd.s32 $0xFFFFFF80  }
0x3a: {  	_ =	swait.ge [sflag:s15], $0x80  }
0x3b: {  	[sflag:s15] =	ssyncset.done $0x0  }
0x3c: {  	[sflag:s15] =	ssyncadd.s32 $0xFFFFFF80  }
0x3d: {  	_ =	swait.ge [sflag:s15], $0x80  }
0x3e: {  	[sflag:s15] =	ssyncset.done $0x0  }
0x3f: {  	[sflag:s15] =	ssyncadd.s32 $0xFFFFFF80  }
0x40: {  	_ =	swait.ge [sflag:s15], $0x80  }
0x41: {  	[sflag:s15] =	ssyncset.done $0x0  }
0x42: {  	[sflag:s15] =	ssyncadd.s32 $0xFFFFFF80  }
0x43: {  	_ =	swait.ge [sflag:s15], $0x80  }
0x44: {  	[sflag:s15] =	ssyncset.done $0x0  }
0x45: {  	[sflag:s15] =	ssyncadd.s32 $0xFFFFFF80  }
0x46: {  	s1 =	simm.s32 $0x2000;
	_ =	swait.ge [sflag:s15], $0x80  }
0x47: {  	s20 =	sadd.s32 $0x80, s16;
	s21 =	simm.s32 $0x1000;
	[sflag:s15] =	ssyncset.done $0x0  }
.LBB2_2:
0x48: {  	s2 =	sshra.s32 s21, $0x2  }
0x49: {  	[sflag:s15] =	ssyncadd.s32 $0xFFFFFF80;
	s21 =	smov.u32 s1;
	s0 =	sadd.s32 $0x1000, s1  }
0x4a: {  	[tilespmem:s2], [sflag:$0x1] =	stream.linear.gather [hbm4b:s20+s4], $0x80, $0x38;
	[tilespmem:$0x2D80] =	vst v63  }
0x4b: {  	p0 =	sne.s32 s1, $0x9000;
	s14 =	sadd.s32 $0x10, s20;
	s1 =	sadd.s32 $0x80, s2  }
0x4c: {  	[tilespmem:s1], [sflag:$0x1] =	stream.linear.gather [hbm4b:s14+s4], $0x80, $0x38;
	[tilespmem:$0x2D80] =	vst v63  }
0x4d: {  	s1 =	sadd.s32 $0x100, s2;
	s14 =	sadd.s32 $0x20, s20  }
0x4e: {  	[tilespmem:s1], [sflag:$0x1] =	stream.linear.gather [hbm4b:s14+s4], $0x80, $0x38;
	[tilespmem:$0x2D80] =	vst v63  }
0x4f: {  	s1 =	sadd.s32 $0x180, s2;
	s14 =	sadd.s32 $0x30, s20  }
0x50: {  	[tilespmem:s1], [sflag:$0x1] =	stream.linear.gather [hbm4b:s14+s4], $0x80, $0x38;
	[tilespmem:$0x2D80] =	vst v63  }
0x51: {  	s1 =	sadd.s32 $0x200, s2;
	s14 =	sadd.s32 $0x40, s20  }
0x52: {  	[tilespmem:s1], [sflag:$0x1] =	stream.linear.gather [hbm4b:s14+s4], $0x80, $0x38;
	[tilespmem:$0x2D80] =	vst v63  }
0x53: {  	s1 =	sadd.s32 $0x280, s2;
	s14 =	sadd.s32 $0x50, s20  }
0x54: {  	[tilespmem:s1], [sflag:$0x1] =	stream.linear.gather [hbm4b:s14+s4], $0x80, $0x38;
	[tilespmem:$0x2D80] =	vst v63  }
0x55: {  	s1 =	sadd.s32 $0x300, s2;
	s14 =	sadd.s32 $0x60, s20  }
0x56: {  	[tilespmem:s1], [sflag:$0x1] =	stream.linear.gather [hbm4b:s14+s4], $0x80, $0x38;
	[tilespmem:$0x2D80] =	vst v63  }
0x57: {  	s1 =	sadd.s32 $0x380, s2;
	s2 =	sadd.s32 $0x70, s20  }
0x58: {  	[tilespmem:s1], [sflag:$0x1] =	stream.linear.gather [hbm4b:s2+s4], $0x80, $0x38;
	[tilespmem:$0x2D80] =	vst v63  }
0x59: {  	_ =	swait.ge [sflag:s15], $0x80  }
0x5a: {  	[sflag:s15] =	ssyncset.done $0x0  }
0x5b: {  	[sflag:s15] =	ssyncadd.s32 $0xFFFFFF80  }
0x5c: {  	_ =	swait.ge [sflag:s15], $0x80  }
0x5d: {  	[sflag:s15] =	ssyncset.done $0x0  }
0x5e: {  	[sflag:s15] =	ssyncadd.s32 $0xFFFFFF80  }
0x5f: {  	_ =	swait.ge [sflag:s15], $0x80  }
0x60: {  	[sflag:s15] =	ssyncset.done $0x0  }
0x61: {  	[sflag:s15] =	ssyncadd.s32 $0xFFFFFF80  }
0x62: {  	_ =	swait.ge [sflag:s15], $0x80  }
0x63: {  	[sflag:s15] =	ssyncset.done $0x0  }
0x64: {  	[sflag:s15] =	ssyncadd.s32 $0xFFFFFF80  }
0x65: {  	_ =	swait.ge [sflag:s15], $0x80  }
0x66: {  	[sflag:s15] =	ssyncset.done $0x0  }
0x67: {  	[sflag:s15] =	ssyncadd.s32 $0xFFFFFF80  }
0x68: {  	_ =	swait.ge [sflag:s15], $0x80  }
0x69: {  	[sflag:s15] =	ssyncset.done $0x0  }
0x6a: {  	[sflag:s15] =	ssyncadd.s32 $0xFFFFFF80  }
.Ltmp0:
0x6b: {  	_ =	swait.ge [sflag:s15], $0x80;
	(pc) =	sbr.rel @p0 .LBB2_2-.Ltmp0, $4  }
0x6c: {  	[sflag:s15] =	ssyncset.done $0x0  }
0x6d: {  	[sflag:s15] =	ssyncadd.s32 $0xFFFFFF80  }
0x6e: {  	_ =	swait.ge [sflag:s15], $0x80  }
0x6f: {  	s20 =	sadd.s32 $0x80, s20;
	s1 =	smov.u32 s0;
	[sflag:s15] =	ssyncset.done $0x0  }
0x70: {  	s0 =	sshra.s32 s21, $0x2;
	[sflag:s15] =	ssyncadd.s32 $0xFFFFFF80  }
0x71: {  	[tilespmem:s0], [sflag:$0x1] =	stream.linear.gather [hbm4b:s20+s4], $0x80, $0x38;
	[tilespmem:$0x2D80] =	vst v63  }
0x72: {  	s2 =	sadd.s32 $0x10, s20;
	s1 =	sadd.s32 $0x80, s0  }
0x73: {  	[tilespmem:s1], [sflag:$0x1] =	stream.linear.gather [hbm4b:s2+s4], $0x80, $0x38;
	[tilespmem:$0x2D80] =	vst v63  }
0x74: {  	s16 =	sadd.s32 $0x20, s20;
	s14 =	sadd.s32 $0x100, s0  }
0x75: {  	[tilespmem:s14], [sflag:$0x1] =	stream.linear.gather [hbm4b:s16+s4], $0x80, $0x38;
	[tilespmem:$0x2D80] =	vst v63  }
0x76: {  	s18 =	sadd.s32 $0x30, s20;
	s17 =	sadd.s32 $0x180, s0  }
0x77: {  	[tilespmem:s17], [sflag:$0x1] =	stream.linear.gather [hbm4b:s18+s4], $0x80, $0x38;
	[tilespmem:$0x2D80] =	vst v63  }
0x78: {  	s21 =	sadd.s32 $0x40, s20;
	s19 =	sadd.s32 $0x200, s0  }
0x79: {  	[tilespmem:s19], [sflag:$0x1] =	stream.linear.gather [hbm4b:s21+s4], $0x80, $0x38;
	[tilespmem:$0x2D80] =	vst v63  }
0x7a: {  	s23 =	sadd.s32 $0x50, s20;
	s22 =	sadd.s32 $0x280, s0  }
0x7b: {  	[tilespmem:s22], [sflag:$0x1] =	stream.linear.gather [hbm4b:s23+s4], $0x80, $0x38;
	[tilespmem:$0x2D80] =	vst v63  }
0x7c: {  	s25 =	sadd.s32 $0x60, s20;
	s24 =	sadd.s32 $0x300, s0  }
0x7d: {  	[tilespmem:s24], [sflag:$0x1] =	stream.linear.gather [hbm4b:s25+s4], $0x80, $0x38;
	[tilespmem:$0x2D80] =	vst v63  }
0x7e: {  	s26 =	sadd.s32 $0x70, s20;
	s0 =	sadd.s32 $0x380, s0  }
0x7f: {  	[tilespmem:s0], [sflag:$0x1] =	stream.linear.gather [hbm4b:s26+s4], $0x80, $0x38;
	[tilespmem:$0x2D80] =	vst v63  }
0x80: {  	_ =	swait.ge [sflag:s15], $0x80  }
0x81: {  	[sflag:s15] =	ssyncset.done $0x0  }
0x82: {  	[sflag:s15] =	ssyncadd.s32 $0xFFFFFF80  }
0x83: {  	_ =	swait.ge [sflag:s15], $0x80  }
0x84: {  	[sflag:s15] =	ssyncset.done $0x0  }
0x85: {  	[sflag:s15] =	ssyncadd.s32 $0xFFFFFF80  }
0x86: {  	_ =	swait.ge [sflag:s15], $0x80  }
0x87: {  	[sflag:s15] =	ssyncset.done $0x0  }
0x88: {  	[sflag:s15] =	ssyncadd.s32 $0xFFFFFF80  }
0x89: {  	s28 =	simm.s32 $0x0;
	p1 =	sle.u32 s6, $0x0;
	_ =	swait.ge [sflag:s15], $0x80  }
0x8a: {  	p2 =	sle.u32 s6, $0x1;
	p0 =	sle.u32 s6, $0x2;
	[sflag:s15] =	ssyncset.done $0x0  }
0x8b: {  	p3 =	sle.u32 s6, $0x3;
	p5 =	sle.u32 s6, $0x6;
	[sflag:s15] =	ssyncadd.s32 $0xFFFFFF80  }
0x8c: {  	s20 =	simm.s32 $0xF;
	s29 =	sadd.s32 @!p5 $0x0, s11;
	_ =	swait.ge [sflag:s15], $0x80  }
0x8d: {  	s30 =	simm.s32 @!p3 $0x80;
	p4 =	por p1, p1;
	[sflag:s15] =	ssyncset.done $0x0  }
0x8e: {  	p6 =	por p2, p2;
	s29 =	sadd.s32 @!p5 $0x300, s29;
	[sflag:s15] =	ssyncadd.s32 $0xFFFFFF80  }
0x8f: {  	s5 =	simm.s32 @!p4 $0x2800;
	s2 =	sadd.s32 @!p0 $0x0, s11;
	_ =	swait.ge [sflag:s15], $0x80  }
0x90: {  	s1 =	simm.s32 @!p2 $0x80;
	s2 =	sadd.s32 @!p0 $0x100, s2;
	[sflag:s15] =	ssyncset.done $0x0  }
0x91: {  	s14 =	simm.s32 @!p3 $0x2800;
	s17 =	simm.s32 @!p2 $0x2800;
	[sflag:s15] =	ssyncadd.s32 $0xFFFFFF80  }
0x92: {  	s18 =	sadd.s32 @!p3 $0x0, s11;
	s21 =	sadd.s32 @!p2 $0x0, s11;
	_ =	swait.ge [sflag:s15], $0x80  }
0x93: {  	s18 =	sadd.s32 @!p3 $0x180, s18;
	s21 =	sadd.s32 @!p2 $0x80, s21;
	[sflag:s15] =	ssyncset.done $0x0  }
0x94: {  	p2 =	por p3, p3;
	s23 =	simm.s32 @!p3 $0x1;
	[sflag:s15] =	ssyncadd.s32 $0xFFFFFF80  }
0x95: {  	s22 =	simm.s32 @!p0 $0x1;
	p3 =	sle.u32 s6, $0x4;
	_ =	swait.ge [sflag:s15], $0x80  }
0x96: {  	s25 =	simm.s32 $0x9;
	s24 =	simm.s32 $0x17;
	[sflag:s15] =	ssyncset.done $0x0  }
0x97: {  	s0 =	sadd.s32 @!p1 $0x0, s11;
	s31 =	rddreg [dreg:$0x7];
	[sflag:s15] =	ssyncadd.s32 $0xFFFFFF80  }
0x98: {  	[hbm4b:s31+s28] =	stream.linear.scatter [tilespmem:s28], [sflag:$0x2], $0x2800, $0x38;
	[tilespmem:$0x2D80] =	vst v63  }
0x99: {  	s26 =	simm.s32 @!p0 $0x80;
	p1 =	por p0, p0;
	_ =	swait.ge [sflag:s13], $0x2800  }
0x9a: {  	s28 =	simm.s32 @!p0 $0x2800;
	p0 =	por p5, p5;
	[sflag:s13] =	ssyncset.done $0x0  }
0x9b: {  	p5 =	por p1, p1;
	p1 =	sle.u32 s6, $0x5;
	[sflag:s13] =	ssyncadd.s32 $0xFFFFD800  }
0x9c: {  	s31 =	simm.s32 @!p4 $0x80;
	s7 =	simm.s32 @!p1 $0x0;
	[bflag:$0x0] =	sbarrier.arrive $0xFFFF  }
0x9d: {  	[spmem:s3] =	stream.indirect.scatter.add.f32 @!p4 [tilespmem:s5], [sflag:$0x1], $0x1, s0, s31, $0xb8;
	[tilespmem:$0x2D80] =	vst v63  }
0x9e: {  	s7 =	simm.s32 @p1 $0x1;
	s0 =	sadd.s32 @!p3 $0x0, s11;
	s5 =	sadd.s32 @!p1 $0x0, s11  }
0x9f: {  	[spmem:s3] =	stream.indirect.scatter.add.f32 @!p6 [tilespmem:s17], [sflag:$0x1], $0x1, s21, s1, $0xb8;
	[tilespmem:$0x2D80] =	vst v63  }
0xa0: {  	[smem:$0x7FC] =	sst s7;
	s0 =	sadd.s32 @!p3 $0x200, s0;
	s1 =	simm.s32 @!p5 $0x0  }
0xa1: {  	[spmem:s3] =	stream.indirect.scatter.add.f32 @!p5 [tilespmem:s28], [sflag:$0x1], $0x1, s2, s26, $0xb8;
	[tilespmem:$0x2D80] =	vst v63  }
0xa2: {  	s21 =	simm.s32 $0x1000;
	s1 =	simm.s32 @p5 $0x1;
	s2 =	simm.s32 @!p2 $0x0  }
0xa3: {  	[smem:$0x7FA] =	sst s1;
	s1 =	simm.s32 @!p1 $0x2800;
	s2 =	simm.s32 @p2 $0x1  }
0xa4: {  	[spmem:s3] =	stream.indirect.scatter.add.f32 @!p2 [tilespmem:s14], [sflag:$0x1], $0x1, s18, s30, $0xb8;
	[tilespmem:$0x2D80] =	vst v63  }
0xa5: {  	[smem:$0x7FB] =	sst s2;
	s2 =	simm.s32 @!p3 $0x2800;
	p2 =	sle.u32 s6, $0x7  }
0xa6: {  	s14 =	simm.s32 @!p3 $0x80;
	s30 =	simm.s32 @!p3 $0x1;
	s18 =	simm.s32 @!p2 $0x2800  }
0xa7: {  	[spmem:s3] =	stream.indirect.scatter.add.f32 @!p3 [tilespmem:s2], [sflag:$0x1], $0x1, s0, s14, $0xb8;
	[tilespmem:$0x2D80] =	vst v63  }
0xa8: {  	s0 =	sadd.s32 @!p1 $0x280, s5;
	s5 =	simm.s32 @!p1 $0x80;
	s2 =	simm.s32 @!p0 $0x2800  }
0xa9: {  	[spmem:s3] =	stream.indirect.scatter.add.f32 @!p1 [tilespmem:s1], [sflag:$0x1], $0x1, s0, s5, $0xb8;
	[tilespmem:$0x2D80] =	vst v63  }
0xaa: {  	s14 =	simm.s32 @!p0 $0x80;
	s1 =	simm.s32 @!p6 $0x0;
	s5 =	sadd.s32 @!p2 $0x0, s11  }
0xab: {  	s0 =	simm.s32 @!p4 $0x1;
	s1 =	simm.s32 @p6 $0x1;
	s17 =	sadd.s32 @!p2 $0x380, s5  }
0xac: {  	[smem:$0x7FD] =	sst s1;
	s1 =	simm.s32 @!p6 $0x1;
	p6 =	sle.u32 s6, $0x8  }
.LBB2_4:
0xad: {  	s5 =	simm.s32 @!p0 $0x0  }
0xae: {  	[spmem:s3] =	stream.indirect.scatter.add.f32 @!p0 [tilespmem:s2], [sflag:$0x1], $0x1, s29, s14, $0xb8;
	[tilespmem:$0x2D80] =	vst v63  }
0xaf: {  	s5 =	simm.s32 @p0 $0x1  }
0xb0: {  	[smem:$0x7F7] =	sst s5;
	s5 =	simm.s32 @!p6 $0x0  }
0xb1: {  	s5 =	simm.s32 @p6 $0x1  }
0xb2: {  	[smem:$0x7F8] =	sst s5;
	s5 =	simm.s32 @!p2 $0x80  }
0xb3: {  	[spmem:s3] =	stream.indirect.scatter.add.f32 @!p2 [tilespmem:s18], [sflag:$0x1], $0x1, s17, s5, $0xb8;
	[tilespmem:$0x2D80] =	vst v63  }
0xb4: {  	s16 =	sld [smem:$0x7FA];
	_ =	swait.ge @!p4 [sflag:s0], $0x80  }
0xb5: {  	s7 =	sld [smem:$0x7FD]  }
0xb6: {  	s28 =	smov.u32 s20  }
0xb7: {  	s2 =	sshra.s32 @!p6 s21, $0x2;
	p1 =	por p6, p6;
	[sflag:s0] =	ssyncset.done @!p4 $0x0  }
0xb8: {  	s31 =	sadd.s32 @!p1 s2, s11;
	[sflag:s0] =	ssyncadd.s32 @!p4 $0xFFFFFF80;
	p1 =	seq.s32 s7, $0x1  }
0xb9: {  	s20 =	smov.u32 s24;
	s26 =	smov.u32 s21;
	_ =	swait.ge @!p1 [sflag:s1], $0x80  }
0xba: {  	p5 =	sge.u32 s25, s6;
	s19 =	sadd.s32 $0xFFFFFFFC, s28;
	[sflag:s1] =	ssyncset.done @!p1 $0x0  }
0xbb: {  	s10 =	sadd.s32 $0xFFFFFFFF, s28;
	p6 =	seq.s32 s16, $0x1;
	[sflag:s1] =	ssyncadd.s32 @!p1 $0xFFFFFF80  }
0xbc: {  	s16 =	sadd.s32 $0xFFFFFFFD, s28;
	s18 =	sadd.s32 $0xFFFFFFFB, s28;
	_ =	swait.ge @!p6 [sflag:s22], $0x80  }
0xbd: {  	s5 =	sshra.s32 @!p5 s21, $0x2;
	s17 =	simm.s32 @!p5 $0x2800;
	s25 =	sld [smem:$0x7FB]  }
0xbe: {  	p0 =	sge.u32 s18, s6;
	s18 =	sadd.s32 $0xFFFFFFFE, s28;
	s5 =	sadd.s32 @!p5 s5, s11  }
0xbf: {  	s2 =	sshra.s32 @!p0 s21, $0x2;
	s5 =	sadd.s32 @!p5 $0x80, s5;
	[sflag:s22] =	ssyncset.done @!p6 $0x0  }
0xc0: {  	s12 =	simm.s32 @!p0 $0x80;
	[sflag:s22] =	ssyncadd.s32 @!p6 $0xFFFFFF80;
	p6 =	seq.s32 s25, $0x1  }
0xc1: {  	s0 =	simm.s32 @!p5 $0x80;
	s2 =	sadd.s32 @!p0 s2, s11;
	_ =	swait.ge @!p6 [sflag:s23], $0x80  }
0xc2: {  	p4 =	sge.u32 s19, s6;
	s19 =	simm.s32 @!p0 $0x2800;
	[sflag:s23] =	ssyncset.done @!p6 $0x0  }
0xc3: {  	s2 =	sadd.s32 @!p0 $0x100, s2;
	s8 =	sld [smem:$0x7F7];
	[sflag:s23] =	ssyncadd.s32 @!p6 $0xFFFFFF80  }
0xc4: {  	s14 =	sshra.s32 @!p4 s21, $0x2;
	s9 =	sld [smem:$0x7FC];
	_ =	swait.ge @!p3 [sflag:s30], $0x80  }
0xc5: {  	s25 =	sadd.s32 $0xFFFFFFFA, s24;
	s24 =	sadd.s32 $0x8, s24;
	[sflag:s30] =	ssyncset.done @!p3 $0x0  }
0xc6: {  	s29 =	simm.s32 @!p4 $0x1;
	[sflag:s30] =	ssyncadd.s32 @!p3 $0xFFFFFF80;
	p3 =	sne.s32 s24, $0x57  }
0xc7: {  	p6 =	sge.u32 s10, s6;
	p1 =	seq.s32 s8, $0x1;
	s10 =	simm.s32 @!p3 $0x0  }
0xc8: {  	s8 =	simm.s32 @!p1 $0x1;
	p1 =	seq.s32 s9, $0x1;
	s10 =	simm.s32 @p3 $0x1  }
0xc9: {  	s14 =	sadd.s32 @!p4 s14, s11;
	s9 =	simm.s32 @!p1 $0x1;
	[smem:$0x7F9] =	sst s10  }
0xca: {  	s14 =	sadd.s32 @!p4 $0x180, s14;
	s1 =	simm.s32 @!p4 $0x2800;
	_ =	swait.ge @!p1 [sflag:s9], $0x80  }
0xcb: {  	s22 =	simm.s32 @!p0 $0x1;
	s7 =	sshra.s32 @!p6 s21, $0x2;
	s10 =	sld [smem:$0x7F7]  }
0xcc: {  	s23 =	smov.u32 s29;
	s7 =	sadd.s32 @!p6 s7, s11;
	s30 =	simm.s32 @!p4 $0x80  }
0xcd: {  	s29 =	sadd.s32 @!p6 $0x300, s7;
	p3 =	por p5, p5;
	[sflag:s9] =	ssyncset.done @!p1 $0x0  }
0xce: {  	[sflag:s9] =	ssyncadd.s32 @!p1 $0xFFFFFF80;
	s9 =	simm.s32 @!p3 $0x0;
	p1 =	seq.s32 s10, $0x1  }
0xcf: {  	s7 =	simm.s32 @!p2 $0x1;
	s9 =	simm.s32 @p3 $0x1;
	_ =	swait.ge @!p1 [sflag:s8], $0x80  }
0xd0: {  	p3 =	por p0, p0;
	p0 =	por p1, p1;
	[smem:$0x7FD] =	sst s9  }
0xd1: {  	s9 =	simm.s32 @!p3 $0x0;
	[sflag:s8] =	ssyncset.done @!p1 $0x0;
	p1 =	por p4, p4  }
0xd2: {  	s10 =	sld [smem:$0x7F8];
	s9 =	simm.s32 @p3 $0x1;
	[sflag:s8] =	ssyncadd.s32 @!p0 $0xFFFFFF80  }
0xd3: {  	p0 =	por p6, p6;
	p6 =	por p1, p1;
	[smem:$0x7FA] =	sst s9  }
0xd4: {  	p3 =	sge.u32 s16, s6;
	p1 =	sge.u32 s18, s6;
	_ =	swait.ge @!p2 [sflag:s7], $0x80  }
0xd5: {  	s8 =	sshra.s32 @!p3 s26, $0x2;
	p5 =	seq.s32 s10, $0x1;
	s16 =	sld [smem:$0x7FD]  }
0xd6: {  	p4 =	por p5, p5;
	[sflag:s7] =	ssyncset.done @!p2 $0x0;
	s18 =	sld [smem:$0x7FA]  }
0xd7: {  	s9 =	simm.s32 @!p4 $0x80;
	s10 =	simm.s32 @!p4 $0x2800;
	[sflag:s7] =	ssyncadd.s32 @!p2 $0xFFFFFF80  }
0xd8: {  	[spmem:s3] =	stream.indirect.scatter.add.f32 @!p4 [tilespmem:s10], [sflag:$0x1], $0x1, s31, s9, $0xb8;
	[tilespmem:$0x2D80] =	vst v63  }
0xd9: {  	s21 =	sadd.s32 $0x1000, s21;
	s7 =	sadd.s32 @!p3 s8, s11;
	p5 =	seq.s32 s16, $0x1  }
0xda: {  	[spmem:s3] =	stream.indirect.scatter.add.f32 @!p5 [tilespmem:s17], [sflag:$0x1], $0x1, s5, s0, $0xb8;
	[tilespmem:$0x2D80] =	vst v63  }
0xdb: {  	s8 =	sshra.s32 @!p1 s26, $0x2;
	s9 =	simm.s32 @!p1 $0x2800;
	p2 =	seq.s32 s18, $0x1  }
0xdc: {  	[spmem:s3] =	stream.indirect.scatter.add.f32 @!p2 [tilespmem:s19], [sflag:$0x1], $0x1, s2, s12, $0xb8;
	[tilespmem:$0x2D80] =	vst v63  }
0xdd: {  	s31 =	sld [smem:$0x7F9];
	s5 =	sadd.s32 @!p3 $0x200, s7;
	s0 =	sadd.s32 @!p1 s8, s11  }
0xde: {  	[spmem:s3] =	stream.indirect.scatter.add.f32 @!p6 [tilespmem:s1], [sflag:$0x1], $0x1, s14, s30, $0xb8;
	[tilespmem:$0x2D80] =	vst v63  }
0xdf: {  	s7 =	simm.s32 @!p3 $0x2800;
	s8 =	simm.s32 @!p3 $0x80;
	s10 =	sadd.s32 @!p1 $0x280, s0  }
0xe0: {  	[spmem:s3] =	stream.indirect.scatter.add.f32 @!p3 [tilespmem:s7], [sflag:$0x1], $0x1, s5, s8, $0xb8;
	[tilespmem:$0x2D80] =	vst v63  }
0xe1: {  	s0 =	simm.s32 @!p6 $0x0;
	s12 =	simm.s32 @!p1 $0x80;
	s7 =	simm.s32 @!p1 $0x0  }
0xe2: {  	[spmem:s3] =	stream.indirect.scatter.add.f32 @!p1 [tilespmem:s9], [sflag:$0x1], $0x1, s10, s12, $0xb8;
	[tilespmem:$0x2D80] =	vst v63  }
0xe3: {  	s0 =	simm.s32 @p6 $0x1;
	s7 =	simm.s32 @p1 $0x1;
	p1 =	seq.s32 s31, $0x1  }
.Ltmp1:
0xe4: {  	s2 =	simm.s32 @!p0 $0x2800;
	p2 =	sge.u32 s28, s6;
	(pc) =	sbr.rel @p1 .LBB2_4-.Ltmp1, $4  }
0xe5: {  	s28 =	sadd.s32 $0xFFFFFFF9, s20;
	[smem:$0x7FB] =	sst s0;
	s0 =	simm.s32 @!p4 $0x1  }
0xe6: {  	s18 =	simm.s32 @!p2 $0x2800;
	s14 =	simm.s32 @!p0 $0x80;
	s5 =	sshra.s32 @!p2 s26, $0x2  }
0xe7: {  	s1 =	simm.s32 @!p5 $0x1;
	s30 =	simm.s32 @!p3 $0x1;
	s5 =	sadd.s32 @!p2 s5, s11  }
0xe8: {  	p6 =	sge.u32 s28, s6;
	[smem:$0x7FC] =	sst s7;
	s17 =	sadd.s32 @!p2 $0x380, s5  }
0xe9: {  	[spmem:s3] =	stream.indirect.scatter.add.f32 @!p0 [tilespmem:s2], [sflag:$0x1], $0x1, s29, s14, $0xb8;
	[tilespmem:$0x2D80] =	vst v63  }
0xea: {  	s2 =	simm.s32 @!p2 $0x80  }
0xeb: {  	[spmem:s3] =	stream.indirect.scatter.add.f32 @!p2 [tilespmem:s18], [sflag:$0x1], $0x1, s17, s2, $0xb8;
	[tilespmem:$0x2D80] =	vst v63  }
0xec: {  	_ =	swait.ge @!p4 [sflag:s0], $0x80  }
0xed: {  	s10 =	sld [smem:$0x7FD];
	_ =	sdelay $0x1  }
0xee: {  	[sflag:s0] =	ssyncset.done @!p4 $0x0  }
0xef: {  	[sflag:s0] =	ssyncadd.s32 @!p4 $0xFFFFFF80;
	p1 =	seq.s32 s10, $0x1  }
0xf0: {  	_ =	swait.ge @!p1 [sflag:s1], $0x80  }
0xf1: {  	s12 =	sld [smem:$0x7FA];
	_ =	sdelay $0x1  }
0xf2: {  	[sflag:s1] =	ssyncset.done @!p1 $0x0  }
0xf3: {  	[sflag:s1] =	ssyncadd.s32 @!p1 $0xFFFFFF80;
	p1 =	seq.s32 s12, $0x1  }
0xf4: {  	_ =	swait.ge @!p1 [sflag:s22], $0x80  }
0xf5: {  	s14 =	sld [smem:$0x7FB];
	_ =	sdelay $0x1  }
0xf6: {  	[sflag:s22] =	ssyncset.done @!p1 $0x0  }
0xf7: {  	[sflag:s22] =	ssyncadd.s32 @!p1 $0xFFFFFF80;
	p4 =	seq.s32 s14, $0x1  }
0xf8: {  	_ =	swait.ge @!p4 [sflag:s23], $0x80  }
0xf9: {  	[sflag:s23] =	ssyncset.done @!p4 $0x0  }
0xfa: {  	[sflag:s23] =	ssyncadd.s32 @!p4 $0xFFFFFF80  }
0xfb: {  	_ =	swait.ge @!p3 [sflag:s30], $0x80  }
0xfc: {  	s16 =	sld [smem:$0x7FC];
	_ =	sdelay $0x2  }
0xfd: {  	[sflag:s30] =	ssyncset.done @!p3 $0x0;
	p1 =	seq.s32 s16, $0x1  }
0xfe: {  	[sflag:s30] =	ssyncadd.s32 @!p3 $0xFFFFFF80;
	s0 =	simm.s32 @!p1 $0x1  }
0xff: {  	_ =	swait.ge @!p1 [sflag:s0], $0x80  }
0x100: {  	[sflag:s0] =	ssyncset.done @!p1 $0x0  }
0x101: {  	s1 =	simm.s32 @!p0 $0x1;
	[sflag:s0] =	ssyncadd.s32 @!p1 $0xFFFFFF80  }
0x102: {  	_ =	swait.ge @!p0 [sflag:s1], $0x80  }
0x103: {  	s19 =	sadd.s32 $0xFFFFFFFD, s20;
	[sflag:s1] =	ssyncset.done @!p0 $0x0  }
0x104: {  	s17 =	sadd.s32 $0xFFFFFFFB, s20;
	s0 =	simm.s32 @!p2 $0x1;
	[sflag:s1] =	ssyncadd.s32 @!p0 $0xFFFFFF80  }
0x105: {  	s1 =	sshra.s32 @!p6 s21, $0x2;
	p0 =	sge.u32 s25, s6;
	_ =	swait.ge @!p2 [sflag:s0], $0x80  }
0x106: {  	s1 =	sadd.s32 @!p6 s1, s11;
	p6 =	por p6, p6;
	[sflag:s0] =	ssyncset.done @!p2 $0x0  }
0x107: {  	s2 =	simm.s32 @!p6 $0x80;
	[sflag:s0] =	ssyncadd.s32 @!p2 $0xFFFFFF80;
	s0 =	simm.s32 @!p6 $0x2800  }
0x108: {  	[spmem:s3] =	stream.indirect.scatter.add.f32 @!p6 [tilespmem:s0], [sflag:$0x1], $0x1, s1, s2, $0xb8;
	[tilespmem:$0x2D80] =	vst v63  }
0x109: {  	s18 =	sadd.s32 $0xFFFFFFFC, s20;
	p5 =	sge.u32 s17, s6;
	s1 =	sshra.s32 @!p0 s21, $0x2  }
0x10a: {  	p4 =	sge.u32 s19, s6;
	s0 =	simm.s32 @!p0 $0x80;
	s1 =	sadd.s32 @!p0 s1, s11  }
0x10b: {  	s2 =	simm.s32 @!p0 $0x2800;
	s1 =	sadd.s32 @!p0 $0x80, s1;
	p0 =	por p0, p0  }
0x10c: {  	[spmem:s3] =	stream.indirect.scatter.add.f32 @!p0 [tilespmem:s2], [sflag:$0x1], $0x1, s1, s0, $0xb8;
	[tilespmem:$0x2D80] =	vst v63  }
0x10d: {  	p3 =	sge.u32 s18, s6;
	s5 =	simm.s32 @!p0 $0x0;
	s0 =	sshra.s32 @!p5 s21, $0x2  }
0x10e: {  	s1 =	simm.s32 @!p5 $0x80;
	s2 =	simm.s32 @!p5 $0x2800;
	s0 =	sadd.s32 @!p5 s0, s11  }
0x10f: {  	s5 =	simm.s32 @p0 $0x1;
	p0 =	por p5, p5;
	s0 =	sadd.s32 @!p5 $0x100, s0  }
0x110: {  	[spmem:s3] =	stream.indirect.scatter.add.f32 @!p0 [tilespmem:s2], [sflag:$0x1], $0x1, s0, s1, $0xb8;
	[tilespmem:$0x2D80] =	vst v63  }
0x111: {  	[smem:$0x7F4] =	sst s5;
	s5 =	simm.s32 @!p0 $0x0;
	s0 =	sshra.s32 @!p3 s21, $0x2  }
0x112: {  	s5 =	simm.s32 @p0 $0x1;
	s1 =	simm.s32 @!p3 $0x2800;
	s0 =	sadd.s32 @!p3 s0, s11  }
0x113: {  	s2 =	simm.s32 @!p3 $0x80;
	p0 =	por p3, p3;
	s0 =	sadd.s32 @!p3 $0x180, s0  }
0x114: {  	[spmem:s3] =	stream.indirect.scatter.add.f32 @!p0 [tilespmem:s1], [sflag:$0x1], $0x1, s0, s2, $0xb8;
	[tilespmem:$0x2D80] =	vst v63  }
0x115: {  	s22 =	sadd.s32 $0xFFFFFFFE, s20;
	s0 =	sshra.s32 @!p4 s21, $0x2  }
0x116: {  	s23 =	sadd.s32 $0xFFFFFFFF, s20;
	p1 =	sge.u32 s22, s6;
	s0 =	sadd.s32 @!p4 s0, s11  }
0x117: {  	s1 =	simm.s32 @!p4 $0x2800;
	s2 =	simm.s32 @!p4 $0x80;
	s0 =	sadd.s32 @!p4 $0x200, s0  }
0x118: {  	[spmem:s3] =	stream.indirect.scatter.add.f32 @!p4 [tilespmem:s1], [sflag:$0x1], $0x1, s0, s2, $0xb8;
	[tilespmem:$0x2D80] =	vst v63  }
0x119: {  	[smem:$0x7F5] =	sst s5;
	s5 =	simm.s32 @!p0 $0x0;
	s0 =	sshra.s32 @!p1 s21, $0x2  }
0x11a: {  	s5 =	simm.s32 @p0 $0x1;
	p0 =	sge.u32 s23, s6;
	s0 =	sadd.s32 @!p1 s0, s11  }
0x11b: {  	s1 =	simm.s32 @!p1 $0x2800;
	s2 =	simm.s32 @!p1 $0x80;
	s0 =	sadd.s32 @!p1 $0x280, s0  }
0x11c: {  	[spmem:s3] =	stream.indirect.scatter.add.f32 @!p1 [tilespmem:s1], [sflag:$0x1], $0x1, s0, s2, $0xb8;
	[tilespmem:$0x2D80] =	vst v63  }
0x11d: {  	p2 =	por p0, p0;
	s0 =	sshra.s32 @!p0 s21, $0x2  }
0x11e: {  	s1 =	simm.s32 @!p2 $0x2800;
	s0 =	sadd.s32 @!p0 s0, s11  }
0x11f: {  	s2 =	simm.s32 @!p2 $0x80;
	s0 =	sadd.s32 @!p0 $0x300, s0;
	p0 =	sge.u32 s20, s6  }
0x120: {  	[spmem:s3] =	stream.indirect.scatter.add.f32 @!p2 [tilespmem:s1], [sflag:$0x1], $0x1, s0, s2, $0xb8;
	[tilespmem:$0x2D80] =	vst v63  }
0x121: {  	s0 =	sshra.s32 @!p0 s21, $0x2  }
0x122: {  	s0 =	sadd.s32 @!p0 s0, s11  }
0x123: {  	s1 =	simm.s32 @!p0 $0x2800;
	s2 =	simm.s32 @!p0 $0x80;
	s0 =	sadd.s32 @!p0 $0x380, s0  }
0x124: {  	[spmem:s3] =	stream.indirect.scatter.add.f32 @!p0 [tilespmem:s1], [sflag:$0x1], $0x1, s0, s2, $0xb8;
	[tilespmem:$0x2D80] =	vst v63  }
0x125: {  	[smem:$0x7F6] =	sst s5;
	s0 =	simm.s32 @!p6 $0x1  }
0x126: {  	_ =	swait.ge @!p6 [sflag:s0], $0x80  }
0x127: {  	s24 =	sld [smem:$0x7F4];
	_ =	sdelay $0x1  }
0x128: {  	[sflag:s0] =	ssyncset.done @!p6 $0x0  }
0x129: {  	[sflag:s0] =	ssyncadd.s32 @!p6 $0xFFFFFF80;
	p6 =	seq.s32 s24, $0x1  }
0x12a: {  	s0 =	simm.s32 @!p6 $0x1  }
0x12b: {  	_ =	swait.ge @!p6 [sflag:s0], $0x80  }
0x12c: {  	s25 =	sld [smem:$0x7F5];
	_ =	sdelay $0x1  }
0x12d: {  	[sflag:s0] =	ssyncset.done @!p6 $0x0  }
0x12e: {  	[sflag:s0] =	ssyncadd.s32 @!p6 $0xFFFFFF80;
	s0 =	simm.s32 @!p5 $0x1;
	p5 =	seq.s32 s25, $0x1  }
0x12f: {  	_ =	swait.ge @!p5 [sflag:s0], $0x80  }
0x130: {  	s26 =	sld [smem:$0x7F6];
	_ =	sdelay $0x1  }
0x131: {  	[sflag:s0] =	ssyncset.done @!p5 $0x0  }
0x132: {  	[sflag:s0] =	ssyncadd.s32 @!p5 $0xFFFFFF80;
	s0 =	simm.s32 @!p3 $0x1;
	p3 =	seq.s32 s26, $0x1  }
0x133: {  	_ =	swait.ge @!p3 [sflag:s0], $0x80  }
0x134: {  	[sflag:s0] =	ssyncset.done @!p3 $0x0  }
0x135: {  	[sflag:s0] =	ssyncadd.s32 @!p3 $0xFFFFFF80;
	s0 =	simm.s32 @!p4 $0x1  }
0x136: {  	_ =	swait.ge @!p4 [sflag:s0], $0x80  }
0x137: {  	[sflag:s0] =	ssyncset.done @!p4 $0x0  }
0x138: {  	[sflag:s0] =	ssyncadd.s32 @!p4 $0xFFFFFF80;
	s0 =	simm.s32 @!p1 $0x1  }
0x139: {  	_ =	swait.ge @!p1 [sflag:s0], $0x80  }
0x13a: {  	[sflag:s0] =	ssyncset.done @!p1 $0x0  }
0x13b: {  	[sflag:s0] =	ssyncadd.s32 @!p1 $0xFFFFFF80;
	s0 =	simm.s32 @!p2 $0x1  }
0x13c: {  	_ =	swait.ge @!p2 [sflag:s0], $0x80  }
0x13d: {  	[sflag:s0] =	ssyncset.done @!p2 $0x0  }
0x13e: {  	[sflag:s0] =	ssyncadd.s32 @!p2 $0xFFFFFF80;
	s0 =	simm.s32 @!p0 $0x1  }
0x13f: {  	_ =	swait.ge @!p0 [sflag:s0], $0x80  }
0x140: {  	[sflag:s0] =	ssyncset.done @!p0 $0x0  }
0x141: {  	[sflag:s0] =	ssyncadd.s32 @!p0 $0xFFFFFF80  }
0x142: {  	[bflag:$0x0] =	sbarrier.arrive $0xFFFF  }
0x143: {  	s1 =	simm.s32 $0x2880;
	s5 =	rddreg [dreg:$0x6]  }
0x144: {  	[tilespmem:s1], [sflag:$0x2] =	stream.linear.gather [spmem:s5], $0x280, $0x38;
	[tilespmem:$0x2D80] =	vst v63  }
0x145: {  	_ =	swait.ge [sflag:s13], $0x280  }
0x146: {  	s29 =	simm.s32 $0x80;
	[sflag:s13] =	ssyncset.done $0x0  }
0x147: {  	s7 =	simm.s32 $0x100;
	s28 =	rddreg [dreg:$0xa];
	[sflag:s13] =	ssyncadd.s32 $0xFFFFFD80  }
0x148: {  	[hbm4b:s28+s29] =	stream.strided.scatter [tilespmem:s1], [sflag:$0x2], $0x280, s7, s29, $0x38;
	[tilespmem:$0x2D80] =	vst v63  }
0x149: {  	_ =	swait.ge [sflag:s13], $0x280  }
0x14a: {  	s30 =	rddreg [dreg:$0xb]  }
0x14b: {  	s31 =	rddreg [dreg:$0x8];
	s2 =	sadd.s32 $0x1, s30  }
0x14c: {  	p0 =	sne.s32 s2, s31  }
.Ltmp2:
0x14d: {  	_ = 	snop;
	(pc) =	sbr.rel @p0 .LBB2_1-.Ltmp2, $3  }
0x14e: {  	_ =	sdelay $0x1  }
0x14f: {  	[sflag:s13] =	ssyncset.done $0x0  }
0x150: {  	[sflag:s13] =	ssyncadd.s32 $0xFFFFFD80  }
0x151: {  	_ =	sfence.sel $0x180000  }
0x152: {  	[bflag:$0x0] =	sbarrier.arrive $0xFFFF  }
0x153: {  	_ =	strace $0x90000047  }
0x154: {  	s0 =	stileid.u32;
	[bflag:$0x2] =	sbarrier.arrive $0xFFFF  }
0x155: {  	p0 =	sne.s32 s0, $0x0;
	s0 =	rddreg [dreg:$0x4]  }
0x156: {  	s0 =	sadd.s32 @!p0 $0x100000, s0  }
0x157: {  	[sflag:s0] =	ssyncadd.tile.s32 @!p0 $0x1;
	_ =	shalt  }
.Lfunc_end2:
_tile_overlayer_lowered:
.L_overlay_start_2:
0x158: {  	(tag) =	ssettag $0x2  }
0x159: {  	s0 =	rddreg [dreg:$0x0];
	s2 =	stileid.u32  }
0x15a: {  	s1 =	rddreg [dreg:$0x1];
	p0 =	sne.s32 s2, $0x0  }
0x15b: {  	s3 =	rddreg [dreg:$0x2];
	[bflag:$0x3] =	sbarrier.arrive $0xFFFF;
	s2 =	simm.s32 @!p0 $0x1C02  }
0x15c: {  	[timem:s3], [sflag:s2] =	dma.local @!p0 [hbm:s0], s1  }
0x15d: {  	s0 =	simm.s32 @!p0 $0x2  }
0x15e: {  	_ =	swait.ge @!p0 [sflag:s0], s1  }
0x15f: {  	s1 =	ssub.s32 @!p0 $0x0, s1;
	[sflag:s0] =	ssyncset.done @!p0 $0x0  }
0x160: {  	[sflag:s0] =	ssyncadd.s32 @!p0 s1  }
0x161: {  	[bflag:$0x3] =	sbarrier.arrive $0xFFFF  }
0x162: {  	_ =	shalt  }

</sc_bundles>
